<compile_context>
chip_gen: v7x
topology: tpu7x:2x2x1
jax: 0.10.2.dev20260603
libtpu: 0.0.44.dev20260713+nightly
codegen_flags: <defaults>
</compile_context>

<pallas_src>
import functools

import jax
import jax.numpy as jnp
from jax import lax
from jax.experimental import pallas as pl
from jax.experimental.pallas import tpu as pltpu
from jax.experimental.pallas import tpu_sc as plsc

N = 10000
NPAD = 10240
E = 320000
D_IN = 128
DH = 64
D_H = 256
DP = 16

NC = 2
NS = 16
NW = NC * NS
C = 125
CHT = E // (NS * C)
CHW = E // (NW * C)
ROWS_PT = NPAD // NS

_MESH = plsc.VectorSubcoreMesh(
    core_axis_name="c", subcore_axis_name="s", num_cores=NC, num_subcores=NS)


@functools.partial(
    pl.kernel,
    out_type=jax.ShapeDtypeStruct((NC, NPAD, DP), jnp.float32),
    mesh=_MESH,
    compiler_params=pltpu.CompilerParams(use_tc_tiling_on_sc=False),
    scratch_types=[
        pltpu.VMEM((CHW, C), jnp.int32),
        pltpu.VMEM((C, DP), jnp.float32),
        pltpu.VMEM_SHARED((NPAD, DP), jnp.float32),
    ] + [pltpu.SemaphoreType.DMA] * 16,
)
def _deg(ei_hbm, ones_hbm, zero_hbm, out_hbm, di_v, ones_v, acc_sh,
         sem0, sem1, sem2, sem3, sem4, sem5, sem6, sem7,
         sem8, sem9, sem10, sem11, sem12, sem13, sem14, sem15):
    c = lax.axis_index("c")
    s = lax.axis_index("s")
    w = c * NS + s
    base = s * ROWS_PT
    pltpu.sync_copy(zero_hbm.at[pl.ds(base, ROWS_PT)],
                    acc_sh.at[pl.ds(base, ROWS_PT)])
    pltpu.sync_copy(ei_hbm.at[1, pl.ds(w * CHW, CHW)], di_v)
    pltpu.sync_copy(ones_hbm, ones_v)
    plsc.subcore_barrier()

    sems = (sem0, sem1, sem2, sem3, sem4, sem5, sem6, sem7,
            sem8, sem9, sem10, sem11, sem12, sem13, sem14, sem15)

    def body(i, carry):
        g = i * 16
        ds = [pltpu.async_copy(ones_v, acc_sh.at[di_v.at[g + k]],
                               sems[k], add=True)
              for k in range(16)]
        for d in ds:
            d.wait()
        return carry

    lax.fori_loop(0, CHW // 16, body, 0)
    plsc.subcore_barrier()
    pltpu.sync_copy(acc_sh.at[pl.ds(base, ROWS_PT)],
                    out_hbm.at[c, pl.ds(base, ROWS_PT)])


@functools.partial(
    pl.kernel,
    out_type=jax.ShapeDtypeStruct((NC, NPAD, DH), jnp.float32),
    mesh=_MESH,
    compiler_params=pltpu.CompilerParams(use_tc_tiling_on_sc=False),
    scratch_types=[
        pltpu.VMEM((CHT, C), jnp.int32),
        pltpu.VMEM((CHT, C), jnp.int32),
    ] + [pltpu.VMEM((C, DH), jnp.float32)] * 5
      + [pltpu.VMEM_SHARED((NPAD, DH), jnp.float32)]
      + [pltpu.SemaphoreType.DMA] * 10,
)
def _agg128(tab_hbm, ei_hbm, zero_hbm, out_hbm,
            si_v, di_v, r0, r1, r2, r3, r4, acc_sh,
            g0, g1, g2, g3, g4, s0, s1, s2, s3, s4):
    c = lax.axis_index("c")
    s = lax.axis_index("s")
    base = s * ROWS_PT
    pltpu.sync_copy(zero_hbm.at[pl.ds(base, ROWS_PT)],
                    acc_sh.at[pl.ds(base, ROWS_PT)])
    pltpu.sync_copy(ei_hbm.at[0, pl.ds(s * CHT, CHT)], si_v)
    pltpu.sync_copy(ei_hbm.at[1, pl.ds(s * CHT, CHT)], di_v)
    plsc.subcore_barrier()

    rows = (r0, r1, r2, r3, r4)
    gsems = (g0, g1, g2, g3, g4)
    ssems = (s0, s1, s2, s3, s4)

    def body(i, carry):
        g = i * 5
        gd = [pltpu.async_copy(tab_hbm.at[c].at[si_v.at[g + k]], rows[k],
                               gsems[k])
              for k in range(5)]
        sd = []
        for k in range(5):
            gd[k].wait()
            sd.append(pltpu.async_copy(rows[k], acc_sh.at[di_v.at[g + k]],
                                       ssems[k], add=True))
        for d in sd:
            d.wait()
        return carry

    lax.fori_loop(0, CHT // 5, body, 0)
    plsc.subcore_barrier()
    pltpu.sync_copy(acc_sh.at[pl.ds(base, ROWS_PT)],
                    out_hbm.at[c, pl.ds(base, ROWS_PT)])


@functools.partial(
    pl.kernel,
    out_type=jax.ShapeDtypeStruct((NC, NPAD, DP), jnp.float32),
    mesh=_MESH,
    compiler_params=pltpu.CompilerParams(use_tc_tiling_on_sc=False),
    scratch_types=[
        pltpu.VMEM((CHW, C), jnp.int32),
        pltpu.VMEM((CHW, C), jnp.int32),
    ] + [pltpu.VMEM((C, DP), jnp.float32)] * 8
      + [pltpu.VMEM_SHARED((NPAD, DP), jnp.float32)]
      + [pltpu.SemaphoreType.DMA] * 16,
)
def _agg16(tab_hbm, ei_hbm, zero_hbm, out_hbm,
           si_v, di_v, r0, r1, r2, r3, r4, r5, r6, r7, acc_sh,
           g0, g1, g2, g3, g4, g5, g6, g7,
           s0, s1, s2, s3, s4, s5, s6, s7):
    c = lax.axis_index("c")
    s = lax.axis_index("s")
    w = c * NS + s
    base = s * ROWS_PT
    pltpu.sync_copy(zero_hbm.at[pl.ds(base, ROWS_PT)],
                    acc_sh.at[pl.ds(base, ROWS_PT)])
    pltpu.sync_copy(ei_hbm.at[0, pl.ds(w * CHW, CHW)], si_v)
    pltpu.sync_copy(ei_hbm.at[1, pl.ds(w * CHW, CHW)], di_v)
    plsc.subcore_barrier()

    rows = (r0, r1, r2, r3, r4, r5, r6, r7)
    gsems = (g0, g1, g2, g3, g4, g5, g6, g7)
    ssems = (s0, s1, s2, s3, s4, s5, s6, s7)

    def body(i, carry):
        g = i * 8
        gd = [pltpu.async_copy(tab_hbm.at[si_v.at[g + k]], rows[k], gsems[k])
              for k in range(8)]
        sd = []
        for k in range(8):
            gd[k].wait()
            sd.append(pltpu.async_copy(rows[k], acc_sh.at[di_v.at[g + k]],
                                       ssems[k], add=True))
        for d in sd:
            d.wait()
        return carry

    lax.fori_loop(0, CHW // 8, body, 0)
    plsc.subcore_barrier()
    pltpu.sync_copy(acc_sh.at[pl.ds(base, ROWS_PT)],
                    out_hbm.at[c, pl.ds(base, ROWS_PT)])


def _tca_body(dp_ref, x_ref, dinv_ref, xs_ref):
    deg = dp_ref[0, :, 0:1] + dp_ref[1, :, 0:1]
    dinv = lax.rsqrt(deg + 1.0)
    dinv_ref[...] = dinv
    v = x_ref[...] * dinv
    xs_ref[0] = v[:, :DH]
    xs_ref[1] = v[:, DH:]


def _tca(degp, xpad):
    return pl.pallas_call(
        _tca_body,
        out_shape=[
            jax.ShapeDtypeStruct((NPAD, 1), jnp.float32),
            jax.ShapeDtypeStruct((NC, NPAD, DH), jnp.float32),
        ],
    )(degp, xpad)


RB = 2560


def _tcu_body(xs_ref, dinv_ref, w1_ref, u_ref):
    dxs = jnp.concatenate([xs_ref[0], xs_ref[1]], axis=1) * dinv_ref[...]
    u_ref[...] = jnp.dot(dxs, w1_ref[...], preferred_element_type=jnp.float32)


def _tcu(xs2, dinv, W1):
    return pl.pallas_call(
        _tcu_body,
        grid=(NPAD // RB,),
        in_specs=[
            pl.BlockSpec((NC, RB, DH), lambda i: (0, i, 0)),
            pl.BlockSpec((RB, 1), lambda i: (i, 0)),
            pl.BlockSpec((D_IN, D_H), lambda i: (0, 0)),
        ],
        out_specs=pl.BlockSpec((RB, D_H), lambda i: (i, 0)),
        out_shape=jax.ShapeDtypeStruct((NPAD, D_H), jnp.float32),
    )(xs2, dinv, W1)


def _tcb_body(s1_ref, u_ref, dinv_ref, w1_ref, b1_ref, w2_ref, ys_ref):
    dinv = dinv_ref[...]
    t = jnp.concatenate([s1_ref[0], s1_ref[1]], axis=1) * dinv
    h = jnp.maximum(
        jnp.dot(t, w1_ref[...], preferred_element_type=jnp.float32)
        + u_ref[...] + b1_ref[...],
        0.0)
    y = jnp.dot(h, w2_ref[...], preferred_element_type=jnp.float32)
    ys_ref[...] = y * dinv


def _tcb(s1p, u, dinv, W1, b1, W2p):
    return pl.pallas_call(
        _tcb_body,
        grid=(NPAD // RB,),
        in_specs=[
            pl.BlockSpec((NC, RB, DH), lambda i: (0, i, 0)),
            pl.BlockSpec((RB, D_H), lambda i: (i, 0)),
            pl.BlockSpec((RB, 1), lambda i: (i, 0)),
            pl.BlockSpec((D_IN, D_H), lambda i: (0, 0)),
            pl.BlockSpec((1, D_H), lambda i: (0, 0)),
            pl.BlockSpec((D_H, DP), lambda i: (0, 0)),
        ],
        out_specs=pl.BlockSpec((RB, DP), lambda i: (i, 0)),
        out_shape=jax.ShapeDtypeStruct((NPAD, DP), jnp.float32),
    )(s1p, u, dinv, W1, b1, W2p)


def _tcc_body(s2p_ref, ys_ref, dinv_ref, b2_ref, out_ref):
    v = ((s2p_ref[0] + s2p_ref[1] + ys_ref[...]) * dinv_ref[...]
         + b2_ref[...])
    out_ref[...] = v[:N, 0:2]


def _tcc(s2p, ys, dinv, b2p):
    return pl.pallas_call(
        _tcc_body,
        out_shape=jax.ShapeDtypeStruct((N, 2), jnp.float32),
    )(s2p, ys, dinv, b2p)


def kernel(x, edge_index, W1, b1, W2, b2):
    ei3 = edge_index.reshape(2, NS * CHT, C)
    xpad = jnp.pad(x, ((0, NPAD - N), (0, 0)))
    z64 = jnp.zeros((NPAD, DH), jnp.float32)
    z16 = jnp.zeros((NPAD, DP), jnp.float32)
    ones16 = jnp.ones((C, DP), jnp.float32)
    W2p = jnp.pad(W2, ((0, 0), (0, DP - W2.shape[1])))
    b1r = b1.reshape(1, D_H)
    b2p = jnp.pad(b2, (0, DP - b2.shape[0])).reshape(1, DP)

    degp = _deg(ei3, ones16, z16)
    dinv, xs2 = _tca(degp, xpad)
    s1p = _agg128(xs2, ei3, z64)
    u = _tcu(xs2, dinv, W1)
    ys = _tcb(s1p, u, dinv, W1, b1r, W2p)
    s2p = _agg16(ys, ei3, z16)
    return _tcc(s2p, ys, dinv, b2p)

# --- scband reference (transcript-rebuilt; emitter-appended) ---
"""Pipeline reference for scband-gcn-16930761081375 (READ-ONLY COPY).

The authoritative reference and input builder live on the scoring server;
editing this copy changes nothing except your own understanding.
"""

import jax, jax.numpy as jnp
import numpy as np

N = 10000
E = 320000
D_IN = 128
D_H = 256
D_OUT = 2


def setup_inputs(seed: int = 0) -> dict:
    key = jax.random.key(seed)
    k1, k2, k3, k4 = jax.random.split(key, 4)
    x = jax.random.normal(k1, (N, D_IN), dtype=jnp.float32)
    edge_index = jax.random.randint(k2, (2, E), 0, N, dtype=jnp.int32)
    W1 = jax.random.normal(k3, (D_IN, D_H), dtype=jnp.float32) * (1.0 / np.sqrt(D_IN))
    b1 = jnp.zeros((D_H,), dtype=jnp.float32)
    W2 = jax.random.normal(k4, (D_H, D_OUT), dtype=jnp.float32) * (1.0 / np.sqrt(D_H))
    b2 = jnp.zeros((D_OUT,), dtype=jnp.float32)
    return {"x": x, "edge_index": edge_index, "W1": W1, "b1": b1, "W2": W2, "b2": b2}


def gcn_conv(x, edge_index, W, b):
    # Faithful GCNConv: add self-loops, symmetric deg^{-1/2} normalization,
    # linear transform, scatter-add aggregation to dst nodes, add bias.
    num_nodes = x.shape[0]
    loop = jnp.arange(num_nodes, dtype=edge_index.dtype)
    src = jnp.concatenate([edge_index[0], loop])
    dst = jnp.concatenate([edge_index[1], loop])
    deg = jnp.zeros((num_nodes,), dtype=x.dtype).at[dst].add(1.0)
    deg_inv_sqrt = jnp.where(deg > 0, 1.0 / jnp.sqrt(jnp.maximum(deg, 1e-12)), 0.0)
    norm = deg_inv_sqrt[src] * deg_inv_sqrt[dst]
    h = x @ W
    msgs = h[src] * norm[:, None]
    out = jnp.zeros((num_nodes, W.shape[1]), dtype=x.dtype).at[dst].add(msgs)
    return out + b


def reference(x, edge_index, W1, b1, W2, b2):
    h = jax.nn.relu(gcn_conv(x, edge_index, W1, b1))
    return gcn_conv(h, edge_index, W2, b2)

if __name__ == "__main__":
    import jax
    _d = setup_inputs()
    print(jax.jit(kernel)(*tuple(_d.values())))

</pallas_src>

<mosaic_0001>
#map = affine_map<(d0, d1) -> (0, 0)>
#map1 = affine_map<(d0, d1) -> (0, 0, 0)>
module attributes {stable_mosaic.version = 14 : i64} {
  func.func @_agg16(%arg0: i32, %arg1: i32, %arg2: memref<10240x16xf32, #tpu.memory_space<hbm>>, %arg3: memref<2x2560x125xi32, #tpu.memory_space<hbm>>, %arg4: memref<10240x16xf32, #tpu.memory_space<hbm>>, %arg5: memref<2x10240x16xf32, #tpu.memory_space<hbm>>, %arg6: memref<80x125xi32, #tpu.memory_space<vmem>>, %arg7: memref<80x125xi32, #tpu.memory_space<vmem>>, %arg8: memref<125x16xf32, #tpu.memory_space<vmem>>, %arg9: memref<125x16xf32, #tpu.memory_space<vmem>>, %arg10: memref<125x16xf32, #tpu.memory_space<vmem>>, %arg11: memref<125x16xf32, #tpu.memory_space<vmem>>, %arg12: memref<125x16xf32, #tpu.memory_space<vmem>>, %arg13: memref<125x16xf32, #tpu.memory_space<vmem>>, %arg14: memref<125x16xf32, #tpu.memory_space<vmem>>, %arg15: memref<125x16xf32, #tpu.memory_space<vmem>>, %arg16: memref<10240x16xf32, #tpu.memory_space<vmem_shared>>, %arg17: memref<!tpu.dma_semaphore, #tpu.memory_space<semaphore_mem>>, %arg18: memref<!tpu.dma_semaphore, #tpu.memory_space<semaphore_mem>>, %arg19: memref<!tpu.dma_semaphore, #tpu.memory_space<semaphore_mem>>, %arg20: memref<!tpu.dma_semaphore, #tpu.memory_space<semaphore_mem>>, %arg21: memref<!tpu.dma_semaphore, #tpu.memory_space<semaphore_mem>>, %arg22: memref<!tpu.dma_semaphore, #tpu.memory_space<semaphore_mem>>, %arg23: memref<!tpu.dma_semaphore, #tpu.memory_space<semaphore_mem>>, %arg24: memref<!tpu.dma_semaphore, #tpu.memory_space<semaphore_mem>>, %arg25: memref<!tpu.dma_semaphore, #tpu.memory_space<semaphore_mem>>, %arg26: memref<!tpu.dma_semaphore, #tpu.memory_space<semaphore_mem>>, %arg27: memref<!tpu.dma_semaphore, #tpu.memory_space<semaphore_mem>>, %arg28: memref<!tpu.dma_semaphore, #tpu.memory_space<semaphore_mem>>, %arg29: memref<!tpu.dma_semaphore, #tpu.memory_space<semaphore_mem>>, %arg30: memref<!tpu.dma_semaphore, #tpu.memory_space<semaphore_mem>>, %arg31: memref<!tpu.dma_semaphore, #tpu.memory_space<semaphore_mem>>, %arg32: memref<!tpu.dma_semaphore, #tpu.memory_space<semaphore_mem>>) attributes {dimension_semantics = [#tpu.dimension_semantics<core_parallel>, #tpu.dimension_semantics<subcore_parallel>], iteration_bounds = array<i64: 2, 16>, scalar_prefetch = 0 : i64, scratch_operands = 27 : i64, tpu.core_type = #tpu.core_type<sc_vector_subcore>, window_params = [{transform_indices = #map}, {transform_indices = #map1}, {transform_indices = #map}, {transform_indices = #map1}]} {
    %mul3A = arith.constant 16 : i32
    %mul3A_0 = arith.muli %arg0, %mul3A : i32
    %add3A = arith.addi %mul3A_0, %arg1 : i32
    %mul3A_1 = arith.constant 640 : i32
    %mul3A_2 = arith.muli %arg1, %mul3A_1 : i32
    "tpu.region"() ({
      %run_scoped3A_14 = tpu.sem_alloc : memref<!tpu.dma_semaphore, #tpu.memory_space<semaphore_mem>>
      %dma_start3A = arith.constant 0 : i32
      %dma_start3A_15 = tpu.memref_slice %arg16[%mul3A_2, %dma_start3A] : memref<10240x16xf32, #tpu.memory_space<vmem_shared>> -> memref<640x16xf32, #tpu.memory_space<vmem_shared>>
      %dma_start3A_16 = arith.constant 0 : i32
      %dma_start3A_17 = tpu.memref_slice %arg4[%mul3A_2, %dma_start3A_16] : memref<10240x16xf32, #tpu.memory_space<hbm>> -> memref<640x16xf32, #tpu.memory_space<hbm>>
      tpu.enqueue_dma source(%dma_start3A_17 : memref<640x16xf32, #tpu.memory_space<hbm>>) target(%dma_start3A_15 : memref<640x16xf32, #tpu.memory_space<vmem_shared>>) target_semaphore(%run_scoped3A_14 : memref<!tpu.dma_semaphore, #tpu.memory_space<semaphore_mem>>)
      %dma_wait3A = arith.constant 0 : i32
      %dma_wait3A_18 = tpu.memref_slice %arg16[%mul3A_2, %dma_wait3A] : memref<10240x16xf32, #tpu.memory_space<vmem_shared>> -> memref<640x16xf32, #tpu.memory_space<vmem_shared>>
      %dma_wait3A_19 = arith.constant 0 : i32
      %dma_wait3A_20 = tpu.memref_slice %arg4[%mul3A_2, %dma_wait3A_19] : memref<10240x16xf32, #tpu.memory_space<hbm>> -> memref<640x16xf32, #tpu.memory_space<hbm>>
      tpu.wait_dma2 semaphore(%run_scoped3A_14 : memref<!tpu.dma_semaphore, #tpu.memory_space<semaphore_mem>>) src(%dma_wait3A_20 : memref<640x16xf32, #tpu.memory_space<hbm>>) dst(%dma_wait3A_18 : memref<640x16xf32, #tpu.memory_space<vmem_shared>>)
      tpu.yield
    }) : () -> ()
    %mul3A_3 = arith.constant 80 : i32
    %mul3A_4 = arith.muli %add3A, %mul3A_3 : i32
    %run_scoped3A = arith.constant 0 : i32
    "tpu.region"() ({
      %run_scoped3A_14 = tpu.sem_alloc : memref<!tpu.dma_semaphore, #tpu.memory_space<semaphore_mem>>
      %dma_start3A = arith.constant 0 : i32
      %dma_start3A_15 = tpu.memref_slice %arg3[%run_scoped3A, %mul3A_4, %dma_start3A] : memref<2x2560x125xi32, #tpu.memory_space<hbm>> -> memref<1x80x125xi32, #tpu.memory_space<hbm>>
      %dma_start3A_16 = tpu.memref_squeeze %dma_start3A_15 : memref<1x80x125xi32, #tpu.memory_space<hbm>> -> memref<80x125xi32, #tpu.memory_space<hbm>>
      %dma_start3A_17 = arith.constant 0 : i32
      %dma_start3A_18 = tpu.memref_slice %arg3[%run_scoped3A, %mul3A_4, %dma_start3A_17] : memref<2x2560x125xi32, #tpu.memory_space<hbm>> -> memref<1x80x125xi32, #tpu.memory_space<hbm>>
      %dma_start3A_19 = tpu.memref_squeeze %dma_start3A_18 : memref<1x80x125xi32, #tpu.memory_space<hbm>> -> memref<80x125xi32, #tpu.memory_space<hbm>>
      tpu.enqueue_dma source(%dma_start3A_19 : memref<80x125xi32, #tpu.memory_space<hbm>>) target(%arg6 : memref<80x125xi32, #tpu.memory_space<vmem>>) target_semaphore(%run_scoped3A_14 : memref<!tpu.dma_semaphore, #tpu.memory_space<semaphore_mem>>)
      %dma_wait3A = arith.constant 0 : i32
      %dma_wait3A_20 = tpu.memref_slice %arg3[%run_scoped3A, %mul3A_4, %dma_wait3A] : memref<2x2560x125xi32, #tpu.memory_space<hbm>> -> memref<1x80x125xi32, #tpu.memory_space<hbm>>
      %dma_wait3A_21 = tpu.memref_squeeze %dma_wait3A_20 : memref<1x80x125xi32, #tpu.memory_space<hbm>> -> memref<80x125xi32, #tpu.memory_space<hbm>>
      %dma_wait3A_22 = arith.constant 0 : i32
      %dma_wait3A_23 = tpu.memref_slice %arg3[%run_scoped3A, %mul3A_4, %dma_wait3A_22] : memref<2x2560x125xi32, #tpu.memory_space<hbm>> -> memref<1x80x125xi32, #tpu.memory_space<hbm>>
      %dma_wait3A_24 = tpu.memref_squeeze %dma_wait3A_23 : memref<1x80x125xi32, #tpu.memory_space<hbm>> -> memref<80x125xi32, #tpu.memory_space<hbm>>
      tpu.wait_dma2 semaphore(%run_scoped3A_14 : memref<!tpu.dma_semaphore, #tpu.memory_space<semaphore_mem>>) src(%dma_wait3A_24 : memref<80x125xi32, #tpu.memory_space<hbm>>) dst(%arg6 : memref<80x125xi32, #tpu.memory_space<vmem>>)
      tpu.yield
    }) : () -> ()
    %mul3A_5 = arith.constant 80 : i32
    %mul3A_6 = arith.muli %add3A, %mul3A_5 : i32
    %run_scoped3A_7 = arith.constant 1 : i32
    "tpu.region"() ({
      %run_scoped3A_14 = tpu.sem_alloc : memref<!tpu.dma_semaphore, #tpu.memory_space<semaphore_mem>>
      %dma_start3A = arith.constant 0 : i32
      %dma_start3A_15 = tpu.memref_slice %arg3[%run_scoped3A_7, %mul3A_6, %dma_start3A] : memref<2x2560x125xi32, #tpu.memory_space<hbm>> -> memref<1x80x125xi32, #tpu.memory_space<hbm>>
      %dma_start3A_16 = tpu.memref_squeeze %dma_start3A_15 : memref<1x80x125xi32, #tpu.memory_space<hbm>> -> memref<80x125xi32, #tpu.memory_space<hbm>>
      %dma_start3A_17 = arith.constant 0 : i32
      %dma_start3A_18 = tpu.memref_slice %arg3[%run_scoped3A_7, %mul3A_6, %dma_start3A_17] : memref<2x2560x125xi32, #tpu.memory_space<hbm>> -> memref<1x80x125xi32, #tpu.memory_space<hbm>>
      %dma_start3A_19 = tpu.memref_squeeze %dma_start3A_18 : memref<1x80x125xi32, #tpu.memory_space<hbm>> -> memref<80x125xi32, #tpu.memory_space<hbm>>
      tpu.enqueue_dma source(%dma_start3A_19 : memref<80x125xi32, #tpu.memory_space<hbm>>) target(%arg7 : memref<80x125xi32, #tpu.memory_space<vmem>>) target_semaphore(%run_scoped3A_14 : memref<!tpu.dma_semaphore, #tpu.memory_space<semaphore_mem>>)
      %dma_wait3A = arith.constant 0 : i32
      %dma_wait3A_20 = tpu.memref_slice %arg3[%run_scoped3A_7, %mul3A_6, %dma_wait3A] : memref<2x2560x125xi32, #tpu.memory_space<hbm>> -> memref<1x80x125xi32, #tpu.memory_space<hbm>>
      %dma_wait3A_21 = tpu.memref_squeeze %dma_wait3A_20 : memref<1x80x125xi32, #tpu.memory_space<hbm>> -> memref<80x125xi32, #tpu.memory_space<hbm>>
      %dma_wait3A_22 = arith.constant 0 : i32
      %dma_wait3A_23 = tpu.memref_slice %arg3[%run_scoped3A_7, %mul3A_6, %dma_wait3A_22] : memref<2x2560x125xi32, #tpu.memory_space<hbm>> -> memref<1x80x125xi32, #tpu.memory_space<hbm>>
      %dma_wait3A_24 = tpu.memref_squeeze %dma_wait3A_23 : memref<1x80x125xi32, #tpu.memory_space<hbm>> -> memref<80x125xi32, #tpu.memory_space<hbm>>
      tpu.wait_dma2 semaphore(%run_scoped3A_14 : memref<!tpu.dma_semaphore, #tpu.memory_space<semaphore_mem>>) src(%dma_wait3A_24 : memref<80x125xi32, #tpu.memory_space<hbm>>) dst(%arg7 : memref<80x125xi32, #tpu.memory_space<vmem>>)
      tpu.yield
    }) : () -> ()
    %barrier3A = arith.constant 0 : index
    tpu.barrier barrier_id(%barrier3A)
    %scan3A = arith.constant 0 : i32
    %scan3A_8 = arith.constant 0 : i32
    %scan3A_9 = arith.constant 10 : i32
    %scan3A_10 = arith.addi %scan3A_8, %scan3A_9 : i32
    %scan3A_11 = arith.constant 1 : i32
    scf.for %scan3A_14 = %scan3A_8 to %scan3A_10 step %scan3A_11  : i32 {
      %mul3A_15 = arith.constant 8 : i32
      %mul3A_16 = arith.muli %scan3A_14, %mul3A_15 : i32
      %add3A_17 = arith.constant 0 : i32
      %add3A_18 = arith.addi %mul3A_16, %add3A_17 : i32
      %dma_start3A = arith.constant 0 : i32
      %dma_start3A_19 = tpu.memref_slice %arg6[%add3A_18, %dma_start3A] : memref<80x125xi32, #tpu.memory_space<vmem>> -> memref<1x125xi32, #tpu.memory_space<vmem>>
      %dma_start3A_20 = tpu.memref_squeeze %dma_start3A_19 : memref<1x125xi32, #tpu.memory_space<vmem>> -> memref<125xi32, #tpu.memory_space<vmem>>
      %dma_start3A_21 = arith.constant 0 : i32
      %dma_start3A_22 = arith.constant 0 : i32
      %dma_start3A_23 = tpu.memref_slice %arg2[%dma_start3A_21, %dma_start3A_22] : memref<10240x16xf32, #tpu.memory_space<hbm>> -> memref<10240x16xf32, #tpu.memory_space<hbm>>
      tpu.enqueue_indirect_dma source(%dma_start3A_23 : memref<10240x16xf32, #tpu.memory_space<hbm>>) target(%arg8 : memref<125x16xf32, #tpu.memory_space<vmem>>) offsets(%dma_start3A_20 : memref<125xi32, #tpu.memory_space<vmem>>) semaphore(%arg17 : memref<!tpu.dma_semaphore, #tpu.memory_space<semaphore_mem>>)
      %add3A_24 = arith.constant 1 : i32
      %add3A_25 = arith.addi %mul3A_16, %add3A_24 : i32
      %dma_start3A_26 = arith.constant 0 : i32
      %dma_start3A_27 = tpu.memref_slice %arg6[%add3A_25, %dma_start3A_26] : memref<80x125xi32, #tpu.memory_space<vmem>> -> memref<1x125xi32, #tpu.memory_space<vmem>>
      %dma_start3A_28 = tpu.memref_squeeze %dma_start3A_27 : memref<1x125xi32, #tpu.memory_space<vmem>> -> memref<125xi32, #tpu.memory_space<vmem>>
      %dma_start3A_29 = arith.constant 0 : i32
      %dma_start3A_30 = arith.constant 0 : i32
      %dma_start3A_31 = tpu.memref_slice %arg2[%dma_start3A_29, %dma_start3A_30] : memref<10240x16xf32, #tpu.memory_space<hbm>> -> memref<10240x16xf32, #tpu.memory_space<hbm>>
      tpu.enqueue_indirect_dma source(%dma_start3A_31 : memref<10240x16xf32, #tpu.memory_space<hbm>>) target(%arg9 : memref<125x16xf32, #tpu.memory_space<vmem>>) offsets(%dma_start3A_28 : memref<125xi32, #tpu.memory_space<vmem>>) semaphore(%arg18 : memref<!tpu.dma_semaphore, #tpu.memory_space<semaphore_mem>>)
      %add3A_32 = arith.constant 2 : i32
      %add3A_33 = arith.addi %mul3A_16, %add3A_32 : i32
      %dma_start3A_34 = arith.constant 0 : i32
      %dma_start3A_35 = tpu.memref_slice %arg6[%add3A_33, %dma_start3A_34] : memref<80x125xi32, #tpu.memory_space<vmem>> -> memref<1x125xi32, #tpu.memory_space<vmem>>
      %dma_start3A_36 = tpu.memref_squeeze %dma_start3A_35 : memref<1x125xi32, #tpu.memory_space<vmem>> -> memref<125xi32, #tpu.memory_space<vmem>>
      %dma_start3A_37 = arith.constant 0 : i32
      %dma_start3A_38 = arith.constant 0 : i32
      %dma_start3A_39 = tpu.memref_slice %arg2[%dma_start3A_37, %dma_start3A_38] : memref<10240x16xf32, #tpu.memory_space<hbm>> -> memref<10240x16xf32, #tpu.memory_space<hbm>>
      tpu.enqueue_indirect_dma source(%dma_start3A_39 : memref<10240x16xf32, #tpu.memory_space<hbm>>) target(%arg10 : memref<125x16xf32, #tpu.memory_space<vmem>>) offsets(%dma_start3A_36 : memref<125xi32, #tpu.memory_space<vmem>>) semaphore(%arg19 : memref<!tpu.dma_semaphore, #tpu.memory_space<semaphore_mem>>)
      %add3A_40 = arith.constant 3 : i32
      %add3A_41 = arith.addi %mul3A_16, %add3A_40 : i32
      %dma_start3A_42 = arith.constant 0 : i32
      %dma_start3A_43 = tpu.memref_slice %arg6[%add3A_41, %dma_start3A_42] : memref<80x125xi32, #tpu.memory_space<vmem>> -> memref<1x125xi32, #tpu.memory_space<vmem>>
      %dma_start3A_44 = tpu.memref_squeeze %dma_start3A_43 : memref<1x125xi32, #tpu.memory_space<vmem>> -> memref<125xi32, #tpu.memory_space<vmem>>
      %dma_start3A_45 = arith.constant 0 : i32
      %dma_start3A_46 = arith.constant 0 : i32
      %dma_start3A_47 = tpu.memref_slice %arg2[%dma_start3A_45, %dma_start3A_46] : memref<10240x16xf32, #tpu.memory_space<hbm>> -> memref<10240x16xf32, #tpu.memory_space<hbm>>
      tpu.enqueue_indirect_dma source(%dma_start3A_47 : memref<10240x16xf32, #tpu.memory_space<hbm>>) target(%arg11 : memref<125x16xf32, #tpu.memory_space<vmem>>) offsets(%dma_start3A_44 : memref<125xi32, #tpu.memory_space<vmem>>) semaphore(%arg20 : memref<!tpu.dma_semaphore, #tpu.memory_space<semaphore_mem>>)
      %add3A_48 = arith.constant 4 : i32
      %add3A_49 = arith.addi %mul3A_16, %add3A_48 : i32
      %dma_start3A_50 = arith.constant 0 : i32
      %dma_start3A_51 = tpu.memref_slice %arg6[%add3A_49, %dma_start3A_50] : memref<80x125xi32, #tpu.memory_space<vmem>> -> memref<1x125xi32, #tpu.memory_space<vmem>>
      %dma_start3A_52 = tpu.memref_squeeze %dma_start3A_51 : memref<1x125xi32, #tpu.memory_space<vmem>> -> memref<125xi32, #tpu.memory_space<vmem>>
      %dma_start3A_53 = arith.constant 0 : i32
      %dma_start3A_54 = arith.constant 0 : i32
      %dma_start3A_55 = tpu.memref_slice %arg2[%dma_start3A_53, %dma_start3A_54] : memref<10240x16xf32, #tpu.memory_space<hbm>> -> memref<10240x16xf32, #tpu.memory_space<hbm>>
      tpu.enqueue_indirect_dma source(%dma_start3A_55 : memref<10240x16xf32, #tpu.memory_space<hbm>>) target(%arg12 : memref<125x16xf32, #tpu.memory_space<vmem>>) offsets(%dma_start3A_52 : memref<125xi32, #tpu.memory_space<vmem>>) semaphore(%arg21 : memref<!tpu.dma_semaphore, #tpu.memory_space<semaphore_mem>>)
      %add3A_56 = arith.constant 5 : i32
      %add3A_57 = arith.addi %mul3A_16, %add3A_56 : i32
      %dma_start3A_58 = arith.constant 0 : i32
      %dma_start3A_59 = tpu.memref_slice %arg6[%add3A_57, %dma_start3A_58] : memref<80x125xi32, #tpu.memory_space<vmem>> -> memref<1x125xi32, #tpu.memory_space<vmem>>
      %dma_start3A_60 = tpu.memref_squeeze %dma_start3A_59 : memref<1x125xi32, #tpu.memory_space<vmem>> -> memref<125xi32, #tpu.memory_space<vmem>>
      %dma_start3A_61 = arith.constant 0 : i32
      %dma_start3A_62 = arith.constant 0 : i32
      %dma_start3A_63 = tpu.memref_slice %arg2[%dma_start3A_61, %dma_start3A_62] : memref<10240x16xf32, #tpu.memory_space<hbm>> -> memref<10240x16xf32, #tpu.memory_space<hbm>>
      tpu.enqueue_indirect_dma source(%dma_start3A_63 : memref<10240x16xf32, #tpu.memory_space<hbm>>) target(%arg13 : memref<125x16xf32, #tpu.memory_space<vmem>>) offsets(%dma_start3A_60 : memref<125xi32, #tpu.memory_space<vmem>>) semaphore(%arg22 : memref<!tpu.dma_semaphore, #tpu.memory_space<semaphore_mem>>)
      %add3A_64 = arith.constant 6 : i32
      %add3A_65 = arith.addi %mul3A_16, %add3A_64 : i32
      %dma_start3A_66 = arith.constant 0 : i32
      %dma_start3A_67 = tpu.memref_slice %arg6[%add3A_65, %dma_start3A_66] : memref<80x125xi32, #tpu.memory_space<vmem>> -> memref<1x125xi32, #tpu.memory_space<vmem>>
      %dma_start3A_68 = tpu.memref_squeeze %dma_start3A_67 : memref<1x125xi32, #tpu.memory_space<vmem>> -> memref<125xi32, #tpu.memory_space<vmem>>
      %dma_start3A_69 = arith.constant 0 : i32
      %dma_start3A_70 = arith.constant 0 : i32
      %dma_start3A_71 = tpu.memref_slice %arg2[%dma_start3A_69, %dma_start3A_70] : memref<10240x16xf32, #tpu.memory_space<hbm>> -> memref<10240x16xf32, #tpu.memory_space<hbm>>
      tpu.enqueue_indirect_dma source(%dma_start3A_71 : memref<10240x16xf32, #tpu.memory_space<hbm>>) target(%arg14 : memref<125x16xf32, #tpu.memory_space<vmem>>) offsets(%dma_start3A_68 : memref<125xi32, #tpu.memory_space<vmem>>) semaphore(%arg23 : memref<!tpu.dma_semaphore, #tpu.memory_space<semaphore_mem>>)
      %add3A_72 = arith.constant 7 : i32
      %add3A_73 = arith.addi %mul3A_16, %add3A_72 : i32
      %dma_start3A_74 = arith.constant 0 : i32
      %dma_start3A_75 = tpu.memref_slice %arg6[%add3A_73, %dma_start3A_74] : memref<80x125xi32, #tpu.memory_space<vmem>> -> memref<1x125xi32, #tpu.memory_space<vmem>>
      %dma_start3A_76 = tpu.memref_squeeze %dma_start3A_75 : memref<1x125xi32, #tpu.memory_space<vmem>> -> memref<125xi32, #tpu.memory_space<vmem>>
      %dma_start3A_77 = arith.constant 0 : i32
      %dma_start3A_78 = arith.constant 0 : i32
      %dma_start3A_79 = tpu.memref_slice %arg2[%dma_start3A_77, %dma_start3A_78] : memref<10240x16xf32, #tpu.memory_space<hbm>> -> memref<10240x16xf32, #tpu.memory_space<hbm>>
      tpu.enqueue_indirect_dma source(%dma_start3A_79 : memref<10240x16xf32, #tpu.memory_space<hbm>>) target(%arg15 : memref<125x16xf32, #tpu.memory_space<vmem>>) offsets(%dma_start3A_76 : memref<125xi32, #tpu.memory_space<vmem>>) semaphore(%arg24 : memref<!tpu.dma_semaphore, #tpu.memory_space<semaphore_mem>>)
      %dma_wait3A = arith.constant 0 : i32
      %dma_wait3A_80 = tpu.memref_slice %arg6[%add3A_18, %dma_wait3A] : memref<80x125xi32, #tpu.memory_space<vmem>> -> memref<1x125xi32, #tpu.memory_space<vmem>>
      %dma_wait3A_81 = tpu.memref_squeeze %dma_wait3A_80 : memref<1x125xi32, #tpu.memory_space<vmem>> -> memref<125xi32, #tpu.memory_space<vmem>>
      %dma_wait3A_82 = arith.constant 0 : i32
      %dma_wait3A_83 = arith.constant 0 : i32
      %dma_wait3A_84 = tpu.memref_slice %arg2[%dma_wait3A_82, %dma_wait3A_83] : memref<10240x16xf32, #tpu.memory_space<hbm>> -> memref<10240x16xf32, #tpu.memory_space<hbm>>
      tpu.wait_indirect_dma semaphore(%arg17 : memref<!tpu.dma_semaphore, #tpu.memory_space<semaphore_mem>>) src(%dma_wait3A_84 : memref<10240x16xf32, #tpu.memory_space<hbm>>) dst(%arg8 : memref<125x16xf32, #tpu.memory_space<vmem>>)
      %add3A_85 = arith.constant 0 : i32
      %add3A_86 = arith.addi %mul3A_16, %add3A_85 : i32
      %dma_start3A_87 = arith.constant 0 : i32
      %dma_start3A_88 = tpu.memref_slice %arg7[%add3A_86, %dma_start3A_87] : memref<80x125xi32, #tpu.memory_space<vmem>> -> memref<1x125xi32, #tpu.memory_space<vmem>>
      %dma_start3A_89 = tpu.memref_squeeze %dma_start3A_88 : memref<1x125xi32, #tpu.memory_space<vmem>> -> memref<125xi32, #tpu.memory_space<vmem>>
      %dma_start3A_90 = arith.constant 0 : i32
      %dma_start3A_91 = arith.constant 0 : i32
      %dma_start3A_92 = tpu.memref_slice %arg16[%dma_start3A_90, %dma_start3A_91] : memref<10240x16xf32, #tpu.memory_space<vmem_shared>> -> memref<10240x16xf32, #tpu.memory_space<vmem_shared>>
      tpu.enqueue_indirect_dma source(%arg8 : memref<125x16xf32, #tpu.memory_space<vmem>>) target(%dma_start3A_92 : memref<10240x16xf32, #tpu.memory_space<vmem_shared>>) offsets(%dma_start3A_89 : memref<125xi32, #tpu.memory_space<vmem>>) semaphore(%arg25 : memref<!tpu.dma_semaphore, #tpu.memory_space<semaphore_mem>>) {add = true}
      %dma_wait3A_93 = arith.constant 0 : i32
      %dma_wait3A_94 = tpu.memref_slice %arg6[%add3A_25, %dma_wait3A_93] : memref<80x125xi32, #tpu.memory_space<vmem>> -> memref<1x125xi32, #tpu.memory_space<vmem>>
      %dma_wait3A_95 = tpu.memref_squeeze %dma_wait3A_94 : memref<1x125xi32, #tpu.memory_space<vmem>> -> memref<125xi32, #tpu.memory_space<vmem>>
      %dma_wait3A_96 = arith.constant 0 : i32
      %dma_wait3A_97 = arith.constant 0 : i32
      %dma_wait3A_98 = tpu.memref_slice %arg2[%dma_wait3A_96, %dma_wait3A_97] : memref<10240x16xf32, #tpu.memory_space<hbm>> -> memref<10240x16xf32, #tpu.memory_space<hbm>>
      tpu.wait_indirect_dma semaphore(%arg18 : memref<!tpu.dma_semaphore, #tpu.memory_space<semaphore_mem>>) src(%dma_wait3A_98 : memref<10240x16xf32, #tpu.memory_space<hbm>>) dst(%arg9 : memref<125x16xf32, #tpu.memory_space<vmem>>)
      %add3A_99 = arith.constant 1 : i32
      %add3A_100 = arith.addi %mul3A_16, %add3A_99 : i32
      %dma_start3A_101 = arith.constant 0 : i32
      %dma_start3A_102 = tpu.memref_slice %arg7[%add3A_100, %dma_start3A_101] : memref<80x125xi32, #tpu.memory_space<vmem>> -> memref<1x125xi32, #tpu.memory_space<vmem>>
      %dma_start3A_103 = tpu.memref_squeeze %dma_start3A_102 : memref<1x125xi32, #tpu.memory_space<vmem>> -> memref<125xi32, #tpu.memory_space<vmem>>
      %dma_start3A_104 = arith.constant 0 : i32
      %dma_start3A_105 = arith.constant 0 : i32
      %dma_start3A_106 = tpu.memref_slice %arg16[%dma_start3A_104, %dma_start3A_105] : memref<10240x16xf32, #tpu.memory_space<vmem_shared>> -> memref<10240x16xf32, #tpu.memory_space<vmem_shared>>
      tpu.enqueue_indirect_dma source(%arg9 : memref<125x16xf32, #tpu.memory_space<vmem>>) target(%dma_start3A_106 : memref<10240x16xf32, #tpu.memory_space<vmem_shared>>) offsets(%dma_start3A_103 : memref<125xi32, #tpu.memory_space<vmem>>) semaphore(%arg26 : memref<!tpu.dma_semaphore, #tpu.memory_space<semaphore_mem>>) {add = true}
      %dma_wait3A_107 = arith.constant 0 : i32
      %dma_wait3A_108 = tpu.memref_slice %arg6[%add3A_33, %dma_wait3A_107] : memref<80x125xi32, #tpu.memory_space<vmem>> -> memref<1x125xi32, #tpu.memory_space<vmem>>
      %dma_wait3A_109 = tpu.memref_squeeze %dma_wait3A_108 : memref<1x125xi32, #tpu.memory_space<vmem>> -> memref<125xi32, #tpu.memory_space<vmem>>
      %dma_wait3A_110 = arith.constant 0 : i32
      %dma_wait3A_111 = arith.constant 0 : i32
      %dma_wait3A_112 = tpu.memref_slice %arg2[%dma_wait3A_110, %dma_wait3A_111] : memref<10240x16xf32, #tpu.memory_space<hbm>> -> memref<10240x16xf32, #tpu.memory_space<hbm>>
      tpu.wait_indirect_dma semaphore(%arg19 : memref<!tpu.dma_semaphore, #tpu.memory_space<semaphore_mem>>) src(%dma_wait3A_112 : memref<10240x16xf32, #tpu.memory_space<hbm>>) dst(%arg10 : memref<125x16xf32, #tpu.memory_space<vmem>>)
      %add3A_113 = arith.constant 2 : i32
      %add3A_114 = arith.addi %mul3A_16, %add3A_113 : i32
      %dma_start3A_115 = arith.constant 0 : i32
      %dma_start3A_116 = tpu.memref_slice %arg7[%add3A_114, %dma_start3A_115] : memref<80x125xi32, #tpu.memory_space<vmem>> -> memref<1x125xi32, #tpu.memory_space<vmem>>
      %dma_start3A_117 = tpu.memref_squeeze %dma_start3A_116 : memref<1x125xi32, #tpu.memory_space<vmem>> -> memref<125xi32, #tpu.memory_space<vmem>>
      %dma_start3A_118 = arith.constant 0 : i32
      %dma_start3A_119 = arith.constant 0 : i32
      %dma_start3A_120 = tpu.memref_slice %arg16[%dma_start3A_118, %dma_start3A_119] : memref<10240x16xf32, #tpu.memory_space<vmem_shared>> -> memref<10240x16xf32, #tpu.memory_space<vmem_shared>>
      tpu.enqueue_indirect_dma source(%arg10 : memref<125x16xf32, #tpu.memory_space<vmem>>) target(%dma_start3A_120 : memref<10240x16xf32, #tpu.memory_space<vmem_shared>>) offsets(%dma_start3A_117 : memref<125xi32, #tpu.memory_space<vmem>>) semaphore(%arg27 : memref<!tpu.dma_semaphore, #tpu.memory_space<semaphore_mem>>) {add = true}
      %dma_wait3A_121 = arith.constant 0 : i32
      %dma_wait3A_122 = tpu.memref_slice %arg6[%add3A_41, %dma_wait3A_121] : memref<80x125xi32, #tpu.memory_space<vmem>> -> memref<1x125xi32, #tpu.memory_space<vmem>>
      %dma_wait3A_123 = tpu.memref_squeeze %dma_wait3A_122 : memref<1x125xi32, #tpu.memory_space<vmem>> -> memref<125xi32, #tpu.memory_space<vmem>>
      %dma_wait3A_124 = arith.constant 0 : i32
      %dma_wait3A_125 = arith.constant 0 : i32
      %dma_wait3A_126 = tpu.memref_slice %arg2[%dma_wait3A_124, %dma_wait3A_125] : memref<10240x16xf32, #tpu.memory_space<hbm>> -> memref<10240x16xf32, #tpu.memory_space<hbm>>
      tpu.wait_indirect_dma semaphore(%arg20 : memref<!tpu.dma_semaphore, #tpu.memory_space<semaphore_mem>>) src(%dma_wait3A_126 : memref<10240x16xf32, #tpu.memory_space<hbm>>) dst(%arg11 : memref<125x16xf32, #tpu.memory_space<vmem>>)
      %add3A_127 = arith.constant 3 : i32
      %add3A_128 = arith.addi %mul3A_16, %add3A_127 : i32
      %dma_start3A_129 = arith.constant 0 : i32
      %dma_start3A_130 = tpu.memref_slice %arg7[%add3A_128, %dma_start3A_129] : memref<80x125xi32, #tpu.memory_space<vmem>> -> memref<1x125xi32, #tpu.memory_space<vmem>>
      %dma_start3A_131 = tpu.memref_squeeze %dma_start3A_130 : memref<1x125xi32, #tpu.memory_space<vmem>> -> memref<125xi32, #tpu.memory_space<vmem>>
      %dma_start3A_132 = arith.constant 0 : i32
      %dma_start3A_133 = arith.constant 0 : i32
      %dma_start3A_134 = tpu.memref_slice %arg16[%dma_start3A_132, %dma_start3A_133] : memref<10240x16xf32, #tpu.memory_space<vmem_shared>> -> memref<10240x16xf32, #tpu.memory_space<vmem_shared>>
      tpu.enqueue_indirect_dma source(%arg11 : memref<125x16xf32, #tpu.memory_space<vmem>>) target(%dma_start3A_134 : memref<10240x16xf32, #tpu.memory_space<vmem_shared>>) offsets(%dma_start3A_131 : memref<125xi32, #tpu.memory_space<vmem>>) semaphore(%arg28 : memref<!tpu.dma_semaphore, #tpu.memory_space<semaphore_mem>>) {add = true}
      %dma_wait3A_135 = arith.constant 0 : i32
      %dma_wait3A_136 = tpu.memref_slice %arg6[%add3A_49, %dma_wait3A_135] : memref<80x125xi32, #tpu.memory_space<vmem>> -> memref<1x125xi32, #tpu.memory_space<vmem>>
      %dma_wait3A_137 = tpu.memref_squeeze %dma_wait3A_136 : memref<1x125xi32, #tpu.memory_space<vmem>> -> memref<125xi32, #tpu.memory_space<vmem>>
      %dma_wait3A_138 = arith.constant 0 : i32
      %dma_wait3A_139 = arith.constant 0 : i32
      %dma_wait3A_140 = tpu.memref_slice %arg2[%dma_wait3A_138, %dma_wait3A_139] : memref<10240x16xf32, #tpu.memory_space<hbm>> -> memref<10240x16xf32, #tpu.memory_space<hbm>>
      tpu.wait_indirect_dma semaphore(%arg21 : memref<!tpu.dma_semaphore, #tpu.memory_space<semaphore_mem>>) src(%dma_wait3A_140 : memref<10240x16xf32, #tpu.memory_space<hbm>>) dst(%arg12 : memref<125x16xf32, #tpu.memory_space<vmem>>)
      %add3A_141 = arith.constant 4 : i32
      %add3A_142 = arith.addi %mul3A_16, %add3A_141 : i32
      %dma_start3A_143 = arith.constant 0 : i32
      %dma_start3A_144 = tpu.memref_slice %arg7[%add3A_142, %dma_start3A_143] : memref<80x125xi32, #tpu.memory_space<vmem>> -> memref<1x125xi32, #tpu.memory_space<vmem>>
      %dma_start3A_145 = tpu.memref_squeeze %dma_start3A_144 : memref<1x125xi32, #tpu.memory_space<vmem>> -> memref<125xi32, #tpu.memory_space<vmem>>
      %dma_start3A_146 = arith.constant 0 : i32
      %dma_start3A_147 = arith.constant 0 : i32
      %dma_start3A_148 = tpu.memref_slice %arg16[%dma_start3A_146, %dma_start3A_147] : memref<10240x16xf32, #tpu.memory_space<vmem_shared>> -> memref<10240x16xf32, #tpu.memory_space<vmem_shared>>
      tpu.enqueue_indirect_dma source(%arg12 : memref<125x16xf32, #tpu.memory_space<vmem>>) target(%dma_start3A_148 : memref<10240x16xf32, #tpu.memory_space<vmem_shared>>) offsets(%dma_start3A_145 : memref<125xi32, #tpu.memory_space<vmem>>) semaphore(%arg29 : memref<!tpu.dma_semaphore, #tpu.memory_space<semaphore_mem>>) {add = true}
      %dma_wait3A_149 = arith.constant 0 : i32
      %dma_wait3A_150 = tpu.memref_slice %arg6[%add3A_57, %dma_wait3A_149] : memref<80x125xi32, #tpu.memory_space<vmem>> -> memref<1x125xi32, #tpu.memory_space<vmem>>
      %dma_wait3A_151 = tpu.memref_squeeze %dma_wait3A_150 : memref<1x125xi32, #tpu.memory_space<vmem>> -> memref<125xi32, #tpu.memory_space<vmem>>
      %dma_wait3A_152 = arith.constant 0 : i32
      %dma_wait3A_153 = arith.constant 0 : i32
      %dma_wait3A_154 = tpu.memref_slice %arg2[%dma_wait3A_152, %dma_wait3A_153] : memref<10240x16xf32, #tpu.memory_space<hbm>> -> memref<10240x16xf32, #tpu.memory_space<hbm>>
      tpu.wait_indirect_dma semaphore(%arg22 : memref<!tpu.dma_semaphore, #tpu.memory_space<semaphore_mem>>) src(%dma_wait3A_154 : memref<10240x16xf32, #tpu.memory_space<hbm>>) dst(%arg13 : memref<125x16xf32, #tpu.memory_space<vmem>>)
      %add3A_155 = arith.constant 5 : i32
      %add3A_156 = arith.addi %mul3A_16, %add3A_155 : i32
      %dma_start3A_157 = arith.constant 0 : i32
      %dma_start3A_158 = tpu.memref_slice %arg7[%add3A_156, %dma_start3A_157] : memref<80x125xi32, #tpu.memory_space<vmem>> -> memref<1x125xi32, #tpu.memory_space<vmem>>
      %dma_start3A_159 = tpu.memref_squeeze %dma_start3A_158 : memref<1x125xi32, #tpu.memory_space<vmem>> -> memref<125xi32, #tpu.memory_space<vmem>>
      %dma_start3A_160 = arith.constant 0 : i32
      %dma_start3A_161 = arith.constant 0 : i32
      %dma_start3A_162 = tpu.memref_slice %arg16[%dma_start3A_160, %dma_start3A_161] : memref<10240x16xf32, #tpu.memory_space<vmem_shared>> -> memref<10240x16xf32, #tpu.memory_space<vmem_shared>>
      tpu.enqueue_indirect_dma source(%arg13 : memref<125x16xf32, #tpu.memory_space<vmem>>) target(%dma_start3A_162 : memref<10240x16xf32, #tpu.memory_space<vmem_shared>>) offsets(%dma_start3A_159 : memref<125xi32, #tpu.memory_space<vmem>>) semaphore(%arg30 : memref<!tpu.dma_semaphore, #tpu.memory_space<semaphore_mem>>) {add = true}
      %dma_wait3A_163 = arith.constant 0 : i32
      %dma_wait3A_164 = tpu.memref_slice %arg6[%add3A_65, %dma_wait3A_163] : memref<80x125xi32, #tpu.memory_space<vmem>> -> memref<1x125xi32, #tpu.memory_space<vmem>>
      %dma_wait3A_165 = tpu.memref_squeeze %dma_wait3A_164 : memref<1x125xi32, #tpu.memory_space<vmem>> -> memref<125xi32, #tpu.memory_space<vmem>>
      %dma_wait3A_166 = arith.constant 0 : i32
      %dma_wait3A_167 = arith.constant 0 : i32
      %dma_wait3A_168 = tpu.memref_slice %arg2[%dma_wait3A_166, %dma_wait3A_167] : memref<10240x16xf32, #tpu.memory_space<hbm>> -> memref<10240x16xf32, #tpu.memory_space<hbm>>
      tpu.wait_indirect_dma semaphore(%arg23 : memref<!tpu.dma_semaphore, #tpu.memory_space<semaphore_mem>>) src(%dma_wait3A_168 : memref<10240x16xf32, #tpu.memory_space<hbm>>) dst(%arg14 : memref<125x16xf32, #tpu.memory_space<vmem>>)
      %add3A_169 = arith.constant 6 : i32
      %add3A_170 = arith.addi %mul3A_16, %add3A_169 : i32
      %dma_start3A_171 = arith.constant 0 : i32
      %dma_start3A_172 = tpu.memref_slice %arg7[%add3A_170, %dma_start3A_171] : memref<80x125xi32, #tpu.memory_space<vmem>> -> memref<1x125xi32, #tpu.memory_space<vmem>>
      %dma_start3A_173 = tpu.memref_squeeze %dma_start3A_172 : memref<1x125xi32, #tpu.memory_space<vmem>> -> memref<125xi32, #tpu.memory_space<vmem>>
      %dma_start3A_174 = arith.constant 0 : i32
      %dma_start3A_175 = arith.constant 0 : i32
      %dma_start3A_176 = tpu.memref_slice %arg16[%dma_start3A_174, %dma_start3A_175] : memref<10240x16xf32, #tpu.memory_space<vmem_shared>> -> memref<10240x16xf32, #tpu.memory_space<vmem_shared>>
      tpu.enqueue_indirect_dma source(%arg14 : memref<125x16xf32, #tpu.memory_space<vmem>>) target(%dma_start3A_176 : memref<10240x16xf32, #tpu.memory_space<vmem_shared>>) offsets(%dma_start3A_173 : memref<125xi32, #tpu.memory_space<vmem>>) semaphore(%arg31 : memref<!tpu.dma_semaphore, #tpu.memory_space<semaphore_mem>>) {add = true}
      %dma_wait3A_177 = arith.constant 0 : i32
      %dma_wait3A_178 = tpu.memref_slice %arg6[%add3A_73, %dma_wait3A_177] : memref<80x125xi32, #tpu.memory_space<vmem>> -> memref<1x125xi32, #tpu.memory_space<vmem>>
      %dma_wait3A_179 = tpu.memref_squeeze %dma_wait3A_178 : memref<1x125xi32, #tpu.memory_space<vmem>> -> memref<125xi32, #tpu.memory_space<vmem>>
      %dma_wait3A_180 = arith.constant 0 : i32
      %dma_wait3A_181 = arith.constant 0 : i32
      %dma_wait3A_182 = tpu.memref_slice %arg2[%dma_wait3A_180, %dma_wait3A_181] : memref<10240x16xf32, #tpu.memory_space<hbm>> -> memref<10240x16xf32, #tpu.memory_space<hbm>>
      tpu.wait_indirect_dma semaphore(%arg24 : memref<!tpu.dma_semaphore, #tpu.memory_space<semaphore_mem>>) src(%dma_wait3A_182 : memref<10240x16xf32, #tpu.memory_space<hbm>>) dst(%arg15 : memref<125x16xf32, #tpu.memory_space<vmem>>)
      %add3A_183 = arith.constant 7 : i32
      %add3A_184 = arith.addi %mul3A_16, %add3A_183 : i32
      %dma_start3A_185 = arith.constant 0 : i32
      %dma_start3A_186 = tpu.memref_slice %arg7[%add3A_184, %dma_start3A_185] : memref<80x125xi32, #tpu.memory_space<vmem>> -> memref<1x125xi32, #tpu.memory_space<vmem>>
      %dma_start3A_187 = tpu.memref_squeeze %dma_start3A_186 : memref<1x125xi32, #tpu.memory_space<vmem>> -> memref<125xi32, #tpu.memory_space<vmem>>
      %dma_start3A_188 = arith.constant 0 : i32
      %dma_start3A_189 = arith.constant 0 : i32
      %dma_start3A_190 = tpu.memref_slice %arg16[%dma_start3A_188, %dma_start3A_189] : memref<10240x16xf32, #tpu.memory_space<vmem_shared>> -> memref<10240x16xf32, #tpu.memory_space<vmem_shared>>
      tpu.enqueue_indirect_dma source(%arg15 : memref<125x16xf32, #tpu.memory_space<vmem>>) target(%dma_start3A_190 : memref<10240x16xf32, #tpu.memory_space<vmem_shared>>) offsets(%dma_start3A_187 : memref<125xi32, #tpu.memory_space<vmem>>) semaphore(%arg32 : memref<!tpu.dma_semaphore, #tpu.memory_space<semaphore_mem>>) {add = true}
      %dma_wait3A_191 = arith.constant 0 : i32
      %dma_wait3A_192 = tpu.memref_slice %arg7[%add3A_86, %dma_wait3A_191] : memref<80x125xi32, #tpu.memory_space<vmem>> -> memref<1x125xi32, #tpu.memory_space<vmem>>
      %dma_wait3A_193 = tpu.memref_squeeze %dma_wait3A_192 : memref<1x125xi32, #tpu.memory_space<vmem>> -> memref<125xi32, #tpu.memory_space<vmem>>
      %dma_wait3A_194 = arith.constant 0 : i32
      %dma_wait3A_195 = arith.constant 0 : i32
      %dma_wait3A_196 = tpu.memref_slice %arg16[%dma_wait3A_194, %dma_wait3A_195] : memref<10240x16xf32, #tpu.memory_space<vmem_shared>> -> memref<10240x16xf32, #tpu.memory_space<vmem_shared>>
      tpu.wait_indirect_dma semaphore(%arg25 : memref<!tpu.dma_semaphore, #tpu.memory_space<semaphore_mem>>) src(%arg8 : memref<125x16xf32, #tpu.memory_space<vmem>>) dst(%dma_wait3A_196 : memref<10240x16xf32, #tpu.memory_space<vmem_shared>>)
      %dma_wait3A_197 = arith.constant 0 : i32
      %dma_wait3A_198 = tpu.memref_slice %arg7[%add3A_100, %dma_wait3A_197] : memref<80x125xi32, #tpu.memory_space<vmem>> -> memref<1x125xi32, #tpu.memory_space<vmem>>
      %dma_wait3A_199 = tpu.memref_squeeze %dma_wait3A_198 : memref<1x125xi32, #tpu.memory_space<vmem>> -> memref<125xi32, #tpu.memory_space<vmem>>
      %dma_wait3A_200 = arith.constant 0 : i32
      %dma_wait3A_201 = arith.constant 0 : i32
      %dma_wait3A_202 = tpu.memref_slice %arg16[%dma_wait3A_200, %dma_wait3A_201] : memref<10240x16xf32, #tpu.memory_space<vmem_shared>> -> memref<10240x16xf32, #tpu.memory_space<vmem_shared>>
      tpu.wait_indirect_dma semaphore(%arg26 : memref<!tpu.dma_semaphore, #tpu.memory_space<semaphore_mem>>) src(%arg9 : memref<125x16xf32, #tpu.memory_space<vmem>>) dst(%dma_wait3A_202 : memref<10240x16xf32, #tpu.memory_space<vmem_shared>>)
      %dma_wait3A_203 = arith.constant 0 : i32
      %dma_wait3A_204 = tpu.memref_slice %arg7[%add3A_114, %dma_wait3A_203] : memref<80x125xi32, #tpu.memory_space<vmem>> -> memref<1x125xi32, #tpu.memory_space<vmem>>
      %dma_wait3A_205 = tpu.memref_squeeze %dma_wait3A_204 : memref<1x125xi32, #tpu.memory_space<vmem>> -> memref<125xi32, #tpu.memory_space<vmem>>
      %dma_wait3A_206 = arith.constant 0 : i32
      %dma_wait3A_207 = arith.constant 0 : i32
      %dma_wait3A_208 = tpu.memref_slice %arg16[%dma_wait3A_206, %dma_wait3A_207] : memref<10240x16xf32, #tpu.memory_space<vmem_shared>> -> memref<10240x16xf32, #tpu.memory_space<vmem_shared>>
      tpu.wait_indirect_dma semaphore(%arg27 : memref<!tpu.dma_semaphore, #tpu.memory_space<semaphore_mem>>) src(%arg10 : memref<125x16xf32, #tpu.memory_space<vmem>>) dst(%dma_wait3A_208 : memref<10240x16xf32, #tpu.memory_space<vmem_shared>>)
      %dma_wait3A_209 = arith.constant 0 : i32
      %dma_wait3A_210 = tpu.memref_slice %arg7[%add3A_128, %dma_wait3A_209] : memref<80x125xi32, #tpu.memory_space<vmem>> -> memref<1x125xi32, #tpu.memory_space<vmem>>
      %dma_wait3A_211 = tpu.memref_squeeze %dma_wait3A_210 : memref<1x125xi32, #tpu.memory_space<vmem>> -> memref<125xi32, #tpu.memory_space<vmem>>
      %dma_wait3A_212 = arith.constant 0 : i32
      %dma_wait3A_213 = arith.constant 0 : i32
      %dma_wait3A_214 = tpu.memref_slice %arg16[%dma_wait3A_212, %dma_wait3A_213] : memref<10240x16xf32, #tpu.memory_space<vmem_shared>> -> memref<10240x16xf32, #tpu.memory_space<vmem_shared>>
      tpu.wait_indirect_dma semaphore(%arg28 : memref<!tpu.dma_semaphore, #tpu.memory_space<semaphore_mem>>) src(%arg11 : memref<125x16xf32, #tpu.memory_space<vmem>>) dst(%dma_wait3A_214 : memref<10240x16xf32, #tpu.memory_space<vmem_shared>>)
      %dma_wait3A_215 = arith.constant 0 : i32
      %dma_wait3A_216 = tpu.memref_slice %arg7[%add3A_142, %dma_wait3A_215] : memref<80x125xi32, #tpu.memory_space<vmem>> -> memref<1x125xi32, #tpu.memory_space<vmem>>
      %dma_wait3A_217 = tpu.memref_squeeze %dma_wait3A_216 : memref<1x125xi32, #tpu.memory_space<vmem>> -> memref<125xi32, #tpu.memory_space<vmem>>
      %dma_wait3A_218 = arith.constant 0 : i32
      %dma_wait3A_219 = arith.constant 0 : i32
      %dma_wait3A_220 = tpu.memref_slice %arg16[%dma_wait3A_218, %dma_wait3A_219] : memref<10240x16xf32, #tpu.memory_space<vmem_shared>> -> memref<10240x16xf32, #tpu.memory_space<vmem_shared>>
      tpu.wait_indirect_dma semaphore(%arg29 : memref<!tpu.dma_semaphore, #tpu.memory_space<semaphore_mem>>) src(%arg12 : memref<125x16xf32, #tpu.memory_space<vmem>>) dst(%dma_wait3A_220 : memref<10240x16xf32, #tpu.memory_space<vmem_shared>>)
      %dma_wait3A_221 = arith.constant 0 : i32
      %dma_wait3A_222 = tpu.memref_slice %arg7[%add3A_156, %dma_wait3A_221] : memref<80x125xi32, #tpu.memory_space<vmem>> -> memref<1x125xi32, #tpu.memory_space<vmem>>
      %dma_wait3A_223 = tpu.memref_squeeze %dma_wait3A_222 : memref<1x125xi32, #tpu.memory_space<vmem>> -> memref<125xi32, #tpu.memory_space<vmem>>
      %dma_wait3A_224 = arith.constant 0 : i32
      %dma_wait3A_225 = arith.constant 0 : i32
      %dma_wait3A_226 = tpu.memref_slice %arg16[%dma_wait3A_224, %dma_wait3A_225] : memref<10240x16xf32, #tpu.memory_space<vmem_shared>> -> memref<10240x16xf32, #tpu.memory_space<vmem_shared>>
      tpu.wait_indirect_dma semaphore(%arg30 : memref<!tpu.dma_semaphore, #tpu.memory_space<semaphore_mem>>) src(%arg13 : memref<125x16xf32, #tpu.memory_space<vmem>>) dst(%dma_wait3A_226 : memref<10240x16xf32, #tpu.memory_space<vmem_shared>>)
      %dma_wait3A_227 = arith.constant 0 : i32
      %dma_wait3A_228 = tpu.memref_slice %arg7[%add3A_170, %dma_wait3A_227] : memref<80x125xi32, #tpu.memory_space<vmem>> -> memref<1x125xi32, #tpu.memory_space<vmem>>
      %dma_wait3A_229 = tpu.memref_squeeze %dma_wait3A_228 : memref<1x125xi32, #tpu.memory_space<vmem>> -> memref<125xi32, #tpu.memory_space<vmem>>
      %dma_wait3A_230 = arith.constant 0 : i32
      %dma_wait3A_231 = arith.constant 0 : i32
      %dma_wait3A_232 = tpu.memref_slice %arg16[%dma_wait3A_230, %dma_wait3A_231] : memref<10240x16xf32, #tpu.memory_space<vmem_shared>> -> memref<10240x16xf32, #tpu.memory_space<vmem_shared>>
      tpu.wait_indirect_dma semaphore(%arg31 : memref<!tpu.dma_semaphore, #tpu.memory_space<semaphore_mem>>) src(%arg14 : memref<125x16xf32, #tpu.memory_space<vmem>>) dst(%dma_wait3A_232 : memref<10240x16xf32, #tpu.memory_space<vmem_shared>>)
      %dma_wait3A_233 = arith.constant 0 : i32
      %dma_wait3A_234 = tpu.memref_slice %arg7[%add3A_184, %dma_wait3A_233] : memref<80x125xi32, #tpu.memory_space<vmem>> -> memref<1x125xi32, #tpu.memory_space<vmem>>
      %dma_wait3A_235 = tpu.memref_squeeze %dma_wait3A_234 : memref<1x125xi32, #tpu.memory_space<vmem>> -> memref<125xi32, #tpu.memory_space<vmem>>
      %dma_wait3A_236 = arith.constant 0 : i32
      %dma_wait3A_237 = arith.constant 0 : i32
      %dma_wait3A_238 = tpu.memref_slice %arg16[%dma_wait3A_236, %dma_wait3A_237] : memref<10240x16xf32, #tpu.memory_space<vmem_shared>> -> memref<10240x16xf32, #tpu.memory_space<vmem_shared>>
      tpu.wait_indirect_dma semaphore(%arg32 : memref<!tpu.dma_semaphore, #tpu.memory_space<semaphore_mem>>) src(%arg15 : memref<125x16xf32, #tpu.memory_space<vmem>>) dst(%dma_wait3A_238 : memref<10240x16xf32, #tpu.memory_space<vmem_shared>>)
    }
    %scan3A_12 = arith.constant 10 : i32
    %barrier3A_13 = arith.constant 0 : index
    tpu.barrier barrier_id(%barrier3A_13)
    "tpu.region"() ({
      %run_scoped3A_14 = tpu.sem_alloc : memref<!tpu.dma_semaphore, #tpu.memory_space<semaphore_mem>>
      %dma_start3A = arith.constant 0 : i32
      %dma_start3A_15 = tpu.memref_slice %arg5[%arg0, %mul3A_2, %dma_start3A] : memref<2x10240x16xf32, #tpu.memory_space<hbm>> -> memref<1x640x16xf32, #tpu.memory_space<hbm>>
      %dma_start3A_16 = tpu.memref_squeeze %dma_start3A_15 : memref<1x640x16xf32, #tpu.memory_space<hbm>> -> memref<640x16xf32, #tpu.memory_space<hbm>>
      %dma_start3A_17 = arith.constant 0 : i32
      %dma_start3A_18 = tpu.memref_slice %arg16[%mul3A_2, %dma_start3A_17] : memref<10240x16xf32, #tpu.memory_space<vmem_shared>> -> memref<640x16xf32, #tpu.memory_space<vmem_shared>>
      tpu.enqueue_dma source(%dma_start3A_18 : memref<640x16xf32, #tpu.memory_space<vmem_shared>>) target(%dma_start3A_16 : memref<640x16xf32, #tpu.memory_space<hbm>>) target_semaphore(%run_scoped3A_14 : memref<!tpu.dma_semaphore, #tpu.memory_space<semaphore_mem>>)
      %dma_wait3A = arith.constant 0 : i32
      %dma_wait3A_19 = tpu.memref_slice %arg5[%arg0, %mul3A_2, %dma_wait3A] : memref<2x10240x16xf32, #tpu.memory_space<hbm>> -> memref<1x640x16xf32, #tpu.memory_space<hbm>>
      %dma_wait3A_20 = tpu.memref_squeeze %dma_wait3A_19 : memref<1x640x16xf32, #tpu.memory_space<hbm>> -> memref<640x16xf32, #tpu.memory_space<hbm>>
      %dma_wait3A_21 = arith.constant 0 : i32
      %dma_wait3A_22 = tpu.memref_slice %arg16[%mul3A_2, %dma_wait3A_21] : memref<10240x16xf32, #tpu.memory_space<vmem_shared>> -> memref<640x16xf32, #tpu.memory_space<vmem_shared>>
      tpu.wait_dma2 semaphore(%run_scoped3A_14 : memref<!tpu.dma_semaphore, #tpu.memory_space<semaphore_mem>>) src(%dma_wait3A_22 : memref<640x16xf32, #tpu.memory_space<vmem_shared>>) dst(%dma_wait3A_20 : memref<640x16xf32, #tpu.memory_space<hbm>>)
      tpu.yield
    }) : () -> ()
    return
  }
}

#map = affine_map<(d0, d1) -> (0, 0, 0)>
#map1 = affine_map<(d0, d1) -> (0, 0)>
module attributes {stable_mosaic.version = 14 : i64} {
  func.func @_deg(%arg0: i32, %arg1: i32, %arg2: memref<2x2560x125xi32, #tpu.memory_space<hbm>>, %arg3: memref<125x16xf32, #tpu.memory_space<hbm>>, %arg4: memref<10240x16xf32, #tpu.memory_space<hbm>>, %arg5: memref<2x10240x16xf32, #tpu.memory_space<hbm>>, %arg6: memref<80x125xi32, #tpu.memory_space<vmem>>, %arg7: memref<125x16xf32, #tpu.memory_space<vmem>>, %arg8: memref<10240x16xf32, #tpu.memory_space<vmem_shared>>, %arg9: memref<!tpu.dma_semaphore, #tpu.memory_space<semaphore_mem>>, %arg10: memref<!tpu.dma_semaphore, #tpu.memory_space<semaphore_mem>>, %arg11: memref<!tpu.dma_semaphore, #tpu.memory_space<semaphore_mem>>, %arg12: memref<!tpu.dma_semaphore, #tpu.memory_space<semaphore_mem>>, %arg13: memref<!tpu.dma_semaphore, #tpu.memory_space<semaphore_mem>>, %arg14: memref<!tpu.dma_semaphore, #tpu.memory_space<semaphore_mem>>, %arg15: memref<!tpu.dma_semaphore, #tpu.memory_space<semaphore_mem>>, %arg16: memref<!tpu.dma_semaphore, #tpu.memory_space<semaphore_mem>>, %arg17: memref<!tpu.dma_semaphore, #tpu.memory_space<semaphore_mem>>, %arg18: memref<!tpu.dma_semaphore, #tpu.memory_space<semaphore_mem>>, %arg19: memref<!tpu.dma_semaphore, #tpu.memory_space<semaphore_mem>>, %arg20: memref<!tpu.dma_semaphore, #tpu.memory_space<semaphore_mem>>, %arg21: memref<!tpu.dma_semaphore, #tpu.memory_space<semaphore_mem>>, %arg22: memref<!tpu.dma_semaphore, #tpu.memory_space<semaphore_mem>>, %arg23: memref<!tpu.dma_semaphore, #tpu.memory_space<semaphore_mem>>, %arg24: memref<!tpu.dma_semaphore, #tpu.memory_space<semaphore_mem>>) attributes {dimension_semantics = [#tpu.dimension_semantics<core_parallel>, #tpu.dimension_semantics<subcore_parallel>], iteration_bounds = array<i64: 2, 16>, scalar_prefetch = 0 : i64, scratch_operands = 19 : i64, tpu.core_type = #tpu.core_type<sc_vector_subcore>, window_params = [{transform_indices = #map}, {transform_indices = #map1}, {transform_indices = #map1}, {transform_indices = #map}]} {
    %mul3A = arith.constant 16 : i32
    %mul3A_0 = arith.muli %arg0, %mul3A : i32
    %add3A = arith.addi %mul3A_0, %arg1 : i32
    %mul3A_1 = arith.constant 640 : i32
    %mul3A_2 = arith.muli %arg1, %mul3A_1 : i32
    "tpu.region"() ({
      %run_scoped3A_11 = tpu.sem_alloc : memref<!tpu.dma_semaphore, #tpu.memory_space<semaphore_mem>>
      %dma_start3A = arith.constant 0 : i32
      %dma_start3A_12 = tpu.memref_slice %arg8[%mul3A_2, %dma_start3A] : memref<10240x16xf32, #tpu.memory_space<vmem_shared>> -> memref<640x16xf32, #tpu.memory_space<vmem_shared>>
      %dma_start3A_13 = arith.constant 0 : i32
      %dma_start3A_14 = tpu.memref_slice %arg4[%mul3A_2, %dma_start3A_13] : memref<10240x16xf32, #tpu.memory_space<hbm>> -> memref<640x16xf32, #tpu.memory_space<hbm>>
      tpu.enqueue_dma source(%dma_start3A_14 : memref<640x16xf32, #tpu.memory_space<hbm>>) target(%dma_start3A_12 : memref<640x16xf32, #tpu.memory_space<vmem_shared>>) target_semaphore(%run_scoped3A_11 : memref<!tpu.dma_semaphore, #tpu.memory_space<semaphore_mem>>)
      %dma_wait3A = arith.constant 0 : i32
      %dma_wait3A_15 = tpu.memref_slice %arg8[%mul3A_2, %dma_wait3A] : memref<10240x16xf32, #tpu.memory_space<vmem_shared>> -> memref<640x16xf32, #tpu.memory_space<vmem_shared>>
      %dma_wait3A_16 = arith.constant 0 : i32
      %dma_wait3A_17 = tpu.memref_slice %arg4[%mul3A_2, %dma_wait3A_16] : memref<10240x16xf32, #tpu.memory_space<hbm>> -> memref<640x16xf32, #tpu.memory_space<hbm>>
      tpu.wait_dma2 semaphore(%run_scoped3A_11 : memref<!tpu.dma_semaphore, #tpu.memory_space<semaphore_mem>>) src(%dma_wait3A_17 : memref<640x16xf32, #tpu.memory_space<hbm>>) dst(%dma_wait3A_15 : memref<640x16xf32, #tpu.memory_space<vmem_shared>>)
      tpu.yield
    }) : () -> ()
    %mul3A_3 = arith.constant 80 : i32
    %mul3A_4 = arith.muli %add3A, %mul3A_3 : i32
    %run_scoped3A = arith.constant 1 : i32
    "tpu.region"() ({
      %run_scoped3A_11 = tpu.sem_alloc : memref<!tpu.dma_semaphore, #tpu.memory_space<semaphore_mem>>
      %dma_start3A = arith.constant 0 : i32
      %dma_start3A_12 = tpu.memref_slice %arg2[%run_scoped3A, %mul3A_4, %dma_start3A] : memref<2x2560x125xi32, #tpu.memory_space<hbm>> -> memref<1x80x125xi32, #tpu.memory_space<hbm>>
      %dma_start3A_13 = tpu.memref_squeeze %dma_start3A_12 : memref<1x80x125xi32, #tpu.memory_space<hbm>> -> memref<80x125xi32, #tpu.memory_space<hbm>>
      %dma_start3A_14 = arith.constant 0 : i32
      %dma_start3A_15 = tpu.memref_slice %arg2[%run_scoped3A, %mul3A_4, %dma_start3A_14] : memref<2x2560x125xi32, #tpu.memory_space<hbm>> -> memref<1x80x125xi32, #tpu.memory_space<hbm>>
      %dma_start3A_16 = tpu.memref_squeeze %dma_start3A_15 : memref<1x80x125xi32, #tpu.memory_space<hbm>> -> memref<80x125xi32, #tpu.memory_space<hbm>>
      tpu.enqueue_dma source(%dma_start3A_16 : memref<80x125xi32, #tpu.memory_space<hbm>>) target(%arg6 : memref<80x125xi32, #tpu.memory_space<vmem>>) target_semaphore(%run_scoped3A_11 : memref<!tpu.dma_semaphore, #tpu.memory_space<semaphore_mem>>)
      %dma_wait3A = arith.constant 0 : i32
      %dma_wait3A_17 = tpu.memref_slice %arg2[%run_scoped3A, %mul3A_4, %dma_wait3A] : memref<2x2560x125xi32, #tpu.memory_space<hbm>> -> memref<1x80x125xi32, #tpu.memory_space<hbm>>
      %dma_wait3A_18 = tpu.memref_squeeze %dma_wait3A_17 : memref<1x80x125xi32, #tpu.memory_space<hbm>> -> memref<80x125xi32, #tpu.memory_space<hbm>>
      %dma_wait3A_19 = arith.constant 0 : i32
      %dma_wait3A_20 = tpu.memref_slice %arg2[%run_scoped3A, %mul3A_4, %dma_wait3A_19] : memref<2x2560x125xi32, #tpu.memory_space<hbm>> -> memref<1x80x125xi32, #tpu.memory_space<hbm>>
      %dma_wait3A_21 = tpu.memref_squeeze %dma_wait3A_20 : memref<1x80x125xi32, #tpu.memory_space<hbm>> -> memref<80x125xi32, #tpu.memory_space<hbm>>
      tpu.wait_dma2 semaphore(%run_scoped3A_11 : memref<!tpu.dma_semaphore, #tpu.memory_space<semaphore_mem>>) src(%dma_wait3A_21 : memref<80x125xi32, #tpu.memory_space<hbm>>) dst(%arg6 : memref<80x125xi32, #tpu.memory_space<vmem>>)
      tpu.yield
    }) : () -> ()
    "tpu.region"() ({
      %run_scoped3A_11 = tpu.sem_alloc : memref<!tpu.dma_semaphore, #tpu.memory_space<semaphore_mem>>
      tpu.enqueue_dma source(%arg3 : memref<125x16xf32, #tpu.memory_space<hbm>>) target(%arg7 : memref<125x16xf32, #tpu.memory_space<vmem>>) target_semaphore(%run_scoped3A_11 : memref<!tpu.dma_semaphore, #tpu.memory_space<semaphore_mem>>)
      tpu.wait_dma2 semaphore(%run_scoped3A_11 : memref<!tpu.dma_semaphore, #tpu.memory_space<semaphore_mem>>) src(%arg3 : memref<125x16xf32, #tpu.memory_space<hbm>>) dst(%arg7 : memref<125x16xf32, #tpu.memory_space<vmem>>)
      tpu.yield
    }) : () -> ()
    %barrier3A = arith.constant 0 : index
    tpu.barrier barrier_id(%barrier3A)
    %scan3A = arith.constant 0 : i32
    %scan3A_5 = arith.constant 0 : i32
    %scan3A_6 = arith.constant 5 : i32
    %scan3A_7 = arith.addi %scan3A_5, %scan3A_6 : i32
    %scan3A_8 = arith.constant 1 : i32
    scf.for %scan3A_11 = %scan3A_5 to %scan3A_7 step %scan3A_8  : i32 {
      %mul3A_12 = arith.constant 16 : i32
      %mul3A_13 = arith.muli %scan3A_11, %mul3A_12 : i32
      %add3A_14 = arith.constant 0 : i32
      %add3A_15 = arith.addi %mul3A_13, %add3A_14 : i32
      %dma_start3A = arith.constant 0 : i32
      %dma_start3A_16 = tpu.memref_slice %arg6[%add3A_15, %dma_start3A] : memref<80x125xi32, #tpu.memory_space<vmem>> -> memref<1x125xi32, #tpu.memory_space<vmem>>
      %dma_start3A_17 = tpu.memref_squeeze %dma_start3A_16 : memref<1x125xi32, #tpu.memory_space<vmem>> -> memref<125xi32, #tpu.memory_space<vmem>>
      %dma_start3A_18 = arith.constant 0 : i32
      %dma_start3A_19 = arith.constant 0 : i32
      %dma_start3A_20 = tpu.memref_slice %arg8[%dma_start3A_18, %dma_start3A_19] : memref<10240x16xf32, #tpu.memory_space<vmem_shared>> -> memref<10240x16xf32, #tpu.memory_space<vmem_shared>>
      tpu.enqueue_indirect_dma source(%arg7 : memref<125x16xf32, #tpu.memory_space<vmem>>) target(%dma_start3A_20 : memref<10240x16xf32, #tpu.memory_space<vmem_shared>>) offsets(%dma_start3A_17 : memref<125xi32, #tpu.memory_space<vmem>>) semaphore(%arg9 : memref<!tpu.dma_semaphore, #tpu.memory_space<semaphore_mem>>) {add = true}
      %add3A_21 = arith.constant 1 : i32
      %add3A_22 = arith.addi %mul3A_13, %add3A_21 : i32
      %dma_start3A_23 = arith.constant 0 : i32
      %dma_start3A_24 = tpu.memref_slice %arg6[%add3A_22, %dma_start3A_23] : memref<80x125xi32, #tpu.memory_space<vmem>> -> memref<1x125xi32, #tpu.memory_space<vmem>>
      %dma_start3A_25 = tpu.memref_squeeze %dma_start3A_24 : memref<1x125xi32, #tpu.memory_space<vmem>> -> memref<125xi32, #tpu.memory_space<vmem>>
      %dma_start3A_26 = arith.constant 0 : i32
      %dma_start3A_27 = arith.constant 0 : i32
      %dma_start3A_28 = tpu.memref_slice %arg8[%dma_start3A_26, %dma_start3A_27] : memref<10240x16xf32, #tpu.memory_space<vmem_shared>> -> memref<10240x16xf32, #tpu.memory_space<vmem_shared>>
      tpu.enqueue_indirect_dma source(%arg7 : memref<125x16xf32, #tpu.memory_space<vmem>>) target(%dma_start3A_28 : memref<10240x16xf32, #tpu.memory_space<vmem_shared>>) offsets(%dma_start3A_25 : memref<125xi32, #tpu.memory_space<vmem>>) semaphore(%arg10 : memref<!tpu.dma_semaphore, #tpu.memory_space<semaphore_mem>>) {add = true}
      %add3A_29 = arith.constant 2 : i32
      %add3A_30 = arith.addi %mul3A_13, %add3A_29 : i32
      %dma_start3A_31 = arith.constant 0 : i32
      %dma_start3A_32 = tpu.memref_slice %arg6[%add3A_30, %dma_start3A_31] : memref<80x125xi32, #tpu.memory_space<vmem>> -> memref<1x125xi32, #tpu.memory_space<vmem>>
      %dma_start3A_33 = tpu.memref_squeeze %dma_start3A_32 : memref<1x125xi32, #tpu.memory_space<vmem>> -> memref<125xi32, #tpu.memory_space<vmem>>
      %dma_start3A_34 = arith.constant 0 : i32
      %dma_start3A_35 = arith.constant 0 : i32
      %dma_start3A_36 = tpu.memref_slice %arg8[%dma_start3A_34, %dma_start3A_35] : memref<10240x16xf32, #tpu.memory_space<vmem_shared>> -> memref<10240x16xf32, #tpu.memory_space<vmem_shared>>
      tpu.enqueue_indirect_dma source(%arg7 : memref<125x16xf32, #tpu.memory_space<vmem>>) target(%dma_start3A_36 : memref<10240x16xf32, #tpu.memory_space<vmem_shared>>) offsets(%dma_start3A_33 : memref<125xi32, #tpu.memory_space<vmem>>) semaphore(%arg11 : memref<!tpu.dma_semaphore, #tpu.memory_space<semaphore_mem>>) {add = true}
      %add3A_37 = arith.constant 3 : i32
      %add3A_38 = arith.addi %mul3A_13, %add3A_37 : i32
      %dma_start3A_39 = arith.constant 0 : i32
      %dma_start3A_40 = tpu.memref_slice %arg6[%add3A_38, %dma_start3A_39] : memref<80x125xi32, #tpu.memory_space<vmem>> -> memref<1x125xi32, #tpu.memory_space<vmem>>
      %dma_start3A_41 = tpu.memref_squeeze %dma_start3A_40 : memref<1x125xi32, #tpu.memory_space<vmem>> -> memref<125xi32, #tpu.memory_space<vmem>>
      %dma_start3A_42 = arith.constant 0 : i32
      %dma_start3A_43 = arith.constant 0 : i32
      %dma_start3A_44 = tpu.memref_slice %arg8[%dma_start3A_42, %dma_start3A_43] : memref<10240x16xf32, #tpu.memory_space<vmem_shared>> -> memref<10240x16xf32, #tpu.memory_space<vmem_shared>>
      tpu.enqueue_indirect_dma source(%arg7 : memref<125x16xf32, #tpu.memory_space<vmem>>) target(%dma_start3A_44 : memref<10240x16xf32, #tpu.memory_space<vmem_shared>>) offsets(%dma_start3A_41 : memref<125xi32, #tpu.memory_space<vmem>>) semaphore(%arg12 : memref<!tpu.dma_semaphore, #tpu.memory_space<semaphore_mem>>) {add = true}
      %add3A_45 = arith.constant 4 : i32
      %add3A_46 = arith.addi %mul3A_13, %add3A_45 : i32
      %dma_start3A_47 = arith.constant 0 : i32
      %dma_start3A_48 = tpu.memref_slice %arg6[%add3A_46, %dma_start3A_47] : memref<80x125xi32, #tpu.memory_space<vmem>> -> memref<1x125xi32, #tpu.memory_space<vmem>>
      %dma_start3A_49 = tpu.memref_squeeze %dma_start3A_48 : memref<1x125xi32, #tpu.memory_space<vmem>> -> memref<125xi32, #tpu.memory_space<vmem>>
      %dma_start3A_50 = arith.constant 0 : i32
      %dma_start3A_51 = arith.constant 0 : i32
      %dma_start3A_52 = tpu.memref_slice %arg8[%dma_start3A_50, %dma_start3A_51] : memref<10240x16xf32, #tpu.memory_space<vmem_shared>> -> memref<10240x16xf32, #tpu.memory_space<vmem_shared>>
      tpu.enqueue_indirect_dma source(%arg7 : memref<125x16xf32, #tpu.memory_space<vmem>>) target(%dma_start3A_52 : memref<10240x16xf32, #tpu.memory_space<vmem_shared>>) offsets(%dma_start3A_49 : memref<125xi32, #tpu.memory_space<vmem>>) semaphore(%arg13 : memref<!tpu.dma_semaphore, #tpu.memory_space<semaphore_mem>>) {add = true}
      %add3A_53 = arith.constant 5 : i32
      %add3A_54 = arith.addi %mul3A_13, %add3A_53 : i32
      %dma_start3A_55 = arith.constant 0 : i32
      %dma_start3A_56 = tpu.memref_slice %arg6[%add3A_54, %dma_start3A_55] : memref<80x125xi32, #tpu.memory_space<vmem>> -> memref<1x125xi32, #tpu.memory_space<vmem>>
      %dma_start3A_57 = tpu.memref_squeeze %dma_start3A_56 : memref<1x125xi32, #tpu.memory_space<vmem>> -> memref<125xi32, #tpu.memory_space<vmem>>
      %dma_start3A_58 = arith.constant 0 : i32
      %dma_start3A_59 = arith.constant 0 : i32
      %dma_start3A_60 = tpu.memref_slice %arg8[%dma_start3A_58, %dma_start3A_59] : memref<10240x16xf32, #tpu.memory_space<vmem_shared>> -> memref<10240x16xf32, #tpu.memory_space<vmem_shared>>
      tpu.enqueue_indirect_dma source(%arg7 : memref<125x16xf32, #tpu.memory_space<vmem>>) target(%dma_start3A_60 : memref<10240x16xf32, #tpu.memory_space<vmem_shared>>) offsets(%dma_start3A_57 : memref<125xi32, #tpu.memory_space<vmem>>) semaphore(%arg14 : memref<!tpu.dma_semaphore, #tpu.memory_space<semaphore_mem>>) {add = true}
      %add3A_61 = arith.constant 6 : i32
      %add3A_62 = arith.addi %mul3A_13, %add3A_61 : i32
      %dma_start3A_63 = arith.constant 0 : i32
      %dma_start3A_64 = tpu.memref_slice %arg6[%add3A_62, %dma_start3A_63] : memref<80x125xi32, #tpu.memory_space<vmem>> -> memref<1x125xi32, #tpu.memory_space<vmem>>
      %dma_start3A_65 = tpu.memref_squeeze %dma_start3A_64 : memref<1x125xi32, #tpu.memory_space<vmem>> -> memref<125xi32, #tpu.memory_space<vmem>>
      %dma_start3A_66 = arith.constant 0 : i32
      %dma_start3A_67 = arith.constant 0 : i32
      %dma_start3A_68 = tpu.memref_slice %arg8[%dma_start3A_66, %dma_start3A_67] : memref<10240x16xf32, #tpu.memory_space<vmem_shared>> -> memref<10240x16xf32, #tpu.memory_space<vmem_shared>>
      tpu.enqueue_indirect_dma source(%arg7 : memref<125x16xf32, #tpu.memory_space<vmem>>) target(%dma_start3A_68 : memref<10240x16xf32, #tpu.memory_space<vmem_shared>>) offsets(%dma_start3A_65 : memref<125xi32, #tpu.memory_space<vmem>>) semaphore(%arg15 : memref<!tpu.dma_semaphore, #tpu.memory_space<semaphore_mem>>) {add = true}
      %add3A_69 = arith.constant 7 : i32
      %add3A_70 = arith.addi %mul3A_13, %add3A_69 : i32
      %dma_start3A_71 = arith.constant 0 : i32
      %dma_start3A_72 = tpu.memref_slice %arg6[%add3A_70, %dma_start3A_71] : memref<80x125xi32, #tpu.memory_space<vmem>> -> memref<1x125xi32, #tpu.memory_space<vmem>>
      %dma_start3A_73 = tpu.memref_squeeze %dma_start3A_72 : memref<1x125xi32, #tpu.memory_space<vmem>> -> memref<125xi32, #tpu.memory_space<vmem>>
      %dma_start3A_74 = arith.constant 0 : i32
      %dma_start3A_75 = arith.constant 0 : i32
      %dma_start3A_76 = tpu.memref_slice %arg8[%dma_start3A_74, %dma_start3A_75] : memref<10240x16xf32, #tpu.memory_space<vmem_shared>> -> memref<10240x16xf32, #tpu.memory_space<vmem_shared>>
      tpu.enqueue_indirect_dma source(%arg7 : memref<125x16xf32, #tpu.memory_space<vmem>>) target(%dma_start3A_76 : memref<10240x16xf32, #tpu.memory_space<vmem_shared>>) offsets(%dma_start3A_73 : memref<125xi32, #tpu.memory_space<vmem>>) semaphore(%arg16 : memref<!tpu.dma_semaphore, #tpu.memory_space<semaphore_mem>>) {add = true}
      %add3A_77 = arith.constant 8 : i32
      %add3A_78 = arith.addi %mul3A_13, %add3A_77 : i32
      %dma_start3A_79 = arith.constant 0 : i32
      %dma_start3A_80 = tpu.memref_slice %arg6[%add3A_78, %dma_start3A_79] : memref<80x125xi32, #tpu.memory_space<vmem>> -> memref<1x125xi32, #tpu.memory_space<vmem>>
      %dma_start3A_81 = tpu.memref_squeeze %dma_start3A_80 : memref<1x125xi32, #tpu.memory_space<vmem>> -> memref<125xi32, #tpu.memory_space<vmem>>
      %dma_start3A_82 = arith.constant 0 : i32
      %dma_start3A_83 = arith.constant 0 : i32
      %dma_start3A_84 = tpu.memref_slice %arg8[%dma_start3A_82, %dma_start3A_83] : memref<10240x16xf32, #tpu.memory_space<vmem_shared>> -> memref<10240x16xf32, #tpu.memory_space<vmem_shared>>
      tpu.enqueue_indirect_dma source(%arg7 : memref<125x16xf32, #tpu.memory_space<vmem>>) target(%dma_start3A_84 : memref<10240x16xf32, #tpu.memory_space<vmem_shared>>) offsets(%dma_start3A_81 : memref<125xi32, #tpu.memory_space<vmem>>) semaphore(%arg17 : memref<!tpu.dma_semaphore, #tpu.memory_space<semaphore_mem>>) {add = true}
      %add3A_85 = arith.constant 9 : i32
      %add3A_86 = arith.addi %mul3A_13, %add3A_85 : i32
      %dma_start3A_87 = arith.constant 0 : i32
      %dma_start3A_88 = tpu.memref_slice %arg6[%add3A_86, %dma_start3A_87] : memref<80x125xi32, #tpu.memory_space<vmem>> -> memref<1x125xi32, #tpu.memory_space<vmem>>
      %dma_start3A_89 = tpu.memref_squeeze %dma_start3A_88 : memref<1x125xi32, #tpu.memory_space<vmem>> -> memref<125xi32, #tpu.memory_space<vmem>>
      %dma_start3A_90 = arith.constant 0 : i32
      %dma_start3A_91 = arith.constant 0 : i32
      %dma_start3A_92 = tpu.memref_slice %arg8[%dma_start3A_90, %dma_start3A_91] : memref<10240x16xf32, #tpu.memory_space<vmem_shared>> -> memref<10240x16xf32, #tpu.memory_space<vmem_shared>>
      tpu.enqueue_indirect_dma source(%arg7 : memref<125x16xf32, #tpu.memory_space<vmem>>) target(%dma_start3A_92 : memref<10240x16xf32, #tpu.memory_space<vmem_shared>>) offsets(%dma_start3A_89 : memref<125xi32, #tpu.memory_space<vmem>>) semaphore(%arg18 : memref<!tpu.dma_semaphore, #tpu.memory_space<semaphore_mem>>) {add = true}
      %add3A_93 = arith.constant 10 : i32
      %add3A_94 = arith.addi %mul3A_13, %add3A_93 : i32
      %dma_start3A_95 = arith.constant 0 : i32
      %dma_start3A_96 = tpu.memref_slice %arg6[%add3A_94, %dma_start3A_95] : memref<80x125xi32, #tpu.memory_space<vmem>> -> memref<1x125xi32, #tpu.memory_space<vmem>>
      %dma_start3A_97 = tpu.memref_squeeze %dma_start3A_96 : memref<1x125xi32, #tpu.memory_space<vmem>> -> memref<125xi32, #tpu.memory_space<vmem>>
      %dma_start3A_98 = arith.constant 0 : i32
      %dma_start3A_99 = arith.constant 0 : i32
      %dma_start3A_100 = tpu.memref_slice %arg8[%dma_start3A_98, %dma_start3A_99] : memref<10240x16xf32, #tpu.memory_space<vmem_shared>> -> memref<10240x16xf32, #tpu.memory_space<vmem_shared>>
      tpu.enqueue_indirect_dma source(%arg7 : memref<125x16xf32, #tpu.memory_space<vmem>>) target(%dma_start3A_100 : memref<10240x16xf32, #tpu.memory_space<vmem_shared>>) offsets(%dma_start3A_97 : memref<125xi32, #tpu.memory_space<vmem>>) semaphore(%arg19 : memref<!tpu.dma_semaphore, #tpu.memory_space<semaphore_mem>>) {add = true}
      %add3A_101 = arith.constant 11 : i32
      %add3A_102 = arith.addi %mul3A_13, %add3A_101 : i32
      %dma_start3A_103 = arith.constant 0 : i32
      %dma_start3A_104 = tpu.memref_slice %arg6[%add3A_102, %dma_start3A_103] : memref<80x125xi32, #tpu.memory_space<vmem>> -> memref<1x125xi32, #tpu.memory_space<vmem>>
      %dma_start3A_105 = tpu.memref_squeeze %dma_start3A_104 : memref<1x125xi32, #tpu.memory_space<vmem>> -> memref<125xi32, #tpu.memory_space<vmem>>
      %dma_start3A_106 = arith.constant 0 : i32
      %dma_start3A_107 = arith.constant 0 : i32
      %dma_start3A_108 = tpu.memref_slice %arg8[%dma_start3A_106, %dma_start3A_107] : memref<10240x16xf32, #tpu.memory_space<vmem_shared>> -> memref<10240x16xf32, #tpu.memory_space<vmem_shared>>
      tpu.enqueue_indirect_dma source(%arg7 : memref<125x16xf32, #tpu.memory_space<vmem>>) target(%dma_start3A_108 : memref<10240x16xf32, #tpu.memory_space<vmem_shared>>) offsets(%dma_start3A_105 : memref<125xi32, #tpu.memory_space<vmem>>) semaphore(%arg20 : memref<!tpu.dma_semaphore, #tpu.memory_space<semaphore_mem>>) {add = true}
      %add3A_109 = arith.constant 12 : i32
      %add3A_110 = arith.addi %mul3A_13, %add3A_109 : i32
      %dma_start3A_111 = arith.constant 0 : i32
      %dma_start3A_112 = tpu.memref_slice %arg6[%add3A_110, %dma_start3A_111] : memref<80x125xi32, #tpu.memory_space<vmem>> -> memref<1x125xi32, #tpu.memory_space<vmem>>
      %dma_start3A_113 = tpu.memref_squeeze %dma_start3A_112 : memref<1x125xi32, #tpu.memory_space<vmem>> -> memref<125xi32, #tpu.memory_space<vmem>>
      %dma_start3A_114 = arith.constant 0 : i32
      %dma_start3A_115 = arith.constant 0 : i32
      %dma_start3A_116 = tpu.memref_slice %arg8[%dma_start3A_114, %dma_start3A_115] : memref<10240x16xf32, #tpu.memory_space<vmem_shared>> -> memref<10240x16xf32, #tpu.memory_space<vmem_shared>>
      tpu.enqueue_indirect_dma source(%arg7 : memref<125x16xf32, #tpu.memory_space<vmem>>) target(%dma_start3A_116 : memref<10240x16xf32, #tpu.memory_space<vmem_shared>>) offsets(%dma_start3A_113 : memref<125xi32, #tpu.memory_space<vmem>>) semaphore(%arg21 : memref<!tpu.dma_semaphore, #tpu.memory_space<semaphore_mem>>) {add = true}
      %add3A_117 = arith.constant 13 : i32
      %add3A_118 = arith.addi %mul3A_13, %add3A_117 : i32
      %dma_start3A_119 = arith.constant 0 : i32
      %dma_start3A_120 = tpu.memref_slice %arg6[%add3A_118, %dma_start3A_119] : memref<80x125xi32, #tpu.memory_space<vmem>> -> memref<1x125xi32, #tpu.memory_space<vmem>>
      %dma_start3A_121 = tpu.memref_squeeze %dma_start3A_120 : memref<1x125xi32, #tpu.memory_space<vmem>> -> memref<125xi32, #tpu.memory_space<vmem>>
      %dma_start3A_122 = arith.constant 0 : i32
      %dma_start3A_123 = arith.constant 0 : i32
      %dma_start3A_124 = tpu.memref_slice %arg8[%dma_start3A_122, %dma_start3A_123] : memref<10240x16xf32, #tpu.memory_space<vmem_shared>> -> memref<10240x16xf32, #tpu.memory_space<vmem_shared>>
      tpu.enqueue_indirect_dma source(%arg7 : memref<125x16xf32, #tpu.memory_space<vmem>>) target(%dma_start3A_124 : memref<10240x16xf32, #tpu.memory_space<vmem_shared>>) offsets(%dma_start3A_121 : memref<125xi32, #tpu.memory_space<vmem>>) semaphore(%arg22 : memref<!tpu.dma_semaphore, #tpu.memory_space<semaphore_mem>>) {add = true}
      %add3A_125 = arith.constant 14 : i32
      %add3A_126 = arith.addi %mul3A_13, %add3A_125 : i32
      %dma_start3A_127 = arith.constant 0 : i32
      %dma_start3A_128 = tpu.memref_slice %arg6[%add3A_126, %dma_start3A_127] : memref<80x125xi32, #tpu.memory_space<vmem>> -> memref<1x125xi32, #tpu.memory_space<vmem>>
      %dma_start3A_129 = tpu.memref_squeeze %dma_start3A_128 : memref<1x125xi32, #tpu.memory_space<vmem>> -> memref<125xi32, #tpu.memory_space<vmem>>
      %dma_start3A_130 = arith.constant 0 : i32
      %dma_start3A_131 = arith.constant 0 : i32
      %dma_start3A_132 = tpu.memref_slice %arg8[%dma_start3A_130, %dma_start3A_131] : memref<10240x16xf32, #tpu.memory_space<vmem_shared>> -> memref<10240x16xf32, #tpu.memory_space<vmem_shared>>
      tpu.enqueue_indirect_dma source(%arg7 : memref<125x16xf32, #tpu.memory_space<vmem>>) target(%dma_start3A_132 : memref<10240x16xf32, #tpu.memory_space<vmem_shared>>) offsets(%dma_start3A_129 : memref<125xi32, #tpu.memory_space<vmem>>) semaphore(%arg23 : memref<!tpu.dma_semaphore, #tpu.memory_space<semaphore_mem>>) {add = true}
      %add3A_133 = arith.constant 15 : i32
      %add3A_134 = arith.addi %mul3A_13, %add3A_133 : i32
      %dma_start3A_135 = arith.constant 0 : i32
      %dma_start3A_136 = tpu.memref_slice %arg6[%add3A_134, %dma_start3A_135] : memref<80x125xi32, #tpu.memory_space<vmem>> -> memref<1x125xi32, #tpu.memory_space<vmem>>
      %dma_start3A_137 = tpu.memref_squeeze %dma_start3A_136 : memref<1x125xi32, #tpu.memory_space<vmem>> -> memref<125xi32, #tpu.memory_space<vmem>>
      %dma_start3A_138 = arith.constant 0 : i32
      %dma_start3A_139 = arith.constant 0 : i32
      %dma_start3A_140 = tpu.memref_slice %arg8[%dma_start3A_138, %dma_start3A_139] : memref<10240x16xf32, #tpu.memory_space<vmem_shared>> -> memref<10240x16xf32, #tpu.memory_space<vmem_shared>>
      tpu.enqueue_indirect_dma source(%arg7 : memref<125x16xf32, #tpu.memory_space<vmem>>) target(%dma_start3A_140 : memref<10240x16xf32, #tpu.memory_space<vmem_shared>>) offsets(%dma_start3A_137 : memref<125xi32, #tpu.memory_space<vmem>>) semaphore(%arg24 : memref<!tpu.dma_semaphore, #tpu.memory_space<semaphore_mem>>) {add = true}
      %dma_wait3A = arith.constant 0 : i32
      %dma_wait3A_141 = tpu.memref_slice %arg6[%add3A_15, %dma_wait3A] : memref<80x125xi32, #tpu.memory_space<vmem>> -> memref<1x125xi32, #tpu.memory_space<vmem>>
      %dma_wait3A_142 = tpu.memref_squeeze %dma_wait3A_141 : memref<1x125xi32, #tpu.memory_space<vmem>> -> memref<125xi32, #tpu.memory_space<vmem>>
      %dma_wait3A_143 = arith.constant 0 : i32
      %dma_wait3A_144 = arith.constant 0 : i32
      %dma_wait3A_145 = tpu.memref_slice %arg8[%dma_wait3A_143, %dma_wait3A_144] : memref<10240x16xf32, #tpu.memory_space<vmem_shared>> -> memref<10240x16xf32, #tpu.memory_space<vmem_shared>>
      tpu.wait_indirect_dma semaphore(%arg9 : memref<!tpu.dma_semaphore, #tpu.memory_space<semaphore_mem>>) src(%arg7 : memref<125x16xf32, #tpu.memory_space<vmem>>) dst(%dma_wait3A_145 : memref<10240x16xf32, #tpu.memory_space<vmem_shared>>)
      %dma_wait3A_146 = arith.constant 0 : i32
      %dma_wait3A_147 = tpu.memref_slice %arg6[%add3A_22, %dma_wait3A_146] : memref<80x125xi32, #tpu.memory_space<vmem>> -> memref<1x125xi32, #tpu.memory_space<vmem>>
      %dma_wait3A_148 = tpu.memref_squeeze %dma_wait3A_147 : memref<1x125xi32, #tpu.memory_space<vmem>> -> memref<125xi32, #tpu.memory_space<vmem>>
      %dma_wait3A_149 = arith.constant 0 : i32
      %dma_wait3A_150 = arith.constant 0 : i32
      %dma_wait3A_151 = tpu.memref_slice %arg8[%dma_wait3A_149, %dma_wait3A_150] : memref<10240x16xf32, #tpu.memory_space<vmem_shared>> -> memref<10240x16xf32, #tpu.memory_space<vmem_shared>>
      tpu.wait_indirect_dma semaphore(%arg10 : memref<!tpu.dma_semaphore, #tpu.memory_space<semaphore_mem>>) src(%arg7 : memref<125x16xf32, #tpu.memory_space<vmem>>) dst(%dma_wait3A_151 : memref<10240x16xf32, #tpu.memory_space<vmem_shared>>)
      %dma_wait3A_152 = arith.constant 0 : i32
      %dma_wait3A_153 = tpu.memref_slice %arg6[%add3A_30, %dma_wait3A_152] : memref<80x125xi32, #tpu.memory_space<vmem>> -> memref<1x125xi32, #tpu.memory_space<vmem>>
      %dma_wait3A_154 = tpu.memref_squeeze %dma_wait3A_153 : memref<1x125xi32, #tpu.memory_space<vmem>> -> memref<125xi32, #tpu.memory_space<vmem>>
      %dma_wait3A_155 = arith.constant 0 : i32
      %dma_wait3A_156 = arith.constant 0 : i32
      %dma_wait3A_157 = tpu.memref_slice %arg8[%dma_wait3A_155, %dma_wait3A_156] : memref<10240x16xf32, #tpu.memory_space<vmem_shared>> -> memref<10240x16xf32, #tpu.memory_space<vmem_shared>>
      tpu.wait_indirect_dma semaphore(%arg11 : memref<!tpu.dma_semaphore, #tpu.memory_space<semaphore_mem>>) src(%arg7 : memref<125x16xf32, #tpu.memory_space<vmem>>) dst(%dma_wait3A_157 : memref<10240x16xf32, #tpu.memory_space<vmem_shared>>)
      %dma_wait3A_158 = arith.constant 0 : i32
      %dma_wait3A_159 = tpu.memref_slice %arg6[%add3A_38, %dma_wait3A_158] : memref<80x125xi32, #tpu.memory_space<vmem>> -> memref<1x125xi32, #tpu.memory_space<vmem>>
      %dma_wait3A_160 = tpu.memref_squeeze %dma_wait3A_159 : memref<1x125xi32, #tpu.memory_space<vmem>> -> memref<125xi32, #tpu.memory_space<vmem>>
      %dma_wait3A_161 = arith.constant 0 : i32
      %dma_wait3A_162 = arith.constant 0 : i32
      %dma_wait3A_163 = tpu.memref_slice %arg8[%dma_wait3A_161, %dma_wait3A_162] : memref<10240x16xf32, #tpu.memory_space<vmem_shared>> -> memref<10240x16xf32, #tpu.memory_space<vmem_shared>>
      tpu.wait_indirect_dma semaphore(%arg12 : memref<!tpu.dma_semaphore, #tpu.memory_space<semaphore_mem>>) src(%arg7 : memref<125x16xf32, #tpu.memory_space<vmem>>) dst(%dma_wait3A_163 : memref<10240x16xf32, #tpu.memory_space<vmem_shared>>)
      %dma_wait3A_164 = arith.constant 0 : i32
      %dma_wait3A_165 = tpu.memref_slice %arg6[%add3A_46, %dma_wait3A_164] : memref<80x125xi32, #tpu.memory_space<vmem>> -> memref<1x125xi32, #tpu.memory_space<vmem>>
      %dma_wait3A_166 = tpu.memref_squeeze %dma_wait3A_165 : memref<1x125xi32, #tpu.memory_space<vmem>> -> memref<125xi32, #tpu.memory_space<vmem>>
      %dma_wait3A_167 = arith.constant 0 : i32
      %dma_wait3A_168 = arith.constant 0 : i32
      %dma_wait3A_169 = tpu.memref_slice %arg8[%dma_wait3A_167, %dma_wait3A_168] : memref<10240x16xf32, #tpu.memory_space<vmem_shared>> -> memref<10240x16xf32, #tpu.memory_space<vmem_shared>>
      tpu.wait_indirect_dma semaphore(%arg13 : memref<!tpu.dma_semaphore, #tpu.memory_space<semaphore_mem>>) src(%arg7 : memref<125x16xf32, #tpu.memory_space<vmem>>) dst(%dma_wait3A_169 : memref<10240x16xf32, #tpu.memory_space<vmem_shared>>)
      %dma_wait3A_170 = arith.constant 0 : i32
      %dma_wait3A_171 = tpu.memref_slice %arg6[%add3A_54, %dma_wait3A_170] : memref<80x125xi32, #tpu.memory_space<vmem>> -> memref<1x125xi32, #tpu.memory_space<vmem>>
      %dma_wait3A_172 = tpu.memref_squeeze %dma_wait3A_171 : memref<1x125xi32, #tpu.memory_space<vmem>> -> memref<125xi32, #tpu.memory_space<vmem>>
      %dma_wait3A_173 = arith.constant 0 : i32
      %dma_wait3A_174 = arith.constant 0 : i32
      %dma_wait3A_175 = tpu.memref_slice %arg8[%dma_wait3A_173, %dma_wait3A_174] : memref<10240x16xf32, #tpu.memory_space<vmem_shared>> -> memref<10240x16xf32, #tpu.memory_space<vmem_shared>>
      tpu.wait_indirect_dma semaphore(%arg14 : memref<!tpu.dma_semaphore, #tpu.memory_space<semaphore_mem>>) src(%arg7 : memref<125x16xf32, #tpu.memory_space<vmem>>) dst(%dma_wait3A_175 : memref<10240x16xf32, #tpu.memory_space<vmem_shared>>)
      %dma_wait3A_176 = arith.constant 0 : i32
      %dma_wait3A_177 = tpu.memref_slice %arg6[%add3A_62, %dma_wait3A_176] : memref<80x125xi32, #tpu.memory_space<vmem>> -> memref<1x125xi32, #tpu.memory_space<vmem>>
      %dma_wait3A_178 = tpu.memref_squeeze %dma_wait3A_177 : memref<1x125xi32, #tpu.memory_space<vmem>> -> memref<125xi32, #tpu.memory_space<vmem>>
      %dma_wait3A_179 = arith.constant 0 : i32
      %dma_wait3A_180 = arith.constant 0 : i32
      %dma_wait3A_181 = tpu.memref_slice %arg8[%dma_wait3A_179, %dma_wait3A_180] : memref<10240x16xf32, #tpu.memory_space<vmem_shared>> -> memref<10240x16xf32, #tpu.memory_space<vmem_shared>>
      tpu.wait_indirect_dma semaphore(%arg15 : memref<!tpu.dma_semaphore, #tpu.memory_space<semaphore_mem>>) src(%arg7 : memref<125x16xf32, #tpu.memory_space<vmem>>) dst(%dma_wait3A_181 : memref<10240x16xf32, #tpu.memory_space<vmem_shared>>)
      %dma_wait3A_182 = arith.constant 0 : i32
      %dma_wait3A_183 = tpu.memref_slice %arg6[%add3A_70, %dma_wait3A_182] : memref<80x125xi32, #tpu.memory_space<vmem>> -> memref<1x125xi32, #tpu.memory_space<vmem>>
      %dma_wait3A_184 = tpu.memref_squeeze %dma_wait3A_183 : memref<1x125xi32, #tpu.memory_space<vmem>> -> memref<125xi32, #tpu.memory_space<vmem>>
      %dma_wait3A_185 = arith.constant 0 : i32
      %dma_wait3A_186 = arith.constant 0 : i32
      %dma_wait3A_187 = tpu.memref_slice %arg8[%dma_wait3A_185, %dma_wait3A_186] : memref<10240x16xf32, #tpu.memory_space<vmem_shared>> -> memref<10240x16xf32, #tpu.memory_space<vmem_shared>>
      tpu.wait_indirect_dma semaphore(%arg16 : memref<!tpu.dma_semaphore, #tpu.memory_space<semaphore_mem>>) src(%arg7 : memref<125x16xf32, #tpu.memory_space<vmem>>) dst(%dma_wait3A_187 : memref<10240x16xf32, #tpu.memory_space<vmem_shared>>)
      %dma_wait3A_188 = arith.constant 0 : i32
      %dma_wait3A_189 = tpu.memref_slice %arg6[%add3A_78, %dma_wait3A_188] : memref<80x125xi32, #tpu.memory_space<vmem>> -> memref<1x125xi32, #tpu.memory_space<vmem>>
      %dma_wait3A_190 = tpu.memref_squeeze %dma_wait3A_189 : memref<1x125xi32, #tpu.memory_space<vmem>> -> memref<125xi32, #tpu.memory_space<vmem>>
      %dma_wait3A_191 = arith.constant 0 : i32
      %dma_wait3A_192 = arith.constant 0 : i32
      %dma_wait3A_193 = tpu.memref_slice %arg8[%dma_wait3A_191, %dma_wait3A_192] : memref<10240x16xf32, #tpu.memory_space<vmem_shared>> -> memref<10240x16xf32, #tpu.memory_space<vmem_shared>>
      tpu.wait_indirect_dma semaphore(%arg17 : memref<!tpu.dma_semaphore, #tpu.memory_space<semaphore_mem>>) src(%arg7 : memref<125x16xf32, #tpu.memory_space<vmem>>) dst(%dma_wait3A_193 : memref<10240x16xf32, #tpu.memory_space<vmem_shared>>)
      %dma_wait3A_194 = arith.constant 0 : i32
      %dma_wait3A_195 = tpu.memref_slice %arg6[%add3A_86, %dma_wait3A_194] : memref<80x125xi32, #tpu.memory_space<vmem>> -> memref<1x125xi32, #tpu.memory_space<vmem>>
      %dma_wait3A_196 = tpu.memref_squeeze %dma_wait3A_195 : memref<1x125xi32, #tpu.memory_space<vmem>> -> memref<125xi32, #tpu.memory_space<vmem>>
      %dma_wait3A_197 = arith.constant 0 : i32
      %dma_wait3A_198 = arith.constant 0 : i32
      %dma_wait3A_199 = tpu.memref_slice %arg8[%dma_wait3A_197, %dma_wait3A_198] : memref<10240x16xf32, #tpu.memory_space<vmem_shared>> -> memref<10240x16xf32, #tpu.memory_space<vmem_shared>>
      tpu.wait_indirect_dma semaphore(%arg18 : memref<!tpu.dma_semaphore, #tpu.memory_space<semaphore_mem>>) src(%arg7 : memref<125x16xf32, #tpu.memory_space<vmem>>) dst(%dma_wait3A_199 : memref<10240x16xf32, #tpu.memory_space<vmem_shared>>)
      %dma_wait3A_200 = arith.constant 0 : i32
      %dma_wait3A_201 = tpu.memref_slice %arg6[%add3A_94, %dma_wait3A_200] : memref<80x125xi32, #tpu.memory_space<vmem>> -> memref<1x125xi32, #tpu.memory_space<vmem>>
      %dma_wait3A_202 = tpu.memref_squeeze %dma_wait3A_201 : memref<1x125xi32, #tpu.memory_space<vmem>> -> memref<125xi32, #tpu.memory_space<vmem>>
      %dma_wait3A_203 = arith.constant 0 : i32
      %dma_wait3A_204 = arith.constant 0 : i32
      %dma_wait3A_205 = tpu.memref_slice %arg8[%dma_wait3A_203, %dma_wait3A_204] : memref<10240x16xf32, #tpu.memory_space<vmem_shared>> -> memref<10240x16xf32, #tpu.memory_space<vmem_shared>>
      tpu.wait_indirect_dma semaphore(%arg19 : memref<!tpu.dma_semaphore, #tpu.memory_space<semaphore_mem>>) src(%arg7 : memref<125x16xf32, #tpu.memory_space<vmem>>) dst(%dma_wait3A_205 : memref<10240x16xf32, #tpu.memory_space<vmem_shared>>)
      %dma_wait3A_206 = arith.constant 0 : i32
      %dma_wait3A_207 = tpu.memref_slice %arg6[%add3A_102, %dma_wait3A_206] : memref<80x125xi32, #tpu.memory_space<vmem>> -> memref<1x125xi32, #tpu.memory_space<vmem>>
      %dma_wait3A_208 = tpu.memref_squeeze %dma_wait3A_207 : memref<1x125xi32, #tpu.memory_space<vmem>> -> memref<125xi32, #tpu.memory_space<vmem>>
      %dma_wait3A_209 = arith.constant 0 : i32
      %dma_wait3A_210 = arith.constant 0 : i32
      %dma_wait3A_211 = tpu.memref_slice %arg8[%dma_wait3A_209, %dma_wait3A_210] : memref<10240x16xf32, #tpu.memory_space<vmem_shared>> -> memref<10240x16xf32, #tpu.memory_space<vmem_shared>>
      tpu.wait_indirect_dma semaphore(%arg20 : memref<!tpu.dma_semaphore, #tpu.memory_space<semaphore_mem>>) src(%arg7 : memref<125x16xf32, #tpu.memory_space<vmem>>) dst(%dma_wait3A_211 : memref<10240x16xf32, #tpu.memory_space<vmem_shared>>)
      %dma_wait3A_212 = arith.constant 0 : i32
      %dma_wait3A_213 = tpu.memref_slice %arg6[%add3A_110, %dma_wait3A_212] : memref<80x125xi32, #tpu.memory_space<vmem>> -> memref<1x125xi32, #tpu.memory_space<vmem>>
      %dma_wait3A_214 = tpu.memref_squeeze %dma_wait3A_213 : memref<1x125xi32, #tpu.memory_space<vmem>> -> memref<125xi32, #tpu.memory_space<vmem>>
      %dma_wait3A_215 = arith.constant 0 : i32
      %dma_wait3A_216 = arith.constant 0 : i32
      %dma_wait3A_217 = tpu.memref_slice %arg8[%dma_wait3A_215, %dma_wait3A_216] : memref<10240x16xf32, #tpu.memory_space<vmem_shared>> -> memref<10240x16xf32, #tpu.memory_space<vmem_shared>>
      tpu.wait_indirect_dma semaphore(%arg21 : memref<!tpu.dma_semaphore, #tpu.memory_space<semaphore_mem>>) src(%arg7 : memref<125x16xf32, #tpu.memory_space<vmem>>) dst(%dma_wait3A_217 : memref<10240x16xf32, #tpu.memory_space<vmem_shared>>)
      %dma_wait3A_218 = arith.constant 0 : i32
      %dma_wait3A_219 = tpu.memref_slice %arg6[%add3A_118, %dma_wait3A_218] : memref<80x125xi32, #tpu.memory_space<vmem>> -> memref<1x125xi32, #tpu.memory_space<vmem>>
      %dma_wait3A_220 = tpu.memref_squeeze %dma_wait3A_219 : memref<1x125xi32, #tpu.memory_space<vmem>> -> memref<125xi32, #tpu.memory_space<vmem>>
      %dma_wait3A_221 = arith.constant 0 : i32
      %dma_wait3A_222 = arith.constant 0 : i32
      %dma_wait3A_223 = tpu.memref_slice %arg8[%dma_wait3A_221, %dma_wait3A_222] : memref<10240x16xf32, #tpu.memory_space<vmem_shared>> -> memref<10240x16xf32, #tpu.memory_space<vmem_shared>>
      tpu.wait_indirect_dma semaphore(%arg22 : memref<!tpu.dma_semaphore, #tpu.memory_space<semaphore_mem>>) src(%arg7 : memref<125x16xf32, #tpu.memory_space<vmem>>) dst(%dma_wait3A_223 : memref<10240x16xf32, #tpu.memory_space<vmem_shared>>)
      %dma_wait3A_224 = arith.constant 0 : i32
      %dma_wait3A_225 = tpu.memref_slice %arg6[%add3A_126, %dma_wait3A_224] : memref<80x125xi32, #tpu.memory_space<vmem>> -> memref<1x125xi32, #tpu.memory_space<vmem>>
      %dma_wait3A_226 = tpu.memref_squeeze %dma_wait3A_225 : memref<1x125xi32, #tpu.memory_space<vmem>> -> memref<125xi32, #tpu.memory_space<vmem>>
      %dma_wait3A_227 = arith.constant 0 : i32
      %dma_wait3A_228 = arith.constant 0 : i32
      %dma_wait3A_229 = tpu.memref_slice %arg8[%dma_wait3A_227, %dma_wait3A_228] : memref<10240x16xf32, #tpu.memory_space<vmem_shared>> -> memref<10240x16xf32, #tpu.memory_space<vmem_shared>>
      tpu.wait_indirect_dma semaphore(%arg23 : memref<!tpu.dma_semaphore, #tpu.memory_space<semaphore_mem>>) src(%arg7 : memref<125x16xf32, #tpu.memory_space<vmem>>) dst(%dma_wait3A_229 : memref<10240x16xf32, #tpu.memory_space<vmem_shared>>)
      %dma_wait3A_230 = arith.constant 0 : i32
      %dma_wait3A_231 = tpu.memref_slice %arg6[%add3A_134, %dma_wait3A_230] : memref<80x125xi32, #tpu.memory_space<vmem>> -> memref<1x125xi32, #tpu.memory_space<vmem>>
      %dma_wait3A_232 = tpu.memref_squeeze %dma_wait3A_231 : memref<1x125xi32, #tpu.memory_space<vmem>> -> memref<125xi32, #tpu.memory_space<vmem>>
      %dma_wait3A_233 = arith.constant 0 : i32
      %dma_wait3A_234 = arith.constant 0 : i32
      %dma_wait3A_235 = tpu.memref_slice %arg8[%dma_wait3A_233, %dma_wait3A_234] : memref<10240x16xf32, #tpu.memory_space<vmem_shared>> -> memref<10240x16xf32, #tpu.memory_space<vmem_shared>>
      tpu.wait_indirect_dma semaphore(%arg24 : memref<!tpu.dma_semaphore, #tpu.memory_space<semaphore_mem>>) src(%arg7 : memref<125x16xf32, #tpu.memory_space<vmem>>) dst(%dma_wait3A_235 : memref<10240x16xf32, #tpu.memory_space<vmem_shared>>)
    }
    %scan3A_9 = arith.constant 5 : i32
    %barrier3A_10 = arith.constant 0 : index
    tpu.barrier barrier_id(%barrier3A_10)
    "tpu.region"() ({
      %run_scoped3A_11 = tpu.sem_alloc : memref<!tpu.dma_semaphore, #tpu.memory_space<semaphore_mem>>
      %dma_start3A = arith.constant 0 : i32
      %dma_start3A_12 = tpu.memref_slice %arg5[%arg0, %mul3A_2, %dma_start3A] : memref<2x10240x16xf32, #tpu.memory_space<hbm>> -> memref<1x640x16xf32, #tpu.memory_space<hbm>>
      %dma_start3A_13 = tpu.memref_squeeze %dma_start3A_12 : memref<1x640x16xf32, #tpu.memory_space<hbm>> -> memref<640x16xf32, #tpu.memory_space<hbm>>
      %dma_start3A_14 = arith.constant 0 : i32
      %dma_start3A_15 = tpu.memref_slice %arg8[%mul3A_2, %dma_start3A_14] : memref<10240x16xf32, #tpu.memory_space<vmem_shared>> -> memref<640x16xf32, #tpu.memory_space<vmem_shared>>
      tpu.enqueue_dma source(%dma_start3A_15 : memref<640x16xf32, #tpu.memory_space<vmem_shared>>) target(%dma_start3A_13 : memref<640x16xf32, #tpu.memory_space<hbm>>) target_semaphore(%run_scoped3A_11 : memref<!tpu.dma_semaphore, #tpu.memory_space<semaphore_mem>>)
      %dma_wait3A = arith.constant 0 : i32
      %dma_wait3A_16 = tpu.memref_slice %arg5[%arg0, %mul3A_2, %dma_wait3A] : memref<2x10240x16xf32, #tpu.memory_space<hbm>> -> memref<1x640x16xf32, #tpu.memory_space<hbm>>
      %dma_wait3A_17 = tpu.memref_squeeze %dma_wait3A_16 : memref<1x640x16xf32, #tpu.memory_space<hbm>> -> memref<640x16xf32, #tpu.memory_space<hbm>>
      %dma_wait3A_18 = arith.constant 0 : i32
      %dma_wait3A_19 = tpu.memref_slice %arg8[%mul3A_2, %dma_wait3A_18] : memref<10240x16xf32, #tpu.memory_space<vmem_shared>> -> memref<640x16xf32, #tpu.memory_space<vmem_shared>>
      tpu.wait_dma2 semaphore(%run_scoped3A_11 : memref<!tpu.dma_semaphore, #tpu.memory_space<semaphore_mem>>) src(%dma_wait3A_19 : memref<640x16xf32, #tpu.memory_space<vmem_shared>>) dst(%dma_wait3A_17 : memref<640x16xf32, #tpu.memory_space<hbm>>)
      tpu.yield
    }) : () -> ()
    return
  }
}

#map = affine_map<(d0, d1) -> (0, 0, 0)>
#map1 = affine_map<(d0, d1) -> (0, 0)>
module attributes {stable_mosaic.version = 14 : i64} {
  func.func @_agg128(%arg0: i32, %arg1: i32, %arg2: memref<2x10240x64xf32, #tpu.memory_space<hbm>>, %arg3: memref<2x2560x125xi32, #tpu.memory_space<hbm>>, %arg4: memref<10240x64xf32, #tpu.memory_space<hbm>>, %arg5: memref<2x10240x64xf32, #tpu.memory_space<hbm>>, %arg6: memref<160x125xi32, #tpu.memory_space<vmem>>, %arg7: memref<160x125xi32, #tpu.memory_space<vmem>>, %arg8: memref<125x64xf32, #tpu.memory_space<vmem>>, %arg9: memref<125x64xf32, #tpu.memory_space<vmem>>, %arg10: memref<125x64xf32, #tpu.memory_space<vmem>>, %arg11: memref<125x64xf32, #tpu.memory_space<vmem>>, %arg12: memref<125x64xf32, #tpu.memory_space<vmem>>, %arg13: memref<10240x64xf32, #tpu.memory_space<vmem_shared>>, %arg14: memref<!tpu.dma_semaphore, #tpu.memory_space<semaphore_mem>>, %arg15: memref<!tpu.dma_semaphore, #tpu.memory_space<semaphore_mem>>, %arg16: memref<!tpu.dma_semaphore, #tpu.memory_space<semaphore_mem>>, %arg17: memref<!tpu.dma_semaphore, #tpu.memory_space<semaphore_mem>>, %arg18: memref<!tpu.dma_semaphore, #tpu.memory_space<semaphore_mem>>, %arg19: memref<!tpu.dma_semaphore, #tpu.memory_space<semaphore_mem>>, %arg20: memref<!tpu.dma_semaphore, #tpu.memory_space<semaphore_mem>>, %arg21: memref<!tpu.dma_semaphore, #tpu.memory_space<semaphore_mem>>, %arg22: memref<!tpu.dma_semaphore, #tpu.memory_space<semaphore_mem>>, %arg23: memref<!tpu.dma_semaphore, #tpu.memory_space<semaphore_mem>>) attributes {dimension_semantics = [#tpu.dimension_semantics<core_parallel>, #tpu.dimension_semantics<subcore_parallel>], iteration_bounds = array<i64: 2, 16>, scalar_prefetch = 0 : i64, scratch_operands = 18 : i64, tpu.core_type = #tpu.core_type<sc_vector_subcore>, window_params = [{transform_indices = #map}, {transform_indices = #map}, {transform_indices = #map1}, {transform_indices = #map}]} {
    %mul3A = arith.constant 640 : i32
    %mul3A_0 = arith.muli %arg1, %mul3A : i32
    "tpu.region"() ({
      %run_scoped3A_12 = tpu.sem_alloc : memref<!tpu.dma_semaphore, #tpu.memory_space<semaphore_mem>>
      %dma_start3A = arith.constant 0 : i32
      %dma_start3A_13 = tpu.memref_slice %arg13[%mul3A_0, %dma_start3A] : memref<10240x64xf32, #tpu.memory_space<vmem_shared>> -> memref<640x64xf32, #tpu.memory_space<vmem_shared>>
      %dma_start3A_14 = arith.constant 0 : i32
      %dma_start3A_15 = tpu.memref_slice %arg4[%mul3A_0, %dma_start3A_14] : memref<10240x64xf32, #tpu.memory_space<hbm>> -> memref<640x64xf32, #tpu.memory_space<hbm>>
      tpu.enqueue_dma source(%dma_start3A_15 : memref<640x64xf32, #tpu.memory_space<hbm>>) target(%dma_start3A_13 : memref<640x64xf32, #tpu.memory_space<vmem_shared>>) target_semaphore(%run_scoped3A_12 : memref<!tpu.dma_semaphore, #tpu.memory_space<semaphore_mem>>)
      %dma_wait3A = arith.constant 0 : i32
      %dma_wait3A_16 = tpu.memref_slice %arg13[%mul3A_0, %dma_wait3A] : memref<10240x64xf32, #tpu.memory_space<vmem_shared>> -> memref<640x64xf32, #tpu.memory_space<vmem_shared>>
      %dma_wait3A_17 = arith.constant 0 : i32
      %dma_wait3A_18 = tpu.memref_slice %arg4[%mul3A_0, %dma_wait3A_17] : memref<10240x64xf32, #tpu.memory_space<hbm>> -> memref<640x64xf32, #tpu.memory_space<hbm>>
      tpu.wait_dma2 semaphore(%run_scoped3A_12 : memref<!tpu.dma_semaphore, #tpu.memory_space<semaphore_mem>>) src(%dma_wait3A_18 : memref<640x64xf32, #tpu.memory_space<hbm>>) dst(%dma_wait3A_16 : memref<640x64xf32, #tpu.memory_space<vmem_shared>>)
      tpu.yield
    }) : () -> ()
    %mul3A_1 = arith.constant 160 : i32
    %mul3A_2 = arith.muli %arg1, %mul3A_1 : i32
    %run_scoped3A = arith.constant 0 : i32
    "tpu.region"() ({
      %run_scoped3A_12 = tpu.sem_alloc : memref<!tpu.dma_semaphore, #tpu.memory_space<semaphore_mem>>
      %dma_start3A = arith.constant 0 : i32
      %dma_start3A_13 = tpu.memref_slice %arg3[%run_scoped3A, %mul3A_2, %dma_start3A] : memref<2x2560x125xi32, #tpu.memory_space<hbm>> -> memref<1x160x125xi32, #tpu.memory_space<hbm>>
      %dma_start3A_14 = tpu.memref_squeeze %dma_start3A_13 : memref<1x160x125xi32, #tpu.memory_space<hbm>> -> memref<160x125xi32, #tpu.memory_space<hbm>>
      %dma_start3A_15 = arith.constant 0 : i32
      %dma_start3A_16 = tpu.memref_slice %arg3[%run_scoped3A, %mul3A_2, %dma_start3A_15] : memref<2x2560x125xi32, #tpu.memory_space<hbm>> -> memref<1x160x125xi32, #tpu.memory_space<hbm>>
      %dma_start3A_17 = tpu.memref_squeeze %dma_start3A_16 : memref<1x160x125xi32, #tpu.memory_space<hbm>> -> memref<160x125xi32, #tpu.memory_space<hbm>>
      tpu.enqueue_dma source(%dma_start3A_17 : memref<160x125xi32, #tpu.memory_space<hbm>>) target(%arg6 : memref<160x125xi32, #tpu.memory_space<vmem>>) target_semaphore(%run_scoped3A_12 : memref<!tpu.dma_semaphore, #tpu.memory_space<semaphore_mem>>)
      %dma_wait3A = arith.constant 0 : i32
      %dma_wait3A_18 = tpu.memref_slice %arg3[%run_scoped3A, %mul3A_2, %dma_wait3A] : memref<2x2560x125xi32, #tpu.memory_space<hbm>> -> memref<1x160x125xi32, #tpu.memory_space<hbm>>
      %dma_wait3A_19 = tpu.memref_squeeze %dma_wait3A_18 : memref<1x160x125xi32, #tpu.memory_space<hbm>> -> memref<160x125xi32, #tpu.memory_space<hbm>>
      %dma_wait3A_20 = arith.constant 0 : i32
      %dma_wait3A_21 = tpu.memref_slice %arg3[%run_scoped3A, %mul3A_2, %dma_wait3A_20] : memref<2x2560x125xi32, #tpu.memory_space<hbm>> -> memref<1x160x125xi32, #tpu.memory_space<hbm>>
      %dma_wait3A_22 = tpu.memref_squeeze %dma_wait3A_21 : memref<1x160x125xi32, #tpu.memory_space<hbm>> -> memref<160x125xi32, #tpu.memory_space<hbm>>
      tpu.wait_dma2 semaphore(%run_scoped3A_12 : memref<!tpu.dma_semaphore, #tpu.memory_space<semaphore_mem>>) src(%dma_wait3A_22 : memref<160x125xi32, #tpu.memory_space<hbm>>) dst(%arg6 : memref<160x125xi32, #tpu.memory_space<vmem>>)
      tpu.yield
    }) : () -> ()
    %mul3A_3 = arith.constant 160 : i32
    %mul3A_4 = arith.muli %arg1, %mul3A_3 : i32
    %run_scoped3A_5 = arith.constant 1 : i32
    "tpu.region"() ({
      %run_scoped3A_12 = tpu.sem_alloc : memref<!tpu.dma_semaphore, #tpu.memory_space<semaphore_mem>>
      %dma_start3A = arith.constant 0 : i32
      %dma_start3A_13 = tpu.memref_slice %arg3[%run_scoped3A_5, %mul3A_4, %dma_start3A] : memref<2x2560x125xi32, #tpu.memory_space<hbm>> -> memref<1x160x125xi32, #tpu.memory_space<hbm>>
      %dma_start3A_14 = tpu.memref_squeeze %dma_start3A_13 : memref<1x160x125xi32, #tpu.memory_space<hbm>> -> memref<160x125xi32, #tpu.memory_space<hbm>>
      %dma_start3A_15 = arith.constant 0 : i32
      %dma_start3A_16 = tpu.memref_slice %arg3[%run_scoped3A_5, %mul3A_4, %dma_start3A_15] : memref<2x2560x125xi32, #tpu.memory_space<hbm>> -> memref<1x160x125xi32, #tpu.memory_space<hbm>>
      %dma_start3A_17 = tpu.memref_squeeze %dma_start3A_16 : memref<1x160x125xi32, #tpu.memory_space<hbm>> -> memref<160x125xi32, #tpu.memory_space<hbm>>
      tpu.enqueue_dma source(%dma_start3A_17 : memref<160x125xi32, #tpu.memory_space<hbm>>) target(%arg7 : memref<160x125xi32, #tpu.memory_space<vmem>>) target_semaphore(%run_scoped3A_12 : memref<!tpu.dma_semaphore, #tpu.memory_space<semaphore_mem>>)
      %dma_wait3A = arith.constant 0 : i32
      %dma_wait3A_18 = tpu.memref_slice %arg3[%run_scoped3A_5, %mul3A_4, %dma_wait3A] : memref<2x2560x125xi32, #tpu.memory_space<hbm>> -> memref<1x160x125xi32, #tpu.memory_space<hbm>>
      %dma_wait3A_19 = tpu.memref_squeeze %dma_wait3A_18 : memref<1x160x125xi32, #tpu.memory_space<hbm>> -> memref<160x125xi32, #tpu.memory_space<hbm>>
      %dma_wait3A_20 = arith.constant 0 : i32
      %dma_wait3A_21 = tpu.memref_slice %arg3[%run_scoped3A_5, %mul3A_4, %dma_wait3A_20] : memref<2x2560x125xi32, #tpu.memory_space<hbm>> -> memref<1x160x125xi32, #tpu.memory_space<hbm>>
      %dma_wait3A_22 = tpu.memref_squeeze %dma_wait3A_21 : memref<1x160x125xi32, #tpu.memory_space<hbm>> -> memref<160x125xi32, #tpu.memory_space<hbm>>
      tpu.wait_dma2 semaphore(%run_scoped3A_12 : memref<!tpu.dma_semaphore, #tpu.memory_space<semaphore_mem>>) src(%dma_wait3A_22 : memref<160x125xi32, #tpu.memory_space<hbm>>) dst(%arg7 : memref<160x125xi32, #tpu.memory_space<vmem>>)
      tpu.yield
    }) : () -> ()
    %barrier3A = arith.constant 0 : index
    tpu.barrier barrier_id(%barrier3A)
    %scan3A = arith.constant 0 : i32
    %scan3A_6 = arith.constant 0 : i32
    %scan3A_7 = arith.constant 32 : i32
    %scan3A_8 = arith.addi %scan3A_6, %scan3A_7 : i32
    %scan3A_9 = arith.constant 1 : i32
    scf.for %scan3A_12 = %scan3A_6 to %scan3A_8 step %scan3A_9  : i32 {
      %mul3A_13 = arith.constant 5 : i32
      %mul3A_14 = arith.muli %scan3A_12, %mul3A_13 : i32
      %add3A = arith.constant 0 : i32
      %add3A_15 = arith.addi %mul3A_14, %add3A : i32
      %dma_start3A = arith.constant 0 : i32
      %dma_start3A_16 = tpu.memref_slice %arg6[%add3A_15, %dma_start3A] : memref<160x125xi32, #tpu.memory_space<vmem>> -> memref<1x125xi32, #tpu.memory_space<vmem>>
      %dma_start3A_17 = tpu.memref_squeeze %dma_start3A_16 : memref<1x125xi32, #tpu.memory_space<vmem>> -> memref<125xi32, #tpu.memory_space<vmem>>
      %dma_start3A_18 = arith.constant 0 : i32
      %dma_start3A_19 = arith.constant 0 : i32
      %dma_start3A_20 = tpu.memref_slice %arg2[%arg0, %dma_start3A_18, %dma_start3A_19] : memref<2x10240x64xf32, #tpu.memory_space<hbm>> -> memref<1x10240x64xf32, #tpu.memory_space<hbm>>
      %dma_start3A_21 = tpu.memref_squeeze %dma_start3A_20 : memref<1x10240x64xf32, #tpu.memory_space<hbm>> -> memref<10240x64xf32, #tpu.memory_space<hbm>>
      %dma_start3A_22 = arith.constant 0 : i32
      %dma_start3A_23 = arith.constant 0 : i32
      %dma_start3A_24 = tpu.memref_slice %dma_start3A_21[%dma_start3A_22, %dma_start3A_23] : memref<10240x64xf32, #tpu.memory_space<hbm>> -> memref<10240x64xf32, #tpu.memory_space<hbm>>
      tpu.enqueue_indirect_dma source(%dma_start3A_24 : memref<10240x64xf32, #tpu.memory_space<hbm>>) target(%arg8 : memref<125x64xf32, #tpu.memory_space<vmem>>) offsets(%dma_start3A_17 : memref<125xi32, #tpu.memory_space<vmem>>) semaphore(%arg14 : memref<!tpu.dma_semaphore, #tpu.memory_space<semaphore_mem>>)
      %add3A_25 = arith.constant 1 : i32
      %add3A_26 = arith.addi %mul3A_14, %add3A_25 : i32
      %dma_start3A_27 = arith.constant 0 : i32
      %dma_start3A_28 = tpu.memref_slice %arg6[%add3A_26, %dma_start3A_27] : memref<160x125xi32, #tpu.memory_space<vmem>> -> memref<1x125xi32, #tpu.memory_space<vmem>>
      %dma_start3A_29 = tpu.memref_squeeze %dma_start3A_28 : memref<1x125xi32, #tpu.memory_space<vmem>> -> memref<125xi32, #tpu.memory_space<vmem>>
      %dma_start3A_30 = arith.constant 0 : i32
      %dma_start3A_31 = arith.constant 0 : i32
      %dma_start3A_32 = tpu.memref_slice %arg2[%arg0, %dma_start3A_30, %dma_start3A_31] : memref<2x10240x64xf32, #tpu.memory_space<hbm>> -> memref<1x10240x64xf32, #tpu.memory_space<hbm>>
      %dma_start3A_33 = tpu.memref_squeeze %dma_start3A_32 : memref<1x10240x64xf32, #tpu.memory_space<hbm>> -> memref<10240x64xf32, #tpu.memory_space<hbm>>
      %dma_start3A_34 = arith.constant 0 : i32
      %dma_start3A_35 = arith.constant 0 : i32
      %dma_start3A_36 = tpu.memref_slice %dma_start3A_33[%dma_start3A_34, %dma_start3A_35] : memref<10240x64xf32, #tpu.memory_space<hbm>> -> memref<10240x64xf32, #tpu.memory_space<hbm>>
      tpu.enqueue_indirect_dma source(%dma_start3A_36 : memref<10240x64xf32, #tpu.memory_space<hbm>>) target(%arg9 : memref<125x64xf32, #tpu.memory_space<vmem>>) offsets(%dma_start3A_29 : memref<125xi32, #tpu.memory_space<vmem>>) semaphore(%arg15 : memref<!tpu.dma_semaphore, #tpu.memory_space<semaphore_mem>>)
      %add3A_37 = arith.constant 2 : i32
      %add3A_38 = arith.addi %mul3A_14, %add3A_37 : i32
      %dma_start3A_39 = arith.constant 0 : i32
      %dma_start3A_40 = tpu.memref_slice %arg6[%add3A_38, %dma_start3A_39] : memref<160x125xi32, #tpu.memory_space<vmem>> -> memref<1x125xi32, #tpu.memory_space<vmem>>
      %dma_start3A_41 = tpu.memref_squeeze %dma_start3A_40 : memref<1x125xi32, #tpu.memory_space<vmem>> -> memref<125xi32, #tpu.memory_space<vmem>>
      %dma_start3A_42 = arith.constant 0 : i32
      %dma_start3A_43 = arith.constant 0 : i32
      %dma_start3A_44 = tpu.memref_slice %arg2[%arg0, %dma_start3A_42, %dma_start3A_43] : memref<2x10240x64xf32, #tpu.memory_space<hbm>> -> memref<1x10240x64xf32, #tpu.memory_space<hbm>>
      %dma_start3A_45 = tpu.memref_squeeze %dma_start3A_44 : memref<1x10240x64xf32, #tpu.memory_space<hbm>> -> memref<10240x64xf32, #tpu.memory_space<hbm>>
      %dma_start3A_46 = arith.constant 0 : i32
      %dma_start3A_47 = arith.constant 0 : i32
      %dma_start3A_48 = tpu.memref_slice %dma_start3A_45[%dma_start3A_46, %dma_start3A_47] : memref<10240x64xf32, #tpu.memory_space<hbm>> -> memref<10240x64xf32, #tpu.memory_space<hbm>>
      tpu.enqueue_indirect_dma source(%dma_start3A_48 : memref<10240x64xf32, #tpu.memory_space<hbm>>) target(%arg10 : memref<125x64xf32, #tpu.memory_space<vmem>>) offsets(%dma_start3A_41 : memref<125xi32, #tpu.memory_space<vmem>>) semaphore(%arg16 : memref<!tpu.dma_semaphore, #tpu.memory_space<semaphore_mem>>)
      %add3A_49 = arith.constant 3 : i32
      %add3A_50 = arith.addi %mul3A_14, %add3A_49 : i32
      %dma_start3A_51 = arith.constant 0 : i32
      %dma_start3A_52 = tpu.memref_slice %arg6[%add3A_50, %dma_start3A_51] : memref<160x125xi32, #tpu.memory_space<vmem>> -> memref<1x125xi32, #tpu.memory_space<vmem>>
      %dma_start3A_53 = tpu.memref_squeeze %dma_start3A_52 : memref<1x125xi32, #tpu.memory_space<vmem>> -> memref<125xi32, #tpu.memory_space<vmem>>
      %dma_start3A_54 = arith.constant 0 : i32
      %dma_start3A_55 = arith.constant 0 : i32
      %dma_start3A_56 = tpu.memref_slice %arg2[%arg0, %dma_start3A_54, %dma_start3A_55] : memref<2x10240x64xf32, #tpu.memory_space<hbm>> -> memref<1x10240x64xf32, #tpu.memory_space<hbm>>
      %dma_start3A_57 = tpu.memref_squeeze %dma_start3A_56 : memref<1x10240x64xf32, #tpu.memory_space<hbm>> -> memref<10240x64xf32, #tpu.memory_space<hbm>>
      %dma_start3A_58 = arith.constant 0 : i32
      %dma_start3A_59 = arith.constant 0 : i32
      %dma_start3A_60 = tpu.memref_slice %dma_start3A_57[%dma_start3A_58, %dma_start3A_59] : memref<10240x64xf32, #tpu.memory_space<hbm>> -> memref<10240x64xf32, #tpu.memory_space<hbm>>
      tpu.enqueue_indirect_dma source(%dma_start3A_60 : memref<10240x64xf32, #tpu.memory_space<hbm>>) target(%arg11 : memref<125x64xf32, #tpu.memory_space<vmem>>) offsets(%dma_start3A_53 : memref<125xi32, #tpu.memory_space<vmem>>) semaphore(%arg17 : memref<!tpu.dma_semaphore, #tpu.memory_space<semaphore_mem>>)
      %add3A_61 = arith.constant 4 : i32
      %add3A_62 = arith.addi %mul3A_14, %add3A_61 : i32
      %dma_start3A_63 = arith.constant 0 : i32
      %dma_start3A_64 = tpu.memref_slice %arg6[%add3A_62, %dma_start3A_63] : memref<160x125xi32, #tpu.memory_space<vmem>> -> memref<1x125xi32, #tpu.memory_space<vmem>>
      %dma_start3A_65 = tpu.memref_squeeze %dma_start3A_64 : memref<1x125xi32, #tpu.memory_space<vmem>> -> memref<125xi32, #tpu.memory_space<vmem>>
      %dma_start3A_66 = arith.constant 0 : i32
      %dma_start3A_67 = arith.constant 0 : i32
      %dma_start3A_68 = tpu.memref_slice %arg2[%arg0, %dma_start3A_66, %dma_start3A_67] : memref<2x10240x64xf32, #tpu.memory_space<hbm>> -> memref<1x10240x64xf32, #tpu.memory_space<hbm>>
      %dma_start3A_69 = tpu.memref_squeeze %dma_start3A_68 : memref<1x10240x64xf32, #tpu.memory_space<hbm>> -> memref<10240x64xf32, #tpu.memory_space<hbm>>
      %dma_start3A_70 = arith.constant 0 : i32
      %dma_start3A_71 = arith.constant 0 : i32
      %dma_start3A_72 = tpu.memref_slice %dma_start3A_69[%dma_start3A_70, %dma_start3A_71] : memref<10240x64xf32, #tpu.memory_space<hbm>> -> memref<10240x64xf32, #tpu.memory_space<hbm>>
      tpu.enqueue_indirect_dma source(%dma_start3A_72 : memref<10240x64xf32, #tpu.memory_space<hbm>>) target(%arg12 : memref<125x64xf32, #tpu.memory_space<vmem>>) offsets(%dma_start3A_65 : memref<125xi32, #tpu.memory_space<vmem>>) semaphore(%arg18 : memref<!tpu.dma_semaphore, #tpu.memory_space<semaphore_mem>>)
      %dma_wait3A = arith.constant 0 : i32
      %dma_wait3A_73 = tpu.memref_slice %arg6[%add3A_15, %dma_wait3A] : memref<160x125xi32, #tpu.memory_space<vmem>> -> memref<1x125xi32, #tpu.memory_space<vmem>>
      %dma_wait3A_74 = tpu.memref_squeeze %dma_wait3A_73 : memref<1x125xi32, #tpu.memory_space<vmem>> -> memref<125xi32, #tpu.memory_space<vmem>>
      %dma_wait3A_75 = arith.constant 0 : i32
      %dma_wait3A_76 = arith.constant 0 : i32
      %dma_wait3A_77 = tpu.memref_slice %arg2[%arg0, %dma_wait3A_75, %dma_wait3A_76] : memref<2x10240x64xf32, #tpu.memory_space<hbm>> -> memref<1x10240x64xf32, #tpu.memory_space<hbm>>
      %dma_wait3A_78 = tpu.memref_squeeze %dma_wait3A_77 : memref<1x10240x64xf32, #tpu.memory_space<hbm>> -> memref<10240x64xf32, #tpu.memory_space<hbm>>
      %dma_wait3A_79 = arith.constant 0 : i32
      %dma_wait3A_80 = arith.constant 0 : i32
      %dma_wait3A_81 = tpu.memref_slice %dma_wait3A_78[%dma_wait3A_79, %dma_wait3A_80] : memref<10240x64xf32, #tpu.memory_space<hbm>> -> memref<10240x64xf32, #tpu.memory_space<hbm>>
      tpu.wait_indirect_dma semaphore(%arg14 : memref<!tpu.dma_semaphore, #tpu.memory_space<semaphore_mem>>) src(%dma_wait3A_81 : memref<10240x64xf32, #tpu.memory_space<hbm>>) dst(%arg8 : memref<125x64xf32, #tpu.memory_space<vmem>>)
      %add3A_82 = arith.constant 0 : i32
      %add3A_83 = arith.addi %mul3A_14, %add3A_82 : i32
      %dma_start3A_84 = arith.constant 0 : i32
      %dma_start3A_85 = tpu.memref_slice %arg7[%add3A_83, %dma_start3A_84] : memref<160x125xi32, #tpu.memory_space<vmem>> -> memref<1x125xi32, #tpu.memory_space<vmem>>
      %dma_start3A_86 = tpu.memref_squeeze %dma_start3A_85 : memref<1x125xi32, #tpu.memory_space<vmem>> -> memref<125xi32, #tpu.memory_space<vmem>>
      %dma_start3A_87 = arith.constant 0 : i32
      %dma_start3A_88 = arith.constant 0 : i32
      %dma_start3A_89 = tpu.memref_slice %arg13[%dma_start3A_87, %dma_start3A_88] : memref<10240x64xf32, #tpu.memory_space<vmem_shared>> -> memref<10240x64xf32, #tpu.memory_space<vmem_shared>>
      tpu.enqueue_indirect_dma source(%arg8 : memref<125x64xf32, #tpu.memory_space<vmem>>) target(%dma_start3A_89 : memref<10240x64xf32, #tpu.memory_space<vmem_shared>>) offsets(%dma_start3A_86 : memref<125xi32, #tpu.memory_space<vmem>>) semaphore(%arg19 : memref<!tpu.dma_semaphore, #tpu.memory_space<semaphore_mem>>) {add = true}
      %dma_wait3A_90 = arith.constant 0 : i32
      %dma_wait3A_91 = tpu.memref_slice %arg6[%add3A_26, %dma_wait3A_90] : memref<160x125xi32, #tpu.memory_space<vmem>> -> memref<1x125xi32, #tpu.memory_space<vmem>>
      %dma_wait3A_92 = tpu.memref_squeeze %dma_wait3A_91 : memref<1x125xi32, #tpu.memory_space<vmem>> -> memref<125xi32, #tpu.memory_space<vmem>>
      %dma_wait3A_93 = arith.constant 0 : i32
      %dma_wait3A_94 = arith.constant 0 : i32
      %dma_wait3A_95 = tpu.memref_slice %arg2[%arg0, %dma_wait3A_93, %dma_wait3A_94] : memref<2x10240x64xf32, #tpu.memory_space<hbm>> -> memref<1x10240x64xf32, #tpu.memory_space<hbm>>
      %dma_wait3A_96 = tpu.memref_squeeze %dma_wait3A_95 : memref<1x10240x64xf32, #tpu.memory_space<hbm>> -> memref<10240x64xf32, #tpu.memory_space<hbm>>
      %dma_wait3A_97 = arith.constant 0 : i32
      %dma_wait3A_98 = arith.constant 0 : i32
      %dma_wait3A_99 = tpu.memref_slice %dma_wait3A_96[%dma_wait3A_97, %dma_wait3A_98] : memref<10240x64xf32, #tpu.memory_space<hbm>> -> memref<10240x64xf32, #tpu.memory_space<hbm>>
      tpu.wait_indirect_dma semaphore(%arg15 : memref<!tpu.dma_semaphore, #tpu.memory_space<semaphore_mem>>) src(%dma_wait3A_99 : memref<10240x64xf32, #tpu.memory_space<hbm>>) dst(%arg9 : memref<125x64xf32, #tpu.memory_space<vmem>>)
      %add3A_100 = arith.constant 1 : i32
      %add3A_101 = arith.addi %mul3A_14, %add3A_100 : i32
      %dma_start3A_102 = arith.constant 0 : i32
      %dma_start3A_103 = tpu.memref_slice %arg7[%add3A_101, %dma_start3A_102] : memref<160x125xi32, #tpu.memory_space<vmem>> -> memref<1x125xi32, #tpu.memory_space<vmem>>
      %dma_start3A_104 = tpu.memref_squeeze %dma_start3A_103 : memref<1x125xi32, #tpu.memory_space<vmem>> -> memref<125xi32, #tpu.memory_space<vmem>>
      %dma_start3A_105 = arith.constant 0 : i32
      %dma_start3A_106 = arith.constant 0 : i32
      %dma_start3A_107 = tpu.memref_slice %arg13[%dma_start3A_105, %dma_start3A_106] : memref<10240x64xf32, #tpu.memory_space<vmem_shared>> -> memref<10240x64xf32, #tpu.memory_space<vmem_shared>>
      tpu.enqueue_indirect_dma source(%arg9 : memref<125x64xf32, #tpu.memory_space<vmem>>) target(%dma_start3A_107 : memref<10240x64xf32, #tpu.memory_space<vmem_shared>>) offsets(%dma_start3A_104 : memref<125xi32, #tpu.memory_space<vmem>>) semaphore(%arg20 : memref<!tpu.dma_semaphore, #tpu.memory_space<semaphore_mem>>) {add = true}
      %dma_wait3A_108 = arith.constant 0 : i32
      %dma_wait3A_109 = tpu.memref_slice %arg6[%add3A_38, %dma_wait3A_108] : memref<160x125xi32, #tpu.memory_space<vmem>> -> memref<1x125xi32, #tpu.memory_space<vmem>>
      %dma_wait3A_110 = tpu.memref_squeeze %dma_wait3A_109 : memref<1x125xi32, #tpu.memory_space<vmem>> -> memref<125xi32, #tpu.memory_space<vmem>>
      %dma_wait3A_111 = arith.constant 0 : i32
      %dma_wait3A_112 = arith.constant 0 : i32
      %dma_wait3A_113 = tpu.memref_slice %arg2[%arg0, %dma_wait3A_111, %dma_wait3A_112] : memref<2x10240x64xf32, #tpu.memory_space<hbm>> -> memref<1x10240x64xf32, #tpu.memory_space<hbm>>
      %dma_wait3A_114 = tpu.memref_squeeze %dma_wait3A_113 : memref<1x10240x64xf32, #tpu.memory_space<hbm>> -> memref<10240x64xf32, #tpu.memory_space<hbm>>
      %dma_wait3A_115 = arith.constant 0 : i32
      %dma_wait3A_116 = arith.constant 0 : i32
      %dma_wait3A_117 = tpu.memref_slice %dma_wait3A_114[%dma_wait3A_115, %dma_wait3A_116] : memref<10240x64xf32, #tpu.memory_space<hbm>> -> memref<10240x64xf32, #tpu.memory_space<hbm>>
      tpu.wait_indirect_dma semaphore(%arg16 : memref<!tpu.dma_semaphore, #tpu.memory_space<semaphore_mem>>) src(%dma_wait3A_117 : memref<10240x64xf32, #tpu.memory_space<hbm>>) dst(%arg10 : memref<125x64xf32, #tpu.memory_space<vmem>>)
      %add3A_118 = arith.constant 2 : i32
      %add3A_119 = arith.addi %mul3A_14, %add3A_118 : i32
      %dma_start3A_120 = arith.constant 0 : i32
      %dma_start3A_121 = tpu.memref_slice %arg7[%add3A_119, %dma_start3A_120] : memref<160x125xi32, #tpu.memory_space<vmem>> -> memref<1x125xi32, #tpu.memory_space<vmem>>
      %dma_start3A_122 = tpu.memref_squeeze %dma_start3A_121 : memref<1x125xi32, #tpu.memory_space<vmem>> -> memref<125xi32, #tpu.memory_space<vmem>>
      %dma_start3A_123 = arith.constant 0 : i32
      %dma_start3A_124 = arith.constant 0 : i32
      %dma_start3A_125 = tpu.memref_slice %arg13[%dma_start3A_123, %dma_start3A_124] : memref<10240x64xf32, #tpu.memory_space<vmem_shared>> -> memref<10240x64xf32, #tpu.memory_space<vmem_shared>>
      tpu.enqueue_indirect_dma source(%arg10 : memref<125x64xf32, #tpu.memory_space<vmem>>) target(%dma_start3A_125 : memref<10240x64xf32, #tpu.memory_space<vmem_shared>>) offsets(%dma_start3A_122 : memref<125xi32, #tpu.memory_space<vmem>>) semaphore(%arg21 : memref<!tpu.dma_semaphore, #tpu.memory_space<semaphore_mem>>) {add = true}
      %dma_wait3A_126 = arith.constant 0 : i32
      %dma_wait3A_127 = tpu.memref_slice %arg6[%add3A_50, %dma_wait3A_126] : memref<160x125xi32, #tpu.memory_space<vmem>> -> memref<1x125xi32, #tpu.memory_space<vmem>>
      %dma_wait3A_128 = tpu.memref_squeeze %dma_wait3A_127 : memref<1x125xi32, #tpu.memory_space<vmem>> -> memref<125xi32, #tpu.memory_space<vmem>>
      %dma_wait3A_129 = arith.constant 0 : i32
      %dma_wait3A_130 = arith.constant 0 : i32
      %dma_wait3A_131 = tpu.memref_slice %arg2[%arg0, %dma_wait3A_129, %dma_wait3A_130] : memref<2x10240x64xf32, #tpu.memory_space<hbm>> -> memref<1x10240x64xf32, #tpu.memory_space<hbm>>
      %dma_wait3A_132 = tpu.memref_squeeze %dma_wait3A_131 : memref<1x10240x64xf32, #tpu.memory_space<hbm>> -> memref<10240x64xf32, #tpu.memory_space<hbm>>
      %dma_wait3A_133 = arith.constant 0 : i32
      %dma_wait3A_134 = arith.constant 0 : i32
      %dma_wait3A_135 = tpu.memref_slice %dma_wait3A_132[%dma_wait3A_133, %dma_wait3A_134] : memref<10240x64xf32, #tpu.memory_space<hbm>> -> memref<10240x64xf32, #tpu.memory_space<hbm>>
      tpu.wait_indirect_dma semaphore(%arg17 : memref<!tpu.dma_semaphore, #tpu.memory_space<semaphore_mem>>) src(%dma_wait3A_135 : memref<10240x64xf32, #tpu.memory_space<hbm>>) dst(%arg11 : memref<125x64xf32, #tpu.memory_space<vmem>>)
      %add3A_136 = arith.constant 3 : i32
      %add3A_137 = arith.addi %mul3A_14, %add3A_136 : i32
      %dma_start3A_138 = arith.constant 0 : i32
      %dma_start3A_139 = tpu.memref_slice %arg7[%add3A_137, %dma_start3A_138] : memref<160x125xi32, #tpu.memory_space<vmem>> -> memref<1x125xi32, #tpu.memory_space<vmem>>
      %dma_start3A_140 = tpu.memref_squeeze %dma_start3A_139 : memref<1x125xi32, #tpu.memory_space<vmem>> -> memref<125xi32, #tpu.memory_space<vmem>>
      %dma_start3A_141 = arith.constant 0 : i32
      %dma_start3A_142 = arith.constant 0 : i32
      %dma_start3A_143 = tpu.memref_slice %arg13[%dma_start3A_141, %dma_start3A_142] : memref<10240x64xf32, #tpu.memory_space<vmem_shared>> -> memref<10240x64xf32, #tpu.memory_space<vmem_shared>>
      tpu.enqueue_indirect_dma source(%arg11 : memref<125x64xf32, #tpu.memory_space<vmem>>) target(%dma_start3A_143 : memref<10240x64xf32, #tpu.memory_space<vmem_shared>>) offsets(%dma_start3A_140 : memref<125xi32, #tpu.memory_space<vmem>>) semaphore(%arg22 : memref<!tpu.dma_semaphore, #tpu.memory_space<semaphore_mem>>) {add = true}
      %dma_wait3A_144 = arith.constant 0 : i32
      %dma_wait3A_145 = tpu.memref_slice %arg6[%add3A_62, %dma_wait3A_144] : memref<160x125xi32, #tpu.memory_space<vmem>> -> memref<1x125xi32, #tpu.memory_space<vmem>>
      %dma_wait3A_146 = tpu.memref_squeeze %dma_wait3A_145 : memref<1x125xi32, #tpu.memory_space<vmem>> -> memref<125xi32, #tpu.memory_space<vmem>>
      %dma_wait3A_147 = arith.constant 0 : i32
      %dma_wait3A_148 = arith.constant 0 : i32
      %dma_wait3A_149 = tpu.memref_slice %arg2[%arg0, %dma_wait3A_147, %dma_wait3A_148] : memref<2x10240x64xf32, #tpu.memory_space<hbm>> -> memref<1x10240x64xf32, #tpu.memory_space<hbm>>
      %dma_wait3A_150 = tpu.memref_squeeze %dma_wait3A_149 : memref<1x10240x64xf32, #tpu.memory_space<hbm>> -> memref<10240x64xf32, #tpu.memory_space<hbm>>
      %dma_wait3A_151 = arith.constant 0 : i32
      %dma_wait3A_152 = arith.constant 0 : i32
      %dma_wait3A_153 = tpu.memref_slice %dma_wait3A_150[%dma_wait3A_151, %dma_wait3A_152] : memref<10240x64xf32, #tpu.memory_space<hbm>> -> memref<10240x64xf32, #tpu.memory_space<hbm>>
      tpu.wait_indirect_dma semaphore(%arg18 : memref<!tpu.dma_semaphore, #tpu.memory_space<semaphore_mem>>) src(%dma_wait3A_153 : memref<10240x64xf32, #tpu.memory_space<hbm>>) dst(%arg12 : memref<125x64xf32, #tpu.memory_space<vmem>>)
      %add3A_154 = arith.constant 4 : i32
      %add3A_155 = arith.addi %mul3A_14, %add3A_154 : i32
      %dma_start3A_156 = arith.constant 0 : i32
      %dma_start3A_157 = tpu.memref_slice %arg7[%add3A_155, %dma_start3A_156] : memref<160x125xi32, #tpu.memory_space<vmem>> -> memref<1x125xi32, #tpu.memory_space<vmem>>
      %dma_start3A_158 = tpu.memref_squeeze %dma_start3A_157 : memref<1x125xi32, #tpu.memory_space<vmem>> -> memref<125xi32, #tpu.memory_space<vmem>>
      %dma_start3A_159 = arith.constant 0 : i32
      %dma_start3A_160 = arith.constant 0 : i32
      %dma_start3A_161 = tpu.memref_slice %arg13[%dma_start3A_159, %dma_start3A_160] : memref<10240x64xf32, #tpu.memory_space<vmem_shared>> -> memref<10240x64xf32, #tpu.memory_space<vmem_shared>>
      tpu.enqueue_indirect_dma source(%arg12 : memref<125x64xf32, #tpu.memory_space<vmem>>) target(%dma_start3A_161 : memref<10240x64xf32, #tpu.memory_space<vmem_shared>>) offsets(%dma_start3A_158 : memref<125xi32, #tpu.memory_space<vmem>>) semaphore(%arg23 : memref<!tpu.dma_semaphore, #tpu.memory_space<semaphore_mem>>) {add = true}
      %dma_wait3A_162 = arith.constant 0 : i32
      %dma_wait3A_163 = tpu.memref_slice %arg7[%add3A_83, %dma_wait3A_162] : memref<160x125xi32, #tpu.memory_space<vmem>> -> memref<1x125xi32, #tpu.memory_space<vmem>>
      %dma_wait3A_164 = tpu.memref_squeeze %dma_wait3A_163 : memref<1x125xi32, #tpu.memory_space<vmem>> -> memref<125xi32, #tpu.memory_space<vmem>>
      %dma_wait3A_165 = arith.constant 0 : i32
      %dma_wait3A_166 = arith.constant 0 : i32
      %dma_wait3A_167 = tpu.memref_slice %arg13[%dma_wait3A_165, %dma_wait3A_166] : memref<10240x64xf32, #tpu.memory_space<vmem_shared>> -> memref<10240x64xf32, #tpu.memory_space<vmem_shared>>
      tpu.wait_indirect_dma semaphore(%arg19 : memref<!tpu.dma_semaphore, #tpu.memory_space<semaphore_mem>>) src(%arg8 : memref<125x64xf32, #tpu.memory_space<vmem>>) dst(%dma_wait3A_167 : memref<10240x64xf32, #tpu.memory_space<vmem_shared>>)
      %dma_wait3A_168 = arith.constant 0 : i32
      %dma_wait3A_169 = tpu.memref_slice %arg7[%add3A_101, %dma_wait3A_168] : memref<160x125xi32, #tpu.memory_space<vmem>> -> memref<1x125xi32, #tpu.memory_space<vmem>>
      %dma_wait3A_170 = tpu.memref_squeeze %dma_wait3A_169 : memref<1x125xi32, #tpu.memory_space<vmem>> -> memref<125xi32, #tpu.memory_space<vmem>>
      %dma_wait3A_171 = arith.constant 0 : i32
      %dma_wait3A_172 = arith.constant 0 : i32
      %dma_wait3A_173 = tpu.memref_slice %arg13[%dma_wait3A_171, %dma_wait3A_172] : memref<10240x64xf32, #tpu.memory_space<vmem_shared>> -> memref<10240x64xf32, #tpu.memory_space<vmem_shared>>
      tpu.wait_indirect_dma semaphore(%arg20 : memref<!tpu.dma_semaphore, #tpu.memory_space<semaphore_mem>>) src(%arg9 : memref<125x64xf32, #tpu.memory_space<vmem>>) dst(%dma_wait3A_173 : memref<10240x64xf32, #tpu.memory_space<vmem_shared>>)
      %dma_wait3A_174 = arith.constant 0 : i32
      %dma_wait3A_175 = tpu.memref_slice %arg7[%add3A_119, %dma_wait3A_174] : memref<160x125xi32, #tpu.memory_space<vmem>> -> memref<1x125xi32, #tpu.memory_space<vmem>>
      %dma_wait3A_176 = tpu.memref_squeeze %dma_wait3A_175 : memref<1x125xi32, #tpu.memory_space<vmem>> -> memref<125xi32, #tpu.memory_space<vmem>>
      %dma_wait3A_177 = arith.constant 0 : i32
      %dma_wait3A_178 = arith.constant 0 : i32
      %dma_wait3A_179 = tpu.memref_slice %arg13[%dma_wait3A_177, %dma_wait3A_178] : memref<10240x64xf32, #tpu.memory_space<vmem_shared>> -> memref<10240x64xf32, #tpu.memory_space<vmem_shared>>
      tpu.wait_indirect_dma semaphore(%arg21 : memref<!tpu.dma_semaphore, #tpu.memory_space<semaphore_mem>>) src(%arg10 : memref<125x64xf32, #tpu.memory_space<vmem>>) dst(%dma_wait3A_179 : memref<10240x64xf32, #tpu.memory_space<vmem_shared>>)
      %dma_wait3A_180 = arith.constant 0 : i32
      %dma_wait3A_181 = tpu.memref_slice %arg7[%add3A_137, %dma_wait3A_180] : memref<160x125xi32, #tpu.memory_space<vmem>> -> memref<1x125xi32, #tpu.memory_space<vmem>>
      %dma_wait3A_182 = tpu.memref_squeeze %dma_wait3A_181 : memref<1x125xi32, #tpu.memory_space<vmem>> -> memref<125xi32, #tpu.memory_space<vmem>>
      %dma_wait3A_183 = arith.constant 0 : i32
      %dma_wait3A_184 = arith.constant 0 : i32
      %dma_wait3A_185 = tpu.memref_slice %arg13[%dma_wait3A_183, %dma_wait3A_184] : memref<10240x64xf32, #tpu.memory_space<vmem_shared>> -> memref<10240x64xf32, #tpu.memory_space<vmem_shared>>
      tpu.wait_indirect_dma semaphore(%arg22 : memref<!tpu.dma_semaphore, #tpu.memory_space<semaphore_mem>>) src(%arg11 : memref<125x64xf32, #tpu.memory_space<vmem>>) dst(%dma_wait3A_185 : memref<10240x64xf32, #tpu.memory_space<vmem_shared>>)
      %dma_wait3A_186 = arith.constant 0 : i32
      %dma_wait3A_187 = tpu.memref_slice %arg7[%add3A_155, %dma_wait3A_186] : memref<160x125xi32, #tpu.memory_space<vmem>> -> memref<1x125xi32, #tpu.memory_space<vmem>>
      %dma_wait3A_188 = tpu.memref_squeeze %dma_wait3A_187 : memref<1x125xi32, #tpu.memory_space<vmem>> -> memref<125xi32, #tpu.memory_space<vmem>>
      %dma_wait3A_189 = arith.constant 0 : i32
      %dma_wait3A_190 = arith.constant 0 : i32
      %dma_wait3A_191 = tpu.memref_slice %arg13[%dma_wait3A_189, %dma_wait3A_190] : memref<10240x64xf32, #tpu.memory_space<vmem_shared>> -> memref<10240x64xf32, #tpu.memory_space<vmem_shared>>
      tpu.wait_indirect_dma semaphore(%arg23 : memref<!tpu.dma_semaphore, #tpu.memory_space<semaphore_mem>>) src(%arg12 : memref<125x64xf32, #tpu.memory_space<vmem>>) dst(%dma_wait3A_191 : memref<10240x64xf32, #tpu.memory_space<vmem_shared>>)
    }
    %scan3A_10 = arith.constant 32 : i32
    %barrier3A_11 = arith.constant 0 : index
    tpu.barrier barrier_id(%barrier3A_11)
    "tpu.region"() ({
      %run_scoped3A_12 = tpu.sem_alloc : memref<!tpu.dma_semaphore, #tpu.memory_space<semaphore_mem>>
      %dma_start3A = arith.constant 0 : i32
      %dma_start3A_13 = tpu.memref_slice %arg5[%arg0, %mul3A_0, %dma_start3A] : memref<2x10240x64xf32, #tpu.memory_space<hbm>> -> memref<1x640x64xf32, #tpu.memory_space<hbm>>
      %dma_start3A_14 = tpu.memref_squeeze %dma_start3A_13 : memref<1x640x64xf32, #tpu.memory_space<hbm>> -> memref<640x64xf32, #tpu.memory_space<hbm>>
      %dma_start3A_15 = arith.constant 0 : i32
      %dma_start3A_16 = tpu.memref_slice %arg13[%mul3A_0, %dma_start3A_15] : memref<10240x64xf32, #tpu.memory_space<vmem_shared>> -> memref<640x64xf32, #tpu.memory_space<vmem_shared>>
      tpu.enqueue_dma source(%dma_start3A_16 : memref<640x64xf32, #tpu.memory_space<vmem_shared>>) target(%dma_start3A_14 : memref<640x64xf32, #tpu.memory_space<hbm>>) target_semaphore(%run_scoped3A_12 : memref<!tpu.dma_semaphore, #tpu.memory_space<semaphore_mem>>)
      %dma_wait3A = arith.constant 0 : i32
      %dma_wait3A_17 = tpu.memref_slice %arg5[%arg0, %mul3A_0, %dma_wait3A] : memref<2x10240x64xf32, #tpu.memory_space<hbm>> -> memref<1x640x64xf32, #tpu.memory_space<hbm>>
      %dma_wait3A_18 = tpu.memref_squeeze %dma_wait3A_17 : memref<1x640x64xf32, #tpu.memory_space<hbm>> -> memref<640x64xf32, #tpu.memory_space<hbm>>
      %dma_wait3A_19 = arith.constant 0 : i32
      %dma_wait3A_20 = tpu.memref_slice %arg13[%mul3A_0, %dma_wait3A_19] : memref<10240x64xf32, #tpu.memory_space<vmem_shared>> -> memref<640x64xf32, #tpu.memory_space<vmem_shared>>
      tpu.wait_dma2 semaphore(%run_scoped3A_12 : memref<!tpu.dma_semaphore, #tpu.memory_space<semaphore_mem>>) src(%dma_wait3A_20 : memref<640x64xf32, #tpu.memory_space<vmem_shared>>) dst(%dma_wait3A_18 : memref<640x64xf32, #tpu.memory_space<hbm>>)
      tpu.yield
    }) : () -> ()
    return
  }
}

module attributes {stable_mosaic.version = 14 : i64} {
  func.func @_tca_body(%arg0: memref<2x10240x16xf32, #tpu.memory_space<vmem>>, %arg1: memref<10240x128xf32, #tpu.memory_space<vmem>>, %arg2: memref<10240x1xf32, #tpu.memory_space<vmem>>, %arg3: memref<2x10240x64xf32, #tpu.memory_space<vmem>>) attributes {dimension_semantics = [], scalar_prefetch = 0 : i64, scratch_operands = 0 : i64, tpu.core_type = #tpu.core_type<tc>} {
    %get3A = arith.constant 0 : index
    %get3A_0 = arith.constant 0 : index
    %get3A_1 = arith.constant 0 : index
    %get3A_2 = vector.load %arg0[%get3A, %get3A_0, %get3A_1] : memref<2x10240x16xf32, #tpu.memory_space<vmem>>, vector<1x10240x1xf32>
    %get3A_3 = vector.shape_cast %get3A_2 : vector<1x10240x1xf32> to vector<10240x1xf32>
    %get3A_4 = arith.constant 1 : index
    %get3A_5 = arith.constant 0 : index
    %get3A_6 = arith.constant 0 : index
    %get3A_7 = vector.load %arg0[%get3A_4, %get3A_5, %get3A_6] : memref<2x10240x16xf32, #tpu.memory_space<vmem>>, vector<1x10240x1xf32>
    %get3A_8 = vector.shape_cast %get3A_7 : vector<1x10240x1xf32> to vector<10240x1xf32>
    %add3A = arith.addf %get3A_3, %get3A_8 : vector<10240x1xf32>
    %add3A_9 = arith.constant 1.000000e+00 : f32
    %add3A_10 = vector.broadcast %add3A_9 : f32 to vector<10240x1xf32>
    %add3A_11 = arith.addf %add3A, %add3A_10 : vector<10240x1xf32>
    %rsqrt3A = math.rsqrt %add3A_11 : vector<10240x1xf32>
    %swap3A = arith.constant 0 : index
    %swap3A_12 = arith.constant 0 : index
    %swap3A_13 = vector.load %arg2[%swap3A, %swap3A_12] : memref<10240x1xf32, #tpu.memory_space<vmem>>, vector<10240x1xf32>
    tpu.vector_store %arg2[%swap3A, %swap3A_12], %rsqrt3A {strides = array<i32>} : memref<10240x1xf32, #tpu.memory_space<vmem>>, vector<10240x1xf32>,
    %get3A_14 = arith.constant 0 : index
    %get3A_15 = arith.constant 0 : index
    %get3A_16 = vector.load %arg1[%get3A_14, %get3A_15] : memref<10240x128xf32, #tpu.memory_space<vmem>>, vector<10240x128xf32>
    %mul3A = vector.broadcast %rsqrt3A : vector<10240x1xf32> to vector<10240x128xf32>
    %mul3A_17 = arith.mulf %get3A_16, %mul3A : vector<10240x128xf32>
    %slice3A = vector.extract_strided_slice %mul3A_17 {offsets = [0, 0], sizes = [10240, 64], strides = [1, 1]} : vector<10240x128xf32> to vector<10240x64xf32>
    %swap3A_18 = arith.constant 0 : index
    %swap3A_19 = arith.constant 0 : index
    %swap3A_20 = arith.constant 0 : index
    %swap3A_21 = vector.load %arg3[%swap3A_18, %swap3A_19, %swap3A_20] : memref<2x10240x64xf32, #tpu.memory_space<vmem>>, vector<1x10240x64xf32>
    %swap3A_22 = vector.shape_cast %swap3A_21 : vector<1x10240x64xf32> to vector<10240x64xf32>
    %swap3A_23 = vector.shape_cast %slice3A : vector<10240x64xf32> to vector<1x10240x64xf32>
    tpu.vector_store %arg3[%swap3A_18, %swap3A_19, %swap3A_20], %swap3A_23 {strides = array<i32>} : memref<2x10240x64xf32, #tpu.memory_space<vmem>>, vector<1x10240x64xf32>,
    %slice3A_24 = vector.extract_strided_slice %mul3A_17 {offsets = [0, 64], sizes = [10240, 64], strides = [1, 1]} : vector<10240x128xf32> to vector<10240x64xf32>
    %swap3A_25 = arith.constant 1 : index
    %swap3A_26 = arith.constant 0 : index
    %swap3A_27 = arith.constant 0 : index
    %swap3A_28 = vector.load %arg3[%swap3A_25, %swap3A_26, %swap3A_27] : memref<2x10240x64xf32, #tpu.memory_space<vmem>>, vector<1x10240x64xf32>
    %swap3A_29 = vector.shape_cast %swap3A_28 : vector<1x10240x64xf32> to vector<10240x64xf32>
    %swap3A_30 = vector.shape_cast %slice3A_24 : vector<10240x64xf32> to vector<1x10240x64xf32>
    tpu.vector_store %arg3[%swap3A_25, %swap3A_26, %swap3A_27], %swap3A_30 {strides = array<i32>} : memref<2x10240x64xf32, #tpu.memory_space<vmem>>, vector<1x10240x64xf32>,
    return
  }
}

module attributes {stable_mosaic.version = 14 : i64} {
  func.func @_tcu_body(%arg0: i32, %arg1: memref<2x2560x64xf32, #tpu.memory_space<vmem>>, %arg2: memref<2560x1xf32, #tpu.memory_space<vmem>>, %arg3: memref<128x256xf32, #tpu.memory_space<vmem>>, %arg4: memref<2560x256xf32, #tpu.memory_space<vmem>>) attributes {dimension_semantics = [#tpu.dimension_semantics<arbitrary>], iteration_bounds = array<i64: 4>, scalar_prefetch = 0 : i64, scratch_operands = 0 : i64, tpu.core_type = #tpu.core_type<tc>, window_params = [{transform_indices = @transform_0, window_bounds = array<i64: 2, 2560, 64>}, {transform_indices = @transform_1, window_bounds = array<i64: 2560, 1>}, {pipeline_mode = #tpu.pipeline_mode<synchronous>, transform_indices = @transform_2, window_bounds = array<i64: 128, 256>}, {transform_indices = @transform_3, window_bounds = array<i64: 2560, 256>}]} {
    %get3A = arith.constant 0 : index
    %get3A_0 = arith.constant 0 : index
    %get3A_1 = arith.constant 0 : index
    %get3A_2 = vector.load %arg1[%get3A, %get3A_0, %get3A_1] : memref<2x2560x64xf32, #tpu.memory_space<vmem>>, vector<1x2560x64xf32>
    %get3A_3 = vector.shape_cast %get3A_2 : vector<1x2560x64xf32> to vector<2560x64xf32>
    %get3A_4 = arith.constant 1 : index
    %get3A_5 = arith.constant 0 : index
    %get3A_6 = arith.constant 0 : index
    %get3A_7 = vector.load %arg1[%get3A_4, %get3A_5, %get3A_6] : memref<2x2560x64xf32, #tpu.memory_space<vmem>>, vector<1x2560x64xf32>
    %get3A_8 = vector.shape_cast %get3A_7 : vector<1x2560x64xf32> to vector<2560x64xf32>
    %concatenate3A = tpu.concatenate %get3A_3, %get3A_8 in 1 : vector<2560x64xf32>, vector<2560x64xf32> -> vector<2560x128xf32>
    %get3A_9 = arith.constant 0 : index
    %get3A_10 = arith.constant 0 : index
    %get3A_11 = vector.load %arg2[%get3A_9, %get3A_10] : memref<2560x1xf32, #tpu.memory_space<vmem>>, vector<2560x1xf32>
    %mul3A = vector.broadcast %get3A_11 : vector<2560x1xf32> to vector<2560x128xf32>
    %mul3A_12 = arith.mulf %concatenate3A, %mul3A : vector<2560x128xf32>
    %get3A_13 = arith.constant 0 : index
    %get3A_14 = arith.constant 0 : index
    %get3A_15 = vector.load %arg3[%get3A_13, %get3A_14] : memref<128x256xf32, #tpu.memory_space<vmem>>, vector<128x256xf32>
    %dot_general3A = arith.constant dense<0.000000e+00> : vector<2560x256xf32>
    %dot_general3A_16 = tpu.matmul %mul3A_12, %get3A_15, %dot_general3A {dimension_numbers = #tpu.dot_dimension_numbers<[1], [0], [0], [1], [0, 0, 1, 1], [], []>, transpose_lhs_hint = false} : vector<2560x128xf32>, vector<128x256xf32>, vector<2560x256xf32> -> vector<2560x256xf32>
    %swap3A = arith.constant 0 : index
    %swap3A_17 = arith.constant 0 : index
    %swap3A_18 = vector.load %arg4[%swap3A, %swap3A_17] : memref<2560x256xf32, #tpu.memory_space<vmem>>, vector<2560x256xf32>
    tpu.vector_store %arg4[%swap3A, %swap3A_17], %dot_general3A_16 {strides = array<i32>} : memref<2560x256xf32, #tpu.memory_space<vmem>>, vector<2560x256xf32>,
    return
  }
  func.func @transform_0(%arg0: i32) -> (i32, i32, i32) {
    %c0_i32 = arith.constant 0 : i32
    %c0_i32_0 = arith.constant 0 : i32
    %c0_i32_1 = arith.constant 0 : i32
    return %c0_i32, %arg0, %c0_i32_0 : i32, i32, i32
  }
  func.func @transform_1(%arg0: i32) -> (i32, i32) {
    %c0_i32 = arith.constant 0 : i32
    %c0_i32_0 = arith.constant 0 : i32
    return %arg0, %c0_i32 : i32, i32
  }
  func.func @transform_2(%arg0: i32) -> (i32, i32) {
    %c0_i32 = arith.constant 0 : i32
    %c0_i32_0 = arith.constant 0 : i32
    %c0_i32_1 = arith.constant 0 : i32
    return %c0_i32, %c0_i32_0 : i32, i32
  }
  func.func @transform_3(%arg0: i32) -> (i32, i32) {
    %c0_i32 = arith.constant 0 : i32
    %c0_i32_0 = arith.constant 0 : i32
    return %arg0, %c0_i32 : i32, i32
  }
}

module attributes {stable_mosaic.version = 14 : i64} {
  func.func @_tcb_body(%arg0: i32, %arg1: memref<2x2560x64xf32, #tpu.memory_space<vmem>>, %arg2: memref<2560x256xf32, #tpu.memory_space<vmem>>, %arg3: memref<2560x1xf32, #tpu.memory_space<vmem>>, %arg4: memref<128x256xf32, #tpu.memory_space<vmem>>, %arg5: memref<1x256xf32, #tpu.memory_space<vmem>>, %arg6: memref<256x16xf32, #tpu.memory_space<vmem>>, %arg7: memref<2560x16xf32, #tpu.memory_space<vmem>>) attributes {dimension_semantics = [#tpu.dimension_semantics<arbitrary>], iteration_bounds = array<i64: 4>, scalar_prefetch = 0 : i64, scratch_operands = 0 : i64, tpu.core_type = #tpu.core_type<tc>, window_params = [{transform_indices = @transform_0, window_bounds = array<i64: 2, 2560, 64>}, {transform_indices = @transform_1, window_bounds = array<i64: 2560, 256>}, {transform_indices = @transform_2, window_bounds = array<i64: 2560, 1>}, {pipeline_mode = #tpu.pipeline_mode<synchronous>, transform_indices = @transform_3, window_bounds = array<i64: 128, 256>}, {pipeline_mode = #tpu.pipeline_mode<synchronous>, transform_indices = @transform_4, window_bounds = array<i64: 1, 256>}, {pipeline_mode = #tpu.pipeline_mode<synchronous>, transform_indices = @transform_5, window_bounds = array<i64: 256, 16>}, {transform_indices = @transform_6, window_bounds = array<i64: 2560, 16>}]} {
    %get3A = arith.constant 0 : index
    %get3A_0 = arith.constant 0 : index
    %get3A_1 = vector.load %arg3[%get3A, %get3A_0] : memref<2560x1xf32, #tpu.memory_space<vmem>>, vector<2560x1xf32>
    %get3A_2 = arith.constant 0 : index
    %get3A_3 = arith.constant 0 : index
    %get3A_4 = arith.constant 0 : index
    %get3A_5 = vector.load %arg1[%get3A_2, %get3A_3, %get3A_4] : memref<2x2560x64xf32, #tpu.memory_space<vmem>>, vector<1x2560x64xf32>
    %get3A_6 = vector.shape_cast %get3A_5 : vector<1x2560x64xf32> to vector<2560x64xf32>
    %get3A_7 = arith.constant 1 : index
    %get3A_8 = arith.constant 0 : index
    %get3A_9 = arith.constant 0 : index
    %get3A_10 = vector.load %arg1[%get3A_7, %get3A_8, %get3A_9] : memref<2x2560x64xf32, #tpu.memory_space<vmem>>, vector<1x2560x64xf32>
    %get3A_11 = vector.shape_cast %get3A_10 : vector<1x2560x64xf32> to vector<2560x64xf32>
    %concatenate3A = tpu.concatenate %get3A_6, %get3A_11 in 1 : vector<2560x64xf32>, vector<2560x64xf32> -> vector<2560x128xf32>
    %mul3A = vector.broadcast %get3A_1 : vector<2560x1xf32> to vector<2560x128xf32>
    %mul3A_12 = arith.mulf %concatenate3A, %mul3A : vector<2560x128xf32>
    %get3A_13 = arith.constant 0 : index
    %get3A_14 = arith.constant 0 : index
    %get3A_15 = vector.load %arg4[%get3A_13, %get3A_14] : memref<128x256xf32, #tpu.memory_space<vmem>>, vector<128x256xf32>
    %dot_general3A = arith.constant dense<0.000000e+00> : vector<2560x256xf32>
    %dot_general3A_16 = tpu.matmul %mul3A_12, %get3A_15, %dot_general3A {dimension_numbers = #tpu.dot_dimension_numbers<[1], [0], [0], [1], [0, 0, 1, 1], [], []>, transpose_lhs_hint = false} : vector<2560x128xf32>, vector<128x256xf32>, vector<2560x256xf32> -> vector<2560x256xf32>
    %get3A_17 = arith.constant 0 : index
    %get3A_18 = arith.constant 0 : index
    %get3A_19 = vector.load %arg2[%get3A_17, %get3A_18] : memref<2560x256xf32, #tpu.memory_space<vmem>>, vector<2560x256xf32>
    %add3A = arith.addf %dot_general3A_16, %get3A_19 : vector<2560x256xf32>
    %get3A_20 = arith.constant 0 : index
    %get3A_21 = arith.constant 0 : index
    %get3A_22 = vector.load %arg5[%get3A_20, %get3A_21] : memref<1x256xf32, #tpu.memory_space<vmem>>, vector<1x256xf32>
    %add3A_23 = vector.broadcast %get3A_22 : vector<1x256xf32> to vector<2560x256xf32>
    %add3A_24 = arith.addf %add3A, %add3A_23 : vector<2560x256xf32>
    %max3A = arith.constant 0.000000e+00 : f32
    %max3A_25 = vector.broadcast %max3A : f32 to vector<2560x256xf32>
    %max3A_26 = arith.maximumf %add3A_24, %max3A_25 : vector<2560x256xf32>
    %get3A_27 = arith.constant 0 : index
    %get3A_28 = arith.constant 0 : index
    %get3A_29 = vector.load %arg6[%get3A_27, %get3A_28] : memref<256x16xf32, #tpu.memory_space<vmem>>, vector<256x16xf32>
    %dot_general3A_30 = arith.constant dense<0.000000e+00> : vector<2560x16xf32>
    %dot_general3A_31 = tpu.matmul %max3A_26, %get3A_29, %dot_general3A_30 {dimension_numbers = #tpu.dot_dimension_numbers<[1], [0], [0], [1], [0, 0, 1, 1], [], []>, transpose_lhs_hint = false} : vector<2560x256xf32>, vector<256x16xf32>, vector<2560x16xf32> -> vector<2560x16xf32>
    %mul3A_32 = vector.broadcast %get3A_1 : vector<2560x1xf32> to vector<2560x16xf32>
    %mul3A_33 = arith.mulf %dot_general3A_31, %mul3A_32 : vector<2560x16xf32>
    %swap3A = arith.constant 0 : index
    %swap3A_34 = arith.constant 0 : index
    %swap3A_35 = vector.load %arg7[%swap3A, %swap3A_34] : memref<2560x16xf32, #tpu.memory_space<vmem>>, vector<2560x16xf32>
    tpu.vector_store %arg7[%swap3A, %swap3A_34], %mul3A_33 {strides = array<i32>} : memref<2560x16xf32, #tpu.memory_space<vmem>>, vector<2560x16xf32>,
    return
  }
  func.func @transform_0(%arg0: i32) -> (i32, i32, i32) {
    %c0_i32 = arith.constant 0 : i32
    %c0_i32_0 = arith.constant 0 : i32
    %c0_i32_1 = arith.constant 0 : i32
    return %c0_i32, %arg0, %c0_i32_0 : i32, i32, i32
  }
  func.func @transform_1(%arg0: i32) -> (i32, i32) {
    %c0_i32 = arith.constant 0 : i32
    %c0_i32_0 = arith.constant 0 : i32
    return %arg0, %c0_i32 : i32, i32
  }
  func.func @transform_2(%arg0: i32) -> (i32, i32) {
    %c0_i32 = arith.constant 0 : i32
    %c0_i32_0 = arith.constant 0 : i32
    return %arg0, %c0_i32 : i32, i32
  }
  func.func @transform_3(%arg0: i32) -> (i32, i32) {
    %c0_i32 = arith.constant 0 : i32
    %c0_i32_0 = arith.constant 0 : i32
    %c0_i32_1 = arith.constant 0 : i32
    return %c0_i32, %c0_i32_0 : i32, i32
  }
  func.func @transform_4(%arg0: i32) -> (i32, i32) {
    %c0_i32 = arith.constant 0 : i32
    %c0_i32_0 = arith.constant 0 : i32
    %c0_i32_1 = arith.constant 0 : i32
    return %c0_i32, %c0_i32_0 : i32, i32
  }
  func.func @transform_5(%arg0: i32) -> (i32, i32) {
    %c0_i32 = arith.constant 0 : i32
    %c0_i32_0 = arith.constant 0 : i32
    %c0_i32_1 = arith.constant 0 : i32
    return %c0_i32, %c0_i32_0 : i32, i32
  }
  func.func @transform_6(%arg0: i32) -> (i32, i32) {
    %c0_i32 = arith.constant 0 : i32
    %c0_i32_0 = arith.constant 0 : i32
    return %arg0, %c0_i32 : i32, i32
  }
}

module attributes {stable_mosaic.version = 14 : i64} {
  func.func @_tcc_body(%arg0: memref<2x10240x16xf32, #tpu.memory_space<vmem>>, %arg1: memref<10240x16xf32, #tpu.memory_space<vmem>>, %arg2: memref<10240x1xf32, #tpu.memory_space<vmem>>, %arg3: memref<1x16xf32, #tpu.memory_space<vmem>>, %arg4: memref<10000x2xf32, #tpu.memory_space<vmem>>) attributes {dimension_semantics = [], scalar_prefetch = 0 : i64, scratch_operands = 0 : i64, tpu.core_type = #tpu.core_type<tc>} {
    %get3A = arith.constant 0 : index
    %get3A_0 = arith.constant 0 : index
    %get3A_1 = arith.constant 0 : index
    %get3A_2 = vector.load %arg0[%get3A, %get3A_0, %get3A_1] : memref<2x10240x16xf32, #tpu.memory_space<vmem>>, vector<1x10240x16xf32>
    %get3A_3 = vector.shape_cast %get3A_2 : vector<1x10240x16xf32> to vector<10240x16xf32>
    %get3A_4 = arith.constant 1 : index
    %get3A_5 = arith.constant 0 : index
    %get3A_6 = arith.constant 0 : index
    %get3A_7 = vector.load %arg0[%get3A_4, %get3A_5, %get3A_6] : memref<2x10240x16xf32, #tpu.memory_space<vmem>>, vector<1x10240x16xf32>
    %get3A_8 = vector.shape_cast %get3A_7 : vector<1x10240x16xf32> to vector<10240x16xf32>
    %add3A = arith.addf %get3A_3, %get3A_8 : vector<10240x16xf32>
    %get3A_9 = arith.constant 0 : index
    %get3A_10 = arith.constant 0 : index
    %get3A_11 = vector.load %arg1[%get3A_9, %get3A_10] : memref<10240x16xf32, #tpu.memory_space<vmem>>, vector<10240x16xf32>
    %add3A_12 = arith.addf %add3A, %get3A_11 : vector<10240x16xf32>
    %get3A_13 = arith.constant 0 : index
    %get3A_14 = arith.constant 0 : index
    %get3A_15 = vector.load %arg2[%get3A_13, %get3A_14] : memref<10240x1xf32, #tpu.memory_space<vmem>>, vector<10240x1xf32>
    %mul3A = vector.broadcast %get3A_15 : vector<10240x1xf32> to vector<10240x16xf32>
    %mul3A_16 = arith.mulf %add3A_12, %mul3A : vector<10240x16xf32>
    %get3A_17 = arith.constant 0 : index
    %get3A_18 = arith.constant 0 : index
    %get3A_19 = vector.load %arg3[%get3A_17, %get3A_18] : memref<1x16xf32, #tpu.memory_space<vmem>>, vector<1x16xf32>
    %add3A_20 = vector.broadcast %get3A_19 : vector<1x16xf32> to vector<10240x16xf32>
    %add3A_21 = arith.addf %mul3A_16, %add3A_20 : vector<10240x16xf32>
    %slice3A = vector.extract_strided_slice %add3A_21 {offsets = [0, 0], sizes = [10000, 2], strides = [1, 1]} : vector<10240x16xf32> to vector<10000x2xf32>
    %swap3A = arith.constant 0 : index
    %swap3A_22 = arith.constant 0 : index
    %swap3A_23 = vector.load %arg4[%swap3A, %swap3A_22] : memref<10000x2xf32, #tpu.memory_space<vmem>>, vector<10000x2xf32>
    tpu.vector_store %arg4[%swap3A, %swap3A_22], %slice3A {strides = array<i32>} : memref<10000x2xf32, #tpu.memory_space<vmem>>, vector<10000x2xf32>,
    return
  }
}

</mosaic_0001>

<sc_bundles>
// kernel: kernel.12.cloned.1.call-start
scs
__scs_entry_jumppad:
0x0: {  	(pc) =	sbr.rel $0x88, $3  }
0x1: {  	(tag) =	ssettag $0x0;
	lr =	simm.s32 $0x1  }
0x2: {  	[smem:$0x3F9B] =	sst lr;
	_ =	strace $0xD0000000  }
0x3: {  	_ = 	snop  }
0x4: {  	_ = 	snop  }
0x5: {  	_ = 	snop  }
0x6: {  	_ = 	snop  }
0x7: {  	_ = 	snop  }
__scs_overlays_trampoline_lowered:
0x8: {  	[smem:$0x3FAA] =	sst s0  }
0x9: {  	[smem:$0x3FAB] =	sst s1  }
0xa: {  	[smem:$0x3FAC] =	sst s2  }
0xb: {  	[smem:$0x3FAD] =	sst s3  }
0xc: {  	[smem:$0x3FAE] =	sst s4  }
0xd: {  	[smem:$0x3FAF] =	sst s5  }
0xe: {  	[smem:$0x3FB0] =	sst s6  }
0xf: {  	[smem:$0x3FB1] =	sst s7  }
0x10: {  	[smem:$0x3FB2] =	sst s8  }
0x11: {  	[smem:$0x3FB3] =	sst s9;
	s0 =	simm.s32 @!p0 $0x0  }
0x12: {  	s1 =	sld [smem:$0x3F99];
	s0 =	simm.s32 @p0 $0x1  }
0x13: {  	[smem:$0x3FB4] =	sst s0;
	s0 =	simm.s32 @!p1 $0x0  }
0x14: {  	s2 =	sld [smem:$0x3F98];
	s0 =	simm.s32 @p1 $0x1  }
0x15: {  	[smem:$0x3FB5] =	sst s0;
	s0 =	simm.s32 @!p2 $0x0  }
0x16: {  	s3 =	sld [smem:$0x3FDB];
	s0 =	simm.s32 @p2 $0x1  }
0x17: {  	s4 =	simm.s32 $0x1BF5;
	[smem:$0x3FB7] =	sst s0  }
0x18: {  	s0 =	sld [smem:$0x3F9A];
	_ =	swait.ge [sflag:s4], $0x0  }
0x19: {  	s7 =	sld [smem:$0x3F9B]  }
0x1a: {  	s8 =	sadd.s32 $0xFFFFE003, lr  }
0x1b: {  	s9 =	sadd.s32 $0xFFFFFEF7, lr;
	s5 =	simm.s32 $0xFFFFFFFF;
	p2 =	slt.u32 s8, $0xFFFFF086  }
0x1c: {  	p1 =	slt.u32 s9, $0xF7A;
	s5 =	simm.s32 @!p2 $0x0  }
0x1d: {  	s5 =	simm.s32 @p1 $0x1;
	p0 =	seq.s32 s7, s2  }
0x1e: {  	s7 =	smul.u32 @!p0 $0xF7A, s2;
	p2 =	seq.s32 @!p0 s5, $0x0  }
0x1f: {  	s9 =	smul.u32 $0xF7A, s1;
	s8 =	simm.s32 @!p0 $0x1BF5;
	p2 =	por !p2, p0  }
0x20: {  	[sflag:s8] =	ssyncset.s32 @!p0 $0xFFFFF086;
	s6 =	sadd.s32 @!p0 s3, s7;
	s7 =	simm.s32 @!p0 $0x108  }
0x21: {  	s3 =	sadd.s32 s3, s9;
	s6 =	sadd.s32 @!p0 $0x88, s6;
	s7 =	simm.s32 @p2 $0x1082  }
0x22: {  	[simem:s7], [sflag:s8] =	dma.local @!p0 [hbm:s6], $0xF7A  }
0x23: {  	s9 =	sor.u32 $0xD0000000, s2;
	s6 =	simm.s32 $0x108;
	_ =	swait.ge @!p0 [sflag:s8], $0x0  }
0x24: {  	s3 =	sadd.s32 $0x88, s3;
	s6 =	simm.s32 @!p1 $0x1082;
	[sflag:s4] =	ssyncset.s32 $0xFFFFF086  }
0x25: {  	[simem:s6], [sflag:s4] =	dma.local [hbm:s3], $0xF7A  }
0x26: {  	[smem:$0x3F9B] =	sst s1;
	(tag) =	ssettag s2;
	_ =	strace s9  }
0x27: {  	s1 =	sld [smem:$0x3FAB]  }
0x28: {  	s2 =	sld [smem:$0x3FAC]  }
0x29: {  	s4 =	sld [smem:$0x3FAE]  }
0x2a: {  	p0 =	seq.s32 s5, $0x0;
	s5 =	sld [smem:$0x3FAF]  }
0x2b: {  	s6 =	sld [smem:$0x3FB0]  }
0x2c: {  	s7 =	sld [smem:$0x3FB1]  }
0x2d: {  	s3 =	simm.s32 $0x108;
	s8 =	sld [smem:$0x3FB2]  }
0x2e: {  	s3 =	simm.s32 @!p0 $0x1082;
	s9 =	sld [smem:$0x3FB3]  }
0x2f: {  	lr =	sadd.s32 s0, s3;
	s0 =	sld [smem:$0x3FAA]  }
0x30: {  	s3 =	sld [smem:$0x3FAD]  }
0x31: {  	[smem:$0x3FB6] =	sst s10  }
0x32: {  	s10 =	sld [smem:$0x3FB4];
	_ =	sdelay $0x3  }
0x33: {  	p0 =	seq.s32 s10, $0x1;
	s10 =	sld [smem:$0x3FB6];
	_ =	sdelay $0x3  }
0x34: {  	[smem:$0x3FB6] =	sst s10  }
0x35: {  	s10 =	sld [smem:$0x3FB5];
	_ =	sdelay $0x3  }
0x36: {  	p1 =	seq.s32 s10, $0x1;
	s10 =	sld [smem:$0x3FB6];
	_ =	sdelay $0x3  }
0x37: {  	[smem:$0x3FB6] =	sst s10  }
0x38: {  	s10 =	sld [smem:$0x3FB7]  }
0x39: {  	_ = 	snop;
	(pc) =	sbr.ind lr, $3  }
0x3a: {  	_ = 	snop  }
0x3b: {  	_ = 	snop  }
0x3c: {  	p2 =	seq.s32 s10, $0x1;
	s10 =	sld [smem:$0x3FB6]  }
0x3d: {  	_ =	shalt  }
0x3e: {  	_ =	shalt  }
0x3f: {  	_ =	shalt  }
0x40: {  	_ =	shalt  }
0x41: {  	_ =	shalt  }
0x42: {  	_ =	shalt  }
0x43: {  	_ =	shalt  }
0x44: {  	_ =	shalt  }
0x45: {  	_ =	shalt  }
0x46: {  	_ =	shalt  }
0x47: {  	_ =	shalt  }
0x48: {  	_ =	shalt  }
0x49: {  	_ =	shalt  }
0x4a: {  	_ =	shalt  }
0x4b: {  	_ =	shalt  }
0x4c: {  	_ =	shalt  }
0x4d: {  	_ =	shalt  }
0x4e: {  	_ =	shalt  }
0x4f: {  	_ =	shalt  }
0x50: {  	_ =	shalt  }
0x51: {  	_ =	shalt  }
0x52: {  	_ =	shalt  }
0x53: {  	_ =	shalt  }
0x54: {  	_ =	shalt  }
0x55: {  	_ =	shalt  }
0x56: {  	_ =	shalt  }
0x57: {  	_ =	shalt  }
0x58: {  	_ =	shalt  }
0x59: {  	_ =	shalt  }
0x5a: {  	_ =	shalt  }
0x5b: {  	_ =	shalt  }
0x5c: {  	_ =	shalt  }
0x5d: {  	_ =	shalt  }
0x5e: {  	_ =	shalt  }
0x5f: {  	_ =	shalt  }
0x60: {  	_ =	shalt  }
0x61: {  	_ =	shalt  }
0x62: {  	_ =	shalt  }
0x63: {  	_ =	shalt  }
0x64: {  	_ =	shalt  }
0x65: {  	_ =	shalt  }
0x66: {  	_ =	shalt  }
0x67: {  	_ =	shalt  }
0x68: {  	_ =	shalt  }
0x69: {  	_ =	shalt  }
0x6a: {  	_ =	shalt  }
0x6b: {  	_ =	shalt  }
0x6c: {  	_ =	shalt  }
0x6d: {  	_ =	shalt  }
0x6e: {  	_ =	shalt  }
0x6f: {  	_ =	shalt  }
0x70: {  	_ =	shalt  }
0x71: {  	_ =	shalt  }
0x72: {  	_ =	shalt  }
0x73: {  	_ =	shalt  }
0x74: {  	_ =	shalt  }
0x75: {  	_ =	shalt  }
0x76: {  	_ =	shalt  }
0x77: {  	_ =	shalt  }
0x78: {  	_ =	shalt  }
0x79: {  	_ =	shalt  }
0x7a: {  	_ =	shalt  }
0x7b: {  	_ =	shalt  }
0x7c: {  	_ =	shalt  }
0x7d: {  	_ =	shalt  }
0x7e: {  	_ =	shalt  }
0x7f: {  	_ =	shalt  }
0x80: {  	_ =	shalt  }
0x81: {  	_ =	shalt  }
0x82: {  	_ =	shalt  }
0x83: {  	_ =	shalt  }
0x84: {  	_ =	shalt  }
0x85: {  	_ =	shalt  }
0x86: {  	_ =	shalt  }
0x87: {  	_ =	shalt  }
.Lfunc_end0:
.L_simem_size_0:
called_computation.1_lowered:
.L_overlay_start_0:
0x88: {  	s2 =	sld [smem:$0x3FD9]  }
0x89: {  	s3 =	sld [smem:$0x3FFE];
	_ =	sdelay $0x1  }
0x8a: {  	s1 =	srdreg.scid  }
0x8b: {  	s0 =	sand.u32 $0x1, s1  }
0x8c: {  	s16 =	sshll.u32 s0, $0xA;
	s2 =	sadd.s32 s3, s2  }
0x8d: {  	s2 =	sadd.s32 s2, s16  }
0x8e: {  	[smem:$0x3FC2] =	sst s2  }
0x8f: {  	_ = 	snop  }
0x90: {  	(tm) =	ssettm $0x1  }
0x91: {  	s17 =	sld [smem:$0x3FFB];
	_ =	sdelay $0x3  }
0x92: {  	_ =	strace s17  }
0x93: {  	s2 =	sld [smem:$0x3FFC];
	_ =	sdelay $0x3  }
0x94: {  	_ =	strace s2  }
0x95: {  	s2 =	sld [smem:$0x3FFD];
	_ =	sdelay $0x3  }
0x96: {  	_ =	strace s2  }
0x97: {  	_ =	strace $0x8FFFFFFF  }
0x98: {  	s18 =	sld [smem:$0x3FDB];
	_ =	sdelay $0x1  }
0x99: {  	s19 =	simm.s32 $_scs_section_size  }
0x9a: {  	s4 =	simm.s32 $_size__tile_overlayer_lowered;
	s5 =	simm.s32 $_tile_overlayer_lowered  }
0x9b: {  	s22 =	simm.s32 $0x1BFF;
	s21 =	sshll.u32 s5, $0x1;
	s2 =	sadd.s32 s19, s18  }
0x9c: {  	s6 =	simm.s32 $0x0;
	s20 =	sshll.u32 s4, $0x1;
	s4 =	sadd.s32 s21, s2  }
0x9d: {  	[timem:s6], [sflag:s22] =	dma.local [hbm:s4], s20  }
0x9e: {  	_ =	swait.ge [sflag:s22], s20  }
0x9f: {  	s3 =	ssub.s32 $0x0, s20;
	[sflag:s22] =	ssyncset.done $0x0  }
0xa0: {  	[sflag:s22] =	ssyncadd.s32 s3;
	_ =	sdelay $0x1  }
0xa1: {  	s23 =	simm.s32 $0x1B8B  }
0xa2: {  	_ =	swait.ge [sflag:s23], $0x1  }
0xa3: {  	[sflag:s23] =	ssyncset.done $0x0  }
0xa4: {  	s25 =	simm.s32 $0x1B8E;
	s24 =	sld [smem:$0x3FFE];
	[sflag:s23] =	ssyncadd.s32 $0xFFFFFFFF  }
0xa5: {  	s26 =	simm.s32 $execute0_lowered;
	[smem:$0x3FD2] =	sst s25  }
0xa6: {  	s4 =	sshll.u32 s26, $0x1;
	_ =	strace $0x80000049;
	[dreg:$0x1] =	wrdreg $0xFFFFFFFF  }
0xa7: {  	s28 =	simm.s32 $_size_execute0_lowered;
	s2 =	sadd.s32 s2, s4;
	[dreg:$0x0] =	wrdreg $0x0  }
0xa8: {  	s4 =	sshll.u32 s28, $0x1;
	[dreg:$0x2] =	wrdreg s2  }
0xa9: {  	[dreg:$0x3] =	wrdreg s4  }
0xaa: {  	[dreg:$0x4] =	wrdreg $0xC0  }
0xab: {  	_ =	task [dreg:s6], $0x5FFFF  }
0xac: {  	[dreg:$0x1] =	wrdreg $0xFFFFFFFF  }
0xad: {  	[dreg:$0x0] =	wrdreg $0x60  }
0xae: {  	[dreg:$0x2] =	wrdreg s24  }
0xaf: {  	[dreg:$0x3] =	wrdreg $0x13C400  }
0xb0: {  	[dreg:$0x4] =	wrdreg $0x9  }
0xb1: {  	_ =	task.clear_ibuf [dreg:s6], $0x5FFFF;
	_ =	strace $0x90000049  }
0xb2: {  	s29 =	simm.s32 $0x9;
	_ =	strace $0x8000004B  }
0xb3: {  	_ =	swait.ge [sflag:s29], $0x1  }
0xb4: {  	[sflag:s29] =	ssyncadd.s32 $0xFFFFFFFF  }
0xb5: {  	_ =	strace $0x9000004B  }
0xb6: {  	_ =	sfence  }
0xb7: {  	s30 =	sld [smem:$0x0];
	_ =	sdelay $0x2  }
0xb8: {  	s31 =	sshll.u32 s1, $0xD;
	s1 =	sshrl.u32 s1, $0x2  }
0xb9: {  	s3 =	sand.u32 $0x4000, s31;
	s1 =	sadd.s32 s1, s30  }
0xba: {  	s0 =	sor.u32 s3, s0;
	s1 =	sshll.u32 s1, $0x11  }
0xbb: {  	s0 =	sor.u32 s1, s0  }
0xbc: {  	s0 =	sadd.s32 $0x8F2B, s0  }
0xbd: {  	[sflag:s0] =	ssyncadd.remote.s32 $0x1  }
0xbe: {  	_ =	sfence.sel $0xFFFF  }
0xbf: {  	[dreg:$0x0] =	wrdreg $0xFFFFFFFF;
	(pc) =	sbr.abs _section_cstart, $3  }
0xc0: {  	[dreg:$0x1] =	wrdreg $0xFFFFFFFF  }
0xc1: {  	_ =	task.clear_ibuf [dreg:s6], $0x2FFFF;
	_ =	strace $0x9FFFFFFF  }
0xc2: {  	(tm) =	ssettm $0x7FFFFFFF  }
0xc3: {  	_ =	shalt  }
tec
execute0_lowered:
.L_overlay_start_1:
0x0: {  	(tag) =	ssettag $0x1  }
0x1: {  	s0 =	srdreg.scid  }
0x2: {  	s1 =	rddreg [dreg:$0x0];
	s8 =	stileid.u32  }
0x3: {  	s2 =	rddreg [dreg:$0x1];
	s6 =	simm.s32 $0x0;
	s12 =	simm.s32 $0xB  }
0x4: {  	s14 =	simm.s32 $0x7D;
	s15 =	simm.s32 $0xA000;
	s16 =	simm.s32 $0xBF40  }
0x5: {  	s17 =	simm.s32 $0xDE80;
	s18 =	simm.s32 $0xFDC0;
	s19 =	simm.s32 $0x11D00  }
0x6: {  	s20 =	simm.s32 $0x1;
	s21 =	simm.s32 $0x2;
	s28 =	simm.s32 $0x8  }
0x7: {  	s29 =	simm.s32 $0x9;
	s30 =	simm.s32 $0xA;
	s4 =	smul.u32 $0x5000, s8  }
0x8: {  	s31 =	simm.s32 $0x0;
	s0 =	sand.u32 $0x1, s0;
	s5 =	smul.u32 $0xA000, s8  }
0x9: {  	[smem:$0x7FF] =	sst s6;
	s26 =	sshll.u32 s8, $0x6;
	s3 =	smul.u32 $0x14000, s0  }
0xa: {  	s22 =	smul.u32 $0xA0000, s0;
	_ =	strace $0x8000004A;
	s0 =	ssub.s32 $0x2, s0  }
0xb: {  	s4 =	sshrl.u32 s4, $0x3;
	s24 =	sshrl.u32 s5, $0x3;
	s25 =	sshrl.u32 s0, $0x1  }
0xc: {  	s11 =	sadd.s32 s5, s2;
	s3 =	sadd.s32 s3, s1;
	s7 =	sadd.s32 s4, s1  }
0xd: {  	s23 =	sadd.s32 s5, s22;
	s6 =	sadd.s32 s24, s1;
	s0 =	ssub.s32 s0, s25  }
0xe: {  	s5 =	sor.u32 $0x1C0B, s26;
	s11 =	sshrl.u32 s11, $0x3;
	s22 =	simm.s32 $0x3  }
0xf: {  	s24 =	simm.s32 $0x5;
	s25 =	simm.s32 $0x6;
	s26 =	simm.s32 $0x7  }
0x10: {  	s4 =	sshrl.u32 s23, $0x3;
	s8 =	sadd.s32 $0x6B400, s3;
	s10 =	smax.u32 s0, $0x1  }
0x11: {  	s23 =	simm.s32 $0x4;
	s1 =	sadd.s32 s4, s1;
	s4 =	sadd.s32 $0x93400, s6  }
0x12: {  	s6 =	sadd.s32 $0x2400, s7;
	s7 =	sadd.s32 $0xC400, s7;
	s9 =	sadd.s32 $0xA7400, s1  }
.LBB2_1:
0x13: {  	[spmem:s11], [sflag:s5] =	dma.local [hbm:s4], $0x1400  }
0x14: {  	_ =	swait.ge [sflag:s12], $0x1400  }
0x15: {  	[sflag:s12] =	ssyncset.done $0x0  }
0x16: {  	s0 =	simm.s32 $0x0;
	[sflag:s12] =	ssyncadd.s32 $0xFFFFEC00  }
0x17: {  	[tilespmem:s0], [sflag:$0xB] =	stream.linear.gather [hbm4b:s6+s0], $0x5000, $0x38;
	[tilespmem:$0x1DC40] =	vst v63  }
0x18: {  	_ =	swait.ge [sflag:s12], $0x5000  }
0x19: {  	[sflag:s12] =	ssyncset.done $0x0  }
0x1a: {  	s1 =	simm.s32 $0x5000;
	[sflag:s12] =	ssyncadd.s32 $0xFFFFB000  }
0x1b: {  	[tilespmem:s1], [sflag:$0xB] =	stream.linear.gather [hbm4b:s7+s0], $0x5000, $0x38;
	[tilespmem:$0x1DC40] =	vst v63  }
0x1c: {  	_ =	swait.ge [sflag:s12], $0x5000  }
0x1d: {  	[sflag:s12] =	ssyncset.done $0x0  }
0x1e: {  	[sflag:s12] =	ssyncadd.s32 $0xFFFFB000  }
0x1f: {  	s13 =	simm.s32 $0x0;
	[bflag:$0x0] =	sbarrier.arrive $0xFFFF  }
0x20: {  	[tilespmem:s15], [sflag:$0x1] =	stream.indirect.gather [hbm4b:s8+s14], $0x40, s13, s14, $0xb8;
	[tilespmem:$0x1DC40] =	vst v63  }
0x21: {  	s1 =	simm.s32 $0x80  }
0x22: {  	[tilespmem:s16], [sflag:$0x2] =	stream.indirect.gather [hbm4b:s8+s14], $0x40, s1, s14, $0xb8;
	[tilespmem:$0x1DC40] =	vst v63  }
0x23: {  	s3 =	simm.s32 $0x100  }
0x24: {  	[tilespmem:s17], [sflag:$0x3] =	stream.indirect.gather [hbm4b:s8+s14], $0x40, s3, s14, $0xb8;
	[tilespmem:$0x1DC40] =	vst v63  }
0x25: {  	s13 =	simm.s32 $0x180  }
0x26: {  	[tilespmem:s18], [sflag:$0x4] =	stream.indirect.gather [hbm4b:s8+s14], $0x40, s13, s14, $0xb8;
	[tilespmem:$0x1DC40] =	vst v63  }
0x27: {  	s1 =	simm.s32 $0x200  }
0x28: {  	[tilespmem:s19], [sflag:$0x5] =	stream.indirect.gather [hbm4b:s8+s14], $0x40, s1, s14, $0xb8;
	[tilespmem:$0x1DC40] =	vst v63  }
0x29: {  	_ =	swait.ge [sflag:s20], $0x1F40  }
0x2a: {  	[sflag:s20] =	ssyncset.done $0x0  }
0x2b: {  	s3 =	simm.s32 $0x5000;
	[sflag:s20] =	ssyncadd.s32 $0xFFFFE0C0  }
0x2c: {  	[spmem:s2] =	stream.indirect.scatter.add.f32 [tilespmem:s15], [sflag:$0x6], $0x40, s3, s14, $0xb8;
	[tilespmem:$0x1DC40] =	vst v63  }
0x2d: {  	_ =	swait.ge [sflag:s21], $0x1F40  }
0x2e: {  	[sflag:s21] =	ssyncset.done $0x0  }
0x2f: {  	s13 =	simm.s32 $0x5080;
	[sflag:s21] =	ssyncadd.s32 $0xFFFFE0C0  }
0x30: {  	[spmem:s2] =	stream.indirect.scatter.add.f32 [tilespmem:s16], [sflag:$0x7], $0x40, s13, s14, $0xb8;
	[tilespmem:$0x1DC40] =	vst v63  }
0x31: {  	_ =	swait.ge [sflag:s22], $0x1F40  }
0x32: {  	[sflag:s22] =	ssyncset.done $0x0  }
0x33: {  	s1 =	simm.s32 $0x5100;
	[sflag:s22] =	ssyncadd.s32 $0xFFFFE0C0  }
0x34: {  	[spmem:s2] =	stream.indirect.scatter.add.f32 [tilespmem:s17], [sflag:$0x8], $0x40, s1, s14, $0xb8;
	[tilespmem:$0x1DC40] =	vst v63  }
0x35: {  	_ =	swait.ge [sflag:s23], $0x1F40  }
0x36: {  	[sflag:s23] =	ssyncset.done $0x0  }
0x37: {  	s3 =	simm.s32 $0x5180;
	[sflag:s23] =	ssyncadd.s32 $0xFFFFE0C0  }
0x38: {  	[spmem:s2] =	stream.indirect.scatter.add.f32 [tilespmem:s18], [sflag:$0x9], $0x40, s3, s14, $0xb8;
	[tilespmem:$0x1DC40] =	vst v63  }
0x39: {  	_ =	swait.ge [sflag:s24], $0x1F40  }
0x3a: {  	[sflag:s24] =	ssyncset.done $0x0  }
0x3b: {  	s13 =	simm.s32 $0x5200;
	[sflag:s24] =	ssyncadd.s32 $0xFFFFE0C0  }
0x3c: {  	[spmem:s2] =	stream.indirect.scatter.add.f32 [tilespmem:s19], [sflag:$0xA], $0x40, s13, s14, $0xb8;
	[tilespmem:$0x1DC40] =	vst v63  }
0x3d: {  	_ =	swait.ge [sflag:s25], $0x1F40  }
0x3e: {  	[sflag:s25] =	ssyncset.done $0x0  }
0x3f: {  	[sflag:s25] =	ssyncadd.s32 $0xFFFFE0C0  }
0x40: {  	_ =	swait.ge [sflag:s26], $0x1F40  }
0x41: {  	[sflag:s26] =	ssyncset.done $0x0  }
0x42: {  	[sflag:s26] =	ssyncadd.s32 $0xFFFFE0C0  }
0x43: {  	_ =	swait.ge [sflag:s28], $0x1F40  }
0x44: {  	[sflag:s28] =	ssyncset.done $0x0  }
0x45: {  	[sflag:s28] =	ssyncadd.s32 $0xFFFFE0C0  }
0x46: {  	_ =	swait.ge [sflag:s29], $0x1F40  }
0x47: {  	[sflag:s29] =	ssyncset.done $0x0  }
0x48: {  	[sflag:s29] =	ssyncadd.s32 $0xFFFFE0C0  }
0x49: {  	_ =	swait.ge [sflag:s30], $0x1F40  }
0x4a: {  	s0 =	simm.s32 $0x1400;
	s1 =	simm.s32 $0xA00;
	[sflag:s30] =	ssyncset.done $0x0  }
.LBB2_2:
0x4b: {  	s13 =	sshra.s32 s1, $0x2  }
0x4c: {  	[sflag:s30] =	ssyncadd.s32 $0xFFFFE0C0;
	s1 =	smov.u32 s0;
	s3 =	sadd.s32 $0xA00, s0  }
0x4d: {  	[tilespmem:s15], [sflag:$0x1] =	stream.indirect.gather [hbm4b:s8+s14], $0x40, s13, s14, $0xb8;
	[tilespmem:$0x1DC40] =	vst v63  }
0x4e: {  	p0 =	sne.s32 s0, $0x13600;
	s0 =	sadd.s32 $0x80, s13  }
0x4f: {  	[tilespmem:s16], [sflag:$0x2] =	stream.indirect.gather [hbm4b:s8+s14], $0x40, s0, s14, $0xb8;
	[tilespmem:$0x1DC40] =	vst v63  }
0x50: {  	s0 =	sadd.s32 $0x100, s13  }
0x51: {  	[tilespmem:s17], [sflag:$0x3] =	stream.indirect.gather [hbm4b:s8+s14], $0x40, s0, s14, $0xb8;
	[tilespmem:$0x1DC40] =	vst v63  }
0x52: {  	s0 =	sadd.s32 $0x180, s13  }
0x53: {  	[tilespmem:s18], [sflag:$0x4] =	stream.indirect.gather [hbm4b:s8+s14], $0x40, s0, s14, $0xb8;
	[tilespmem:$0x1DC40] =	vst v63  }
0x54: {  	s0 =	sadd.s32 $0x200, s13  }
0x55: {  	[tilespmem:s19], [sflag:$0x5] =	stream.indirect.gather [hbm4b:s8+s14], $0x40, s0, s14, $0xb8;
	[tilespmem:$0x1DC40] =	vst v63  }
0x56: {  	_ =	swait.ge [sflag:s20], $0x1F40  }
0x57: {  	[sflag:s20] =	ssyncset.done $0x0  }
0x58: {  	s0 =	sadd.s32 $0x5000, s13;
	[sflag:s20] =	ssyncadd.s32 $0xFFFFE0C0  }
0x59: {  	[spmem:s2] =	stream.indirect.scatter.add.f32 [tilespmem:s15], [sflag:$0x6], $0x40, s0, s14, $0xb8;
	[tilespmem:$0x1DC40] =	vst v63  }
0x5a: {  	_ =	swait.ge [sflag:s21], $0x1F40  }
0x5b: {  	[sflag:s21] =	ssyncset.done $0x0  }
0x5c: {  	s0 =	sadd.s32 $0x5080, s13;
	[sflag:s21] =	ssyncadd.s32 $0xFFFFE0C0  }
0x5d: {  	[spmem:s2] =	stream.indirect.scatter.add.f32 [tilespmem:s16], [sflag:$0x7], $0x40, s0, s14, $0xb8;
	[tilespmem:$0x1DC40] =	vst v63  }
0x5e: {  	_ =	swait.ge [sflag:s22], $0x1F40  }
0x5f: {  	[sflag:s22] =	ssyncset.done $0x0  }
0x60: {  	s0 =	sadd.s32 $0x5100, s13;
	[sflag:s22] =	ssyncadd.s32 $0xFFFFE0C0  }
0x61: {  	[spmem:s2] =	stream.indirect.scatter.add.f32 [tilespmem:s17], [sflag:$0x8], $0x40, s0, s14, $0xb8;
	[tilespmem:$0x1DC40] =	vst v63  }
0x62: {  	_ =	swait.ge [sflag:s23], $0x1F40  }
0x63: {  	[sflag:s23] =	ssyncset.done $0x0  }
0x64: {  	s0 =	sadd.s32 $0x5180, s13;
	[sflag:s23] =	ssyncadd.s32 $0xFFFFE0C0  }
0x65: {  	[spmem:s2] =	stream.indirect.scatter.add.f32 [tilespmem:s18], [sflag:$0x9], $0x40, s0, s14, $0xb8;
	[tilespmem:$0x1DC40] =	vst v63  }
0x66: {  	_ =	swait.ge [sflag:s24], $0x1F40  }
0x67: {  	[sflag:s24] =	ssyncset.done $0x0  }
0x68: {  	s0 =	sadd.s32 $0x5200, s13;
	[sflag:s24] =	ssyncadd.s32 $0xFFFFE0C0  }
0x69: {  	[spmem:s2] =	stream.indirect.scatter.add.f32 [tilespmem:s19], [sflag:$0xA], $0x40, s0, s14, $0xb8;
	[tilespmem:$0x1DC40] =	vst v63  }
0x6a: {  	_ =	swait.ge [sflag:s25], $0x1F40  }
0x6b: {  	[sflag:s25] =	ssyncset.done $0x0  }
0x6c: {  	[sflag:s25] =	ssyncadd.s32 $0xFFFFE0C0  }
0x6d: {  	_ =	swait.ge [sflag:s26], $0x1F40  }
0x6e: {  	[sflag:s26] =	ssyncset.done $0x0  }
0x6f: {  	[sflag:s26] =	ssyncadd.s32 $0xFFFFE0C0  }
0x70: {  	_ =	swait.ge [sflag:s28], $0x1F40  }
0x71: {  	[sflag:s28] =	ssyncset.done $0x0  }
0x72: {  	[sflag:s28] =	ssyncadd.s32 $0xFFFFE0C0  }
.Ltmp0:
0x73: {  	_ =	swait.ge [sflag:s29], $0x1F40;
	(pc) =	sbr.rel @p0 .LBB2_2-.Ltmp0, $4  }
0x74: {  	[sflag:s29] =	ssyncset.done $0x0  }
0x75: {  	[sflag:s29] =	ssyncadd.s32 $0xFFFFE0C0  }
0x76: {  	_ =	swait.ge [sflag:s30], $0x1F40  }
0x77: {  	s0 =	smov.u32 s3;
	[sflag:s30] =	ssyncset.done $0x0  }
0x78: {  	s0 =	sshra.s32 s1, $0x2;
	[sflag:s30] =	ssyncadd.s32 $0xFFFFE0C0  }
0x79: {  	[tilespmem:s15], [sflag:$0x1] =	stream.indirect.gather [hbm4b:s8+s14], $0x40, s0, s14, $0xb8;
	[tilespmem:$0x1DC40] =	vst v63  }
0x7a: {  	s1 =	sadd.s32 $0x80, s0  }
0x7b: {  	[tilespmem:s16], [sflag:$0x2] =	stream.indirect.gather [hbm4b:s8+s14], $0x40, s1, s14, $0xb8;
	[tilespmem:$0x1DC40] =	vst v63  }
0x7c: {  	s13 =	sadd.s32 $0x100, s0  }
0x7d: {  	[tilespmem:s17], [sflag:$0x3] =	stream.indirect.gather [hbm4b:s8+s14], $0x40, s13, s14, $0xb8;
	[tilespmem:$0x1DC40] =	vst v63  }
0x7e: {  	s3 =	sadd.s32 $0x180, s0  }
0x7f: {  	[tilespmem:s18], [sflag:$0x4] =	stream.indirect.gather [hbm4b:s8+s14], $0x40, s3, s14, $0xb8;
	[tilespmem:$0x1DC40] =	vst v63  }
0x80: {  	s13 =	sadd.s32 $0x200, s0  }
0x81: {  	[tilespmem:s19], [sflag:$0x5] =	stream.indirect.gather [hbm4b:s8+s14], $0x40, s13, s14, $0xb8;
	[tilespmem:$0x1DC40] =	vst v63  }
0x82: {  	_ =	swait.ge [sflag:s20], $0x1F40  }
0x83: {  	[sflag:s20] =	ssyncset.done $0x0  }
0x84: {  	s3 =	sadd.s32 $0x5000, s0;
	[sflag:s20] =	ssyncadd.s32 $0xFFFFE0C0  }
0x85: {  	[spmem:s2] =	stream.indirect.scatter.add.f32 [tilespmem:s15], [sflag:$0x6], $0x40, s3, s14, $0xb8;
	[tilespmem:$0x1DC40] =	vst v63  }
0x86: {  	_ =	swait.ge [sflag:s21], $0x1F40  }
0x87: {  	[sflag:s21] =	ssyncset.done $0x0  }
0x88: {  	s13 =	sadd.s32 $0x5080, s0;
	[sflag:s21] =	ssyncadd.s32 $0xFFFFE0C0  }
0x89: {  	[spmem:s2] =	stream.indirect.scatter.add.f32 [tilespmem:s16], [sflag:$0x7], $0x40, s13, s14, $0xb8;
	[tilespmem:$0x1DC40] =	vst v63  }
0x8a: {  	_ =	swait.ge [sflag:s22], $0x1F40  }
0x8b: {  	[sflag:s22] =	ssyncset.done $0x0  }
0x8c: {  	s3 =	sadd.s32 $0x5100, s0;
	[sflag:s22] =	ssyncadd.s32 $0xFFFFE0C0  }
0x8d: {  	[spmem:s2] =	stream.indirect.scatter.add.f32 [tilespmem:s17], [sflag:$0x8], $0x40, s3, s14, $0xb8;
	[tilespmem:$0x1DC40] =	vst v63  }
0x8e: {  	_ =	swait.ge [sflag:s23], $0x1F40  }
0x8f: {  	[sflag:s23] =	ssyncset.done $0x0  }
0x90: {  	s13 =	sadd.s32 $0x5180, s0;
	[sflag:s23] =	ssyncadd.s32 $0xFFFFE0C0  }
0x91: {  	[spmem:s2] =	stream.indirect.scatter.add.f32 [tilespmem:s18], [sflag:$0x9], $0x40, s13, s14, $0xb8;
	[tilespmem:$0x1DC40] =	vst v63  }
0x92: {  	_ =	swait.ge [sflag:s24], $0x1F40  }
0x93: {  	[sflag:s24] =	ssyncset.done $0x0  }
0x94: {  	s0 =	sadd.s32 $0x5200, s0;
	[sflag:s24] =	ssyncadd.s32 $0xFFFFE0C0  }
0x95: {  	[spmem:s2] =	stream.indirect.scatter.add.f32 [tilespmem:s19], [sflag:$0xA], $0x40, s0, s14, $0xb8;
	[tilespmem:$0x1DC40] =	vst v63  }
0x96: {  	_ =	swait.ge [sflag:s25], $0x1F40  }
0x97: {  	[sflag:s25] =	ssyncset.done $0x0  }
0x98: {  	[sflag:s25] =	ssyncadd.s32 $0xFFFFE0C0  }
0x99: {  	_ =	swait.ge [sflag:s26], $0x1F40  }
0x9a: {  	[sflag:s26] =	ssyncset.done $0x0  }
0x9b: {  	[sflag:s26] =	ssyncadd.s32 $0xFFFFE0C0  }
0x9c: {  	_ =	swait.ge [sflag:s28], $0x1F40  }
0x9d: {  	[sflag:s28] =	ssyncset.done $0x0  }
0x9e: {  	[sflag:s28] =	ssyncadd.s32 $0xFFFFE0C0  }
0x9f: {  	_ =	swait.ge [sflag:s29], $0x1F40  }
0xa0: {  	[sflag:s29] =	ssyncset.done $0x0  }
0xa1: {  	[sflag:s29] =	ssyncadd.s32 $0xFFFFE0C0  }
0xa2: {  	_ =	swait.ge [sflag:s30], $0x1F40  }
0xa3: {  	s31 =	sadd.s32 $0x1, s31;
	[sflag:s30] =	ssyncset.done $0x0  }
0xa4: {  	p0 =	sne.s32 s31, s10;
	[sflag:s30] =	ssyncadd.s32 $0xFFFFE0C0  }
.Ltmp1:
0xa5: {  	[bflag:$0x0] =	sbarrier.arrive $0xFFFF;
	(pc) =	sbr.rel @p0 .LBB2_1-.Ltmp1, $4  }
0xa6: {  	[hbm:s9], [sflag:s5] =	dma.local [spmem:s11], $0x1400  }
0xa7: {  	_ =	swait.ge [sflag:s12], $0x1400  }
0xa8: {  	[sflag:s12] =	ssyncset.done $0x0  }
0xa9: {  	[sflag:s12] =	ssyncadd.s32 $0xFFFFEC00  }
0xaa: {  	_ =	sfence.sel $0x180000  }
0xab: {  	[bflag:$0x0] =	sbarrier.arrive $0xFFFF  }
0xac: {  	_ =	strace $0x9000004A  }
0xad: {  	s0 =	stileid.u32;
	[bflag:$0x2] =	sbarrier.arrive $0xFFFF  }
0xae: {  	p0 =	sne.s32 s0, $0x0;
	s0 =	rddreg [dreg:$0x2]  }
0xaf: {  	s0 =	sadd.s32 @!p0 $0x100000, s0  }
0xb0: {  	[sflag:s0] =	ssyncadd.tile.s32 @!p0 $0x1;
	_ =	shalt  }
.Lfunc_end2:
_tile_overlayer_lowered:
.L_overlay_start_2:
0xb1: {  	(tag) =	ssettag $0x2  }
0xb2: {  	s0 =	rddreg [dreg:$0x0];
	s2 =	stileid.u32  }
0xb3: {  	s1 =	rddreg [dreg:$0x1];
	p0 =	sne.s32 s2, $0x0  }
0xb4: {  	s3 =	rddreg [dreg:$0x2];
	[bflag:$0x3] =	sbarrier.arrive $0xFFFF;
	s2 =	simm.s32 @!p0 $0x1C0B  }
0xb5: {  	[timem:s3], [sflag:s2] =	dma.local @!p0 [hbm:s0], s1  }
0xb6: {  	s0 =	simm.s32 @!p0 $0xB  }
0xb7: {  	_ =	swait.ge @!p0 [sflag:s0], s1  }
0xb8: {  	s1 =	ssub.s32 @!p0 $0x0, s1;
	[sflag:s0] =	ssyncset.done @!p0 $0x0  }
0xb9: {  	[sflag:s0] =	ssyncadd.s32 @!p0 s1  }
0xba: {  	[bflag:$0x3] =	sbarrier.arrive $0xFFFF  }
0xbb: {  	_ =	shalt  }

// kernel: kernel.15.cloned.1.call-start
scs
__scs_entry_jumppad:
0x0: {  	(pc) =	sbr.rel $0x88, $3  }
0x1: {  	(tag) =	ssettag $0x0;
	lr =	simm.s32 $0x1  }
0x2: {  	[smem:$0x3F9B] =	sst lr;
	_ =	strace $0xD0000000  }
0x3: {  	_ = 	snop  }
0x4: {  	_ = 	snop  }
0x5: {  	_ = 	snop  }
0x6: {  	_ = 	snop  }
0x7: {  	_ = 	snop  }
__scs_overlays_trampoline_lowered:
0x8: {  	[smem:$0x3FAA] =	sst s0  }
0x9: {  	[smem:$0x3FAB] =	sst s1  }
0xa: {  	[smem:$0x3FAC] =	sst s2  }
0xb: {  	[smem:$0x3FAD] =	sst s3  }
0xc: {  	[smem:$0x3FAE] =	sst s4  }
0xd: {  	[smem:$0x3FAF] =	sst s5  }
0xe: {  	[smem:$0x3FB0] =	sst s6  }
0xf: {  	[smem:$0x3FB1] =	sst s7  }
0x10: {  	[smem:$0x3FB2] =	sst s8  }
0x11: {  	[smem:$0x3FB3] =	sst s9;
	s0 =	simm.s32 @!p0 $0x0  }
0x12: {  	s1 =	sld [smem:$0x3F99];
	s0 =	simm.s32 @p0 $0x1  }
0x13: {  	[smem:$0x3FB4] =	sst s0;
	s0 =	simm.s32 @!p1 $0x0  }
0x14: {  	s2 =	sld [smem:$0x3F98];
	s0 =	simm.s32 @p1 $0x1  }
0x15: {  	[smem:$0x3FB5] =	sst s0;
	s0 =	simm.s32 @!p2 $0x0  }
0x16: {  	s3 =	sld [smem:$0x3FDB];
	s0 =	simm.s32 @p2 $0x1  }
0x17: {  	s4 =	simm.s32 $0x1BF5;
	[smem:$0x3FB7] =	sst s0  }
0x18: {  	s0 =	sld [smem:$0x3F9A];
	_ =	swait.ge [sflag:s4], $0x0  }
0x19: {  	s7 =	sld [smem:$0x3F9B]  }
0x1a: {  	s8 =	sadd.s32 $0xFFFFE003, lr  }
0x1b: {  	s9 =	sadd.s32 $0xFFFFFEF7, lr;
	s5 =	simm.s32 $0xFFFFFFFF;
	p2 =	slt.u32 s8, $0xFFFFF086  }
0x1c: {  	p1 =	slt.u32 s9, $0xF7A;
	s5 =	simm.s32 @!p2 $0x0  }
0x1d: {  	s5 =	simm.s32 @p1 $0x1;
	p0 =	seq.s32 s7, s2  }
0x1e: {  	s7 =	smul.u32 @!p0 $0xF7A, s2;
	p2 =	seq.s32 @!p0 s5, $0x0  }
0x1f: {  	s9 =	smul.u32 $0xF7A, s1;
	s8 =	simm.s32 @!p0 $0x1BF5;
	p2 =	por !p2, p0  }
0x20: {  	[sflag:s8] =	ssyncset.s32 @!p0 $0xFFFFF086;
	s6 =	sadd.s32 @!p0 s3, s7;
	s7 =	simm.s32 @!p0 $0x108  }
0x21: {  	s3 =	sadd.s32 s3, s9;
	s6 =	sadd.s32 @!p0 $0x88, s6;
	s7 =	simm.s32 @p2 $0x1082  }
0x22: {  	[simem:s7], [sflag:s8] =	dma.local @!p0 [hbm:s6], $0xF7A  }
0x23: {  	s9 =	sor.u32 $0xD0000000, s2;
	s6 =	simm.s32 $0x108;
	_ =	swait.ge @!p0 [sflag:s8], $0x0  }
0x24: {  	s3 =	sadd.s32 $0x88, s3;
	s6 =	simm.s32 @!p1 $0x1082;
	[sflag:s4] =	ssyncset.s32 $0xFFFFF086  }
0x25: {  	[simem:s6], [sflag:s4] =	dma.local [hbm:s3], $0xF7A  }
0x26: {  	[smem:$0x3F9B] =	sst s1;
	(tag) =	ssettag s2;
	_ =	strace s9  }
0x27: {  	s1 =	sld [smem:$0x3FAB]  }
0x28: {  	s2 =	sld [smem:$0x3FAC]  }
0x29: {  	s4 =	sld [smem:$0x3FAE]  }
0x2a: {  	p0 =	seq.s32 s5, $0x0;
	s5 =	sld [smem:$0x3FAF]  }
0x2b: {  	s6 =	sld [smem:$0x3FB0]  }
0x2c: {  	s7 =	sld [smem:$0x3FB1]  }
0x2d: {  	s3 =	simm.s32 $0x108;
	s8 =	sld [smem:$0x3FB2]  }
0x2e: {  	s3 =	simm.s32 @!p0 $0x1082;
	s9 =	sld [smem:$0x3FB3]  }
0x2f: {  	lr =	sadd.s32 s0, s3;
	s0 =	sld [smem:$0x3FAA]  }
0x30: {  	s3 =	sld [smem:$0x3FAD]  }
0x31: {  	[smem:$0x3FB6] =	sst s10  }
0x32: {  	s10 =	sld [smem:$0x3FB4];
	_ =	sdelay $0x3  }
0x33: {  	p0 =	seq.s32 s10, $0x1;
	s10 =	sld [smem:$0x3FB6];
	_ =	sdelay $0x3  }
0x34: {  	[smem:$0x3FB6] =	sst s10  }
0x35: {  	s10 =	sld [smem:$0x3FB5];
	_ =	sdelay $0x3  }
0x36: {  	p1 =	seq.s32 s10, $0x1;
	s10 =	sld [smem:$0x3FB6];
	_ =	sdelay $0x3  }
0x37: {  	[smem:$0x3FB6] =	sst s10  }
0x38: {  	s10 =	sld [smem:$0x3FB7]  }
0x39: {  	_ = 	snop;
	(pc) =	sbr.ind lr, $3  }
0x3a: {  	_ = 	snop  }
0x3b: {  	_ = 	snop  }
0x3c: {  	p2 =	seq.s32 s10, $0x1;
	s10 =	sld [smem:$0x3FB6]  }
0x3d: {  	_ =	shalt  }
0x3e: {  	_ =	shalt  }
0x3f: {  	_ =	shalt  }
0x40: {  	_ =	shalt  }
0x41: {  	_ =	shalt  }
0x42: {  	_ =	shalt  }
0x43: {  	_ =	shalt  }
0x44: {  	_ =	shalt  }
0x45: {  	_ =	shalt  }
0x46: {  	_ =	shalt  }
0x47: {  	_ =	shalt  }
0x48: {  	_ =	shalt  }
0x49: {  	_ =	shalt  }
0x4a: {  	_ =	shalt  }
0x4b: {  	_ =	shalt  }
0x4c: {  	_ =	shalt  }
0x4d: {  	_ =	shalt  }
0x4e: {  	_ =	shalt  }
0x4f: {  	_ =	shalt  }
0x50: {  	_ =	shalt  }
0x51: {  	_ =	shalt  }
0x52: {  	_ =	shalt  }
0x53: {  	_ =	shalt  }
0x54: {  	_ =	shalt  }
0x55: {  	_ =	shalt  }
0x56: {  	_ =	shalt  }
0x57: {  	_ =	shalt  }
0x58: {  	_ =	shalt  }
0x59: {  	_ =	shalt  }
0x5a: {  	_ =	shalt  }
0x5b: {  	_ =	shalt  }
0x5c: {  	_ =	shalt  }
0x5d: {  	_ =	shalt  }
0x5e: {  	_ =	shalt  }
0x5f: {  	_ =	shalt  }
0x60: {  	_ =	shalt  }
0x61: {  	_ =	shalt  }
0x62: {  	_ =	shalt  }
0x63: {  	_ =	shalt  }
0x64: {  	_ =	shalt  }
0x65: {  	_ =	shalt  }
0x66: {  	_ =	shalt  }
0x67: {  	_ =	shalt  }
0x68: {  	_ =	shalt  }
0x69: {  	_ =	shalt  }
0x6a: {  	_ =	shalt  }
0x6b: {  	_ =	shalt  }
0x6c: {  	_ =	shalt  }
0x6d: {  	_ =	shalt  }
0x6e: {  	_ =	shalt  }
0x6f: {  	_ =	shalt  }
0x70: {  	_ =	shalt  }
0x71: {  	_ =	shalt  }
0x72: {  	_ =	shalt  }
0x73: {  	_ =	shalt  }
0x74: {  	_ =	shalt  }
0x75: {  	_ =	shalt  }
0x76: {  	_ =	shalt  }
0x77: {  	_ =	shalt  }
0x78: {  	_ =	shalt  }
0x79: {  	_ =	shalt  }
0x7a: {  	_ =	shalt  }
0x7b: {  	_ =	shalt  }
0x7c: {  	_ =	shalt  }
0x7d: {  	_ =	shalt  }
0x7e: {  	_ =	shalt  }
0x7f: {  	_ =	shalt  }
0x80: {  	_ =	shalt  }
0x81: {  	_ =	shalt  }
0x82: {  	_ =	shalt  }
0x83: {  	_ =	shalt  }
0x84: {  	_ =	shalt  }
0x85: {  	_ =	shalt  }
0x86: {  	_ =	shalt  }
0x87: {  	_ =	shalt  }
.Lfunc_end0:
.L_simem_size_0:
called_computation.2_lowered:
.L_overlay_start_0:
0x88: {  	s2 =	sld [smem:$0x3FD9]  }
0x89: {  	s3 =	sld [smem:$0x3FFE];
	_ =	sdelay $0x1  }
0x8a: {  	s1 =	srdreg.scid  }
0x8b: {  	s0 =	sand.u32 $0x1, s1  }
0x8c: {  	s16 =	sshll.u32 s0, $0xA;
	s2 =	sadd.s32 s3, s2  }
0x8d: {  	s2 =	sadd.s32 s2, s16  }
0x8e: {  	[smem:$0x3FC2] =	sst s2  }
0x8f: {  	_ = 	snop  }
0x90: {  	(tm) =	ssettm $0x1  }
0x91: {  	s17 =	sld [smem:$0x3FFB];
	_ =	sdelay $0x3  }
0x92: {  	_ =	strace s17  }
0x93: {  	s2 =	sld [smem:$0x3FFC];
	_ =	sdelay $0x3  }
0x94: {  	_ =	strace s2  }
0x95: {  	s2 =	sld [smem:$0x3FFD];
	_ =	sdelay $0x3  }
0x96: {  	_ =	strace s2  }
0x97: {  	_ =	strace $0x8FFFFFFF  }
0x98: {  	s18 =	sld [smem:$0x3FDB];
	_ =	sdelay $0x1  }
0x99: {  	s19 =	simm.s32 $_scs_section_size  }
0x9a: {  	s4 =	simm.s32 $_size__tile_overlayer_lowered;
	s5 =	simm.s32 $_tile_overlayer_lowered  }
0x9b: {  	s22 =	simm.s32 $0x1BFF;
	s21 =	sshll.u32 s5, $0x1;
	s2 =	sadd.s32 s19, s18  }
0x9c: {  	s6 =	simm.s32 $0x0;
	s20 =	sshll.u32 s4, $0x1;
	s4 =	sadd.s32 s21, s2  }
0x9d: {  	[timem:s6], [sflag:s22] =	dma.local [hbm:s4], s20  }
0x9e: {  	_ =	swait.ge [sflag:s22], s20  }
0x9f: {  	s3 =	ssub.s32 $0x0, s20;
	[sflag:s22] =	ssyncset.done $0x0  }
0xa0: {  	[sflag:s22] =	ssyncadd.s32 s3;
	_ =	sdelay $0x1  }
0xa1: {  	s23 =	simm.s32 $0x1B8B  }
0xa2: {  	_ =	swait.ge [sflag:s23], $0x1  }
0xa3: {  	[sflag:s23] =	ssyncset.done $0x0  }
0xa4: {  	s25 =	simm.s32 $0x1B8E;
	s24 =	sld [smem:$0x3FFE];
	[sflag:s23] =	ssyncadd.s32 $0xFFFFFFFF  }
0xa5: {  	s26 =	simm.s32 $execute0_lowered;
	[smem:$0x3FD2] =	sst s25  }
0xa6: {  	s4 =	sshll.u32 s26, $0x1;
	_ =	strace $0x8000004C;
	[dreg:$0x1] =	wrdreg $0xFFFFFFFF  }
0xa7: {  	s28 =	simm.s32 $_size_execute0_lowered;
	s2 =	sadd.s32 s2, s4;
	[dreg:$0x0] =	wrdreg $0x0  }
0xa8: {  	s4 =	sshll.u32 s28, $0x1;
	[dreg:$0x2] =	wrdreg s2  }
0xa9: {  	[dreg:$0x3] =	wrdreg s4  }
0xaa: {  	[dreg:$0x4] =	wrdreg $0xC0  }
0xab: {  	_ =	task [dreg:s6], $0x5FFFF  }
0xac: {  	[dreg:$0x1] =	wrdreg $0xFFFFFFFF  }
0xad: {  	[dreg:$0x0] =	wrdreg $0x60  }
0xae: {  	[dreg:$0x2] =	wrdreg s24  }
0xaf: {  	[dreg:$0x3] =	wrdreg $0x8E800  }
0xb0: {  	[dreg:$0x4] =	wrdreg $0x9  }
0xb1: {  	_ =	task.clear_ibuf [dreg:s6], $0x5FFFF;
	_ =	strace $0x9000004C  }
0xb2: {  	s29 =	simm.s32 $0x9;
	_ =	strace $0x8000004E  }
0xb3: {  	_ =	swait.ge [sflag:s29], $0x1  }
0xb4: {  	[sflag:s29] =	ssyncadd.s32 $0xFFFFFFFF  }
0xb5: {  	_ =	strace $0x9000004E  }
0xb6: {  	_ =	sfence  }
0xb7: {  	s30 =	sld [smem:$0x0];
	_ =	sdelay $0x2  }
0xb8: {  	s31 =	sshll.u32 s1, $0xD;
	s1 =	sshrl.u32 s1, $0x2  }
0xb9: {  	s3 =	sand.u32 $0x4000, s31;
	s1 =	sadd.s32 s1, s30  }
0xba: {  	s0 =	sor.u32 s3, s0;
	s1 =	sshll.u32 s1, $0x11  }
0xbb: {  	s0 =	sor.u32 s1, s0  }
0xbc: {  	s0 =	sadd.s32 $0x8F2B, s0  }
0xbd: {  	[sflag:s0] =	ssyncadd.remote.s32 $0x1  }
0xbe: {  	_ =	sfence.sel $0xFFFF  }
0xbf: {  	[dreg:$0x0] =	wrdreg $0xFFFFFFFF;
	(pc) =	sbr.abs _section_cstart, $3  }
0xc0: {  	[dreg:$0x1] =	wrdreg $0xFFFFFFFF  }
0xc1: {  	_ =	task.clear_ibuf [dreg:s6], $0x2FFFF;
	_ =	strace $0x9FFFFFFF  }
0xc2: {  	(tm) =	ssettm $0x7FFFFFFF  }
0xc3: {  	_ =	shalt  }
tec
execute0_lowered:
.L_overlay_start_1:
0x0: {  	(tag) =	ssettag $0x1  }
0x1: {  	s0 =	srdreg.scid;
	s3 =	rddreg [dreg:$0x0]  }
0x2: {  	s9 =	stileid.u32;
	s2 =	rddreg [dreg:$0x1];
	s4 =	simm.s32 $0x0  }
0x3: {  	s12 =	simm.s32 $0x11;
	s14 =	simm.s32 $0x7D;
	s15 =	simm.s32 $0x5000  }
0x4: {  	s16 =	simm.s32 $0x57D0;
	s17 =	simm.s32 $0x5FA0;
	s18 =	simm.s32 $0x6770  }
0x5: {  	s19 =	simm.s32 $0x6F40;
	s20 =	simm.s32 $0x7710;
	s21 =	simm.s32 $0x7EE0  }
0x6: {  	s22 =	simm.s32 $0x86B0;
	s23 =	simm.s32 $0x1;
	s28 =	simm.s32 $0x5  }
0x7: {  	s29 =	simm.s32 $0x6;
	s30 =	simm.s32 $0x7;
	s31 =	simm.s32 $0x8  }
0x8: {  	s13 =	simm.s32 $0xB;
	s0 =	sand.u32 $0x1, s0;
	s5 =	smul.u32 $0x2800, s9  }
0x9: {  	[smem:$0x7FF] =	sst s4;
	s4 =	sadd.s32 $0x1B400, s3;
	s24 =	sshll.u32 s9, $0x6  }
0xa: {  	s1 =	sshll.u32 s0, $0x4;
	s6 =	smul.u32 $0x28000, s0;
	_ =	strace $0x8000004D  }
0xb: {  	s0 =	ssub.s32 $0x2, s0;
	s10 =	sor.u32 $0x1C11, s24;
	s24 =	simm.s32 $0x2  }
0xc: {  	s1 =	sor.u32 s9, s1;
	s7 =	sshrl.u32 s5, $0x3;
	s8 =	sshrl.u32 s0, $0x1  }
0xd: {  	[dreg:$0x4] =	wrdreg s10;
	s1 =	smul.u32 $0x2800, s1;
	s7 =	sadd.s32 s7, s3  }
0xe: {  	s6 =	sadd.s32 s5, s6;
	s0 =	ssub.s32 s0, s8;
	s7 =	sadd.s32 $0x16400, s7  }
0xf: {  	s5 =	sadd.s32 s5, s2;
	s0 =	smax.u32 s0, $0x1;
	[dreg:$0x3] =	wrdreg s7  }
0x10: {  	s9 =	simm.s32 $0x10;
	s11 =	sshrl.u32 s5, $0x3;
	[dreg:$0x8] =	wrdreg s0  }
0x11: {  	s6 =	sshrl.u32 s6, $0x3;
	s1 =	sshrl.u32 s1, $0x3;
	[dreg:$0x9] =	wrdreg s11  }
0x12: {  	s1 =	sadd.s32 s1, s3;
	s3 =	sadd.s32 s6, s3;
	s6 =	simm.s32 $0x0  }
0x13: {  	s8 =	simm.s32 $0xF;
	s25 =	sadd.s32 $0x2400, s1;
	[dreg:$0xa] =	wrdreg s6  }
0x14: {  	s5 =	simm.s32 $0xD;
	s1 =	sadd.s32 $0xC400, s1;
	[dreg:$0x5] =	wrdreg s25  }
0x15: {  	s0 =	simm.s32 $0xA;
	s26 =	sadd.s32 $0x20400, s3;
	[dreg:$0x6] =	wrdreg s1  }
0x16: {  	s7 =	simm.s32 $0xE;
	s3 =	simm.s32 $0xC;
	[dreg:$0x7] =	wrdreg s26  }
0x17: {  	s25 =	simm.s32 $0x3;
	s26 =	simm.s32 $0x4;
	s1 =	simm.s32 $0x9  }
.LBB2_1:
0x18: {  	s6 =	rddreg [dreg:$0x3]  }
0x19: {  	[spmem:s11], [sflag:s10] =	dma.local [hbm:s6], $0x500  }
0x1a: {  	_ =	swait.ge [sflag:s12], $0x500  }
0x1b: {  	[sflag:s12] =	ssyncset.done $0x0  }
0x1c: {  	s6 =	simm.s32 $0x0;
	s11 =	rddreg [dreg:$0x5];
	[sflag:s12] =	ssyncadd.s32 $0xFFFFFB00  }
0x1d: {  	[tilespmem:s6], [sflag:$0x11] =	stream.linear.gather [hbm4b:s11+s6], $0x2800, $0x38;
	[tilespmem:$0xB680] =	vst v63  }
0x1e: {  	_ =	swait.ge [sflag:s12], $0x2800  }
0x1f: {  	[sflag:s12] =	ssyncset.done $0x0  }
0x20: {  	s11 =	simm.s32 $0x2800;
	s10 =	rddreg [dreg:$0x6];
	[sflag:s12] =	ssyncadd.s32 $0xFFFFD800  }
0x21: {  	[tilespmem:s11], [sflag:$0x11] =	stream.linear.gather [hbm4b:s10+s6], $0x2800, $0x38;
	[tilespmem:$0xB680] =	vst v63  }
0x22: {  	_ =	swait.ge [sflag:s12], $0x2800  }
0x23: {  	[sflag:s12] =	ssyncset.done $0x0  }
0x24: {  	[sflag:s12] =	ssyncadd.s32 $0xFFFFD800  }
0x25: {  	s12 =	simm.s32 $0x0;
	[bflag:$0x0] =	sbarrier.arrive $0xFFFF  }
0x26: {  	[tilespmem:s15], [sflag:$0x1] =	stream.indirect.gather [hbm4b:s4+s14], $0x10, s12, s14, $0xb8;
	[tilespmem:$0xB680] =	vst v63  }
0x27: {  	s10 =	simm.s32 $0x80  }
0x28: {  	[tilespmem:s16], [sflag:$0x2] =	stream.indirect.gather [hbm4b:s4+s14], $0x10, s10, s14, $0xb8;
	[tilespmem:$0xB680] =	vst v63  }
0x29: {  	s11 =	simm.s32 $0x100  }
0x2a: {  	[tilespmem:s17], [sflag:$0x3] =	stream.indirect.gather [hbm4b:s4+s14], $0x10, s11, s14, $0xb8;
	[tilespmem:$0xB680] =	vst v63  }
0x2b: {  	s12 =	simm.s32 $0x180  }
0x2c: {  	[tilespmem:s18], [sflag:$0x4] =	stream.indirect.gather [hbm4b:s4+s14], $0x10, s12, s14, $0xb8;
	[tilespmem:$0xB680] =	vst v63  }
0x2d: {  	s10 =	simm.s32 $0x200  }
0x2e: {  	[tilespmem:s19], [sflag:$0x5] =	stream.indirect.gather [hbm4b:s4+s14], $0x10, s10, s14, $0xb8;
	[tilespmem:$0xB680] =	vst v63  }
0x2f: {  	s11 =	simm.s32 $0x280  }
0x30: {  	[tilespmem:s20], [sflag:$0x6] =	stream.indirect.gather [hbm4b:s4+s14], $0x10, s11, s14, $0xb8;
	[tilespmem:$0xB680] =	vst v63  }
0x31: {  	s12 =	simm.s32 $0x300  }
0x32: {  	[tilespmem:s21], [sflag:$0x7] =	stream.indirect.gather [hbm4b:s4+s14], $0x10, s12, s14, $0xb8;
	[tilespmem:$0xB680] =	vst v63  }
0x33: {  	s10 =	simm.s32 $0x380  }
0x34: {  	[tilespmem:s22], [sflag:$0x8] =	stream.indirect.gather [hbm4b:s4+s14], $0x10, s10, s14, $0xb8;
	[tilespmem:$0xB680] =	vst v63  }
0x35: {  	_ =	swait.ge [sflag:s23], $0x7D0  }
0x36: {  	[sflag:s23] =	ssyncset.done $0x0  }
0x37: {  	s11 =	simm.s32 $0x2800;
	[sflag:s23] =	ssyncadd.s32 $0xFFFFF830  }
0x38: {  	[spmem:s2] =	stream.indirect.scatter.add.f32 [tilespmem:s15], [sflag:$0x9], $0x10, s11, s14, $0xb8;
	[tilespmem:$0xB680] =	vst v63  }
0x39: {  	_ =	swait.ge [sflag:s24], $0x7D0  }
0x3a: {  	[sflag:s24] =	ssyncset.done $0x0  }
0x3b: {  	s12 =	simm.s32 $0x2880;
	[sflag:s24] =	ssyncadd.s32 $0xFFFFF830  }
0x3c: {  	[spmem:s2] =	stream.indirect.scatter.add.f32 [tilespmem:s16], [sflag:$0xA], $0x10, s12, s14, $0xb8;
	[tilespmem:$0xB680] =	vst v63  }
0x3d: {  	_ =	swait.ge [sflag:s25], $0x7D0  }
0x3e: {  	[sflag:s25] =	ssyncset.done $0x0  }
0x3f: {  	s10 =	simm.s32 $0x2900;
	[sflag:s25] =	ssyncadd.s32 $0xFFFFF830  }
0x40: {  	[spmem:s2] =	stream.indirect.scatter.add.f32 [tilespmem:s17], [sflag:$0xB], $0x10, s10, s14, $0xb8;
	[tilespmem:$0xB680] =	vst v63  }
0x41: {  	_ =	swait.ge [sflag:s26], $0x7D0  }
0x42: {  	[sflag:s26] =	ssyncset.done $0x0  }
0x43: {  	s11 =	simm.s32 $0x2980;
	[sflag:s26] =	ssyncadd.s32 $0xFFFFF830  }
0x44: {  	[spmem:s2] =	stream.indirect.scatter.add.f32 [tilespmem:s18], [sflag:$0xC], $0x10, s11, s14, $0xb8;
	[tilespmem:$0xB680] =	vst v63  }
0x45: {  	_ =	swait.ge [sflag:s28], $0x7D0  }
0x46: {  	[sflag:s28] =	ssyncset.done $0x0  }
0x47: {  	s12 =	simm.s32 $0x2A00;
	[sflag:s28] =	ssyncadd.s32 $0xFFFFF830  }
0x48: {  	[spmem:s2] =	stream.indirect.scatter.add.f32 [tilespmem:s19], [sflag:$0xD], $0x10, s12, s14, $0xb8;
	[tilespmem:$0xB680] =	vst v63  }
0x49: {  	_ =	swait.ge [sflag:s29], $0x7D0  }
0x4a: {  	[sflag:s29] =	ssyncset.done $0x0  }
0x4b: {  	s10 =	simm.s32 $0x2A80;
	[sflag:s29] =	ssyncadd.s32 $0xFFFFF830  }
0x4c: {  	[spmem:s2] =	stream.indirect.scatter.add.f32 [tilespmem:s20], [sflag:$0xE], $0x10, s10, s14, $0xb8;
	[tilespmem:$0xB680] =	vst v63  }
0x4d: {  	_ =	swait.ge [sflag:s30], $0x7D0  }
0x4e: {  	[sflag:s30] =	ssyncset.done $0x0  }
0x4f: {  	s11 =	simm.s32 $0x2B00;
	[sflag:s30] =	ssyncadd.s32 $0xFFFFF830  }
0x50: {  	[spmem:s2] =	stream.indirect.scatter.add.f32 [tilespmem:s21], [sflag:$0xF], $0x10, s11, s14, $0xb8;
	[tilespmem:$0xB680] =	vst v63  }
0x51: {  	_ =	swait.ge [sflag:s31], $0x7D0  }
0x52: {  	[sflag:s31] =	ssyncset.done $0x0  }
0x53: {  	s12 =	simm.s32 $0x2B80;
	[sflag:s31] =	ssyncadd.s32 $0xFFFFF830  }
0x54: {  	[spmem:s2] =	stream.indirect.scatter.add.f32 [tilespmem:s22], [sflag:$0x10], $0x10, s12, s14, $0xb8;
	[tilespmem:$0xB680] =	vst v63  }
0x55: {  	_ =	swait.ge [sflag:s1], $0x7D0  }
0x56: {  	[sflag:s1] =	ssyncset.done $0x0  }
0x57: {  	[sflag:s1] =	ssyncadd.s32 $0xFFFFF830  }
0x58: {  	_ =	swait.ge [sflag:s0], $0x7D0  }
0x59: {  	[sflag:s0] =	ssyncset.done $0x0  }
0x5a: {  	[sflag:s0] =	ssyncadd.s32 $0xFFFFF830  }
0x5b: {  	_ =	swait.ge [sflag:s13], $0x7D0  }
0x5c: {  	[sflag:s13] =	ssyncset.done $0x0  }
0x5d: {  	[sflag:s13] =	ssyncadd.s32 $0xFFFFF830  }
0x5e: {  	_ =	swait.ge [sflag:s3], $0x7D0  }
0x5f: {  	[sflag:s3] =	ssyncset.done $0x0  }
0x60: {  	[sflag:s3] =	ssyncadd.s32 $0xFFFFF830  }
0x61: {  	_ =	swait.ge [sflag:s5], $0x7D0  }
0x62: {  	[sflag:s5] =	ssyncset.done $0x0  }
0x63: {  	[sflag:s5] =	ssyncadd.s32 $0xFFFFF830  }
0x64: {  	_ =	swait.ge [sflag:s7], $0x7D0  }
0x65: {  	[sflag:s7] =	ssyncset.done $0x0  }
0x66: {  	[sflag:s7] =	ssyncadd.s32 $0xFFFFF830  }
0x67: {  	_ =	swait.ge [sflag:s8], $0x7D0  }
0x68: {  	[sflag:s8] =	ssyncset.done $0x0  }
0x69: {  	[sflag:s8] =	ssyncadd.s32 $0xFFFFF830  }
0x6a: {  	_ =	swait.ge [sflag:s9], $0x7D0  }
0x6b: {  	s6 =	simm.s32 $0x1000;
	s11 =	simm.s32 $0x2000;
	[sflag:s9] =	ssyncset.done $0x0  }
.LBB2_2:
0x6c: {  	s12 =	sshra.s32 s6, $0x2  }
0x6d: {  	[sflag:s9] =	ssyncadd.s32 $0xFFFFF830;
	s6 =	smov.u32 s11;
	s10 =	sadd.s32 $0x1000, s11  }
0x6e: {  	[tilespmem:s15], [sflag:$0x1] =	stream.indirect.gather [hbm4b:s4+s14], $0x10, s12, s14, $0xb8;
	[tilespmem:$0xB680] =	vst v63  }
0x6f: {  	p0 =	sne.s32 s11, $0x9000;
	s11 =	sadd.s32 $0x80, s12  }
0x70: {  	[tilespmem:s16], [sflag:$0x2] =	stream.indirect.gather [hbm4b:s4+s14], $0x10, s11, s14, $0xb8;
	[tilespmem:$0xB680] =	vst v63  }
0x71: {  	s11 =	sadd.s32 $0x100, s12  }
0x72: {  	[tilespmem:s17], [sflag:$0x3] =	stream.indirect.gather [hbm4b:s4+s14], $0x10, s11, s14, $0xb8;
	[tilespmem:$0xB680] =	vst v63  }
0x73: {  	s11 =	sadd.s32 $0x180, s12  }
0x74: {  	[tilespmem:s18], [sflag:$0x4] =	stream.indirect.gather [hbm4b:s4+s14], $0x10, s11, s14, $0xb8;
	[tilespmem:$0xB680] =	vst v63  }
0x75: {  	s11 =	sadd.s32 $0x200, s12  }
0x76: {  	[tilespmem:s19], [sflag:$0x5] =	stream.indirect.gather [hbm4b:s4+s14], $0x10, s11, s14, $0xb8;
	[tilespmem:$0xB680] =	vst v63  }
0x77: {  	s11 =	sadd.s32 $0x280, s12  }
0x78: {  	[tilespmem:s20], [sflag:$0x6] =	stream.indirect.gather [hbm4b:s4+s14], $0x10, s11, s14, $0xb8;
	[tilespmem:$0xB680] =	vst v63  }
0x79: {  	s11 =	sadd.s32 $0x300, s12  }
0x7a: {  	[tilespmem:s21], [sflag:$0x7] =	stream.indirect.gather [hbm4b:s4+s14], $0x10, s11, s14, $0xb8;
	[tilespmem:$0xB680] =	vst v63  }
0x7b: {  	s11 =	sadd.s32 $0x380, s12  }
0x7c: {  	[tilespmem:s22], [sflag:$0x8] =	stream.indirect.gather [hbm4b:s4+s14], $0x10, s11, s14, $0xb8;
	[tilespmem:$0xB680] =	vst v63  }
0x7d: {  	_ =	swait.ge [sflag:s23], $0x7D0  }
0x7e: {  	[sflag:s23] =	ssyncset.done $0x0  }
0x7f: {  	s11 =	sadd.s32 $0x2800, s12;
	[sflag:s23] =	ssyncadd.s32 $0xFFFFF830  }
0x80: {  	[spmem:s2] =	stream.indirect.scatter.add.f32 [tilespmem:s15], [sflag:$0x9], $0x10, s11, s14, $0xb8;
	[tilespmem:$0xB680] =	vst v63  }
0x81: {  	_ =	swait.ge [sflag:s24], $0x7D0  }
0x82: {  	[sflag:s24] =	ssyncset.done $0x0  }
0x83: {  	s11 =	sadd.s32 $0x2880, s12;
	[sflag:s24] =	ssyncadd.s32 $0xFFFFF830  }
0x84: {  	[spmem:s2] =	stream.indirect.scatter.add.f32 [tilespmem:s16], [sflag:$0xA], $0x10, s11, s14, $0xb8;
	[tilespmem:$0xB680] =	vst v63  }
0x85: {  	_ =	swait.ge [sflag:s25], $0x7D0  }
0x86: {  	[sflag:s25] =	ssyncset.done $0x0  }
0x87: {  	s11 =	sadd.s32 $0x2900, s12;
	[sflag:s25] =	ssyncadd.s32 $0xFFFFF830  }
0x88: {  	[spmem:s2] =	stream.indirect.scatter.add.f32 [tilespmem:s17], [sflag:$0xB], $0x10, s11, s14, $0xb8;
	[tilespmem:$0xB680] =	vst v63  }
0x89: {  	_ =	swait.ge [sflag:s26], $0x7D0  }
0x8a: {  	[sflag:s26] =	ssyncset.done $0x0  }
0x8b: {  	s11 =	sadd.s32 $0x2980, s12;
	[sflag:s26] =	ssyncadd.s32 $0xFFFFF830  }
0x8c: {  	[spmem:s2] =	stream.indirect.scatter.add.f32 [tilespmem:s18], [sflag:$0xC], $0x10, s11, s14, $0xb8;
	[tilespmem:$0xB680] =	vst v63  }
0x8d: {  	_ =	swait.ge [sflag:s28], $0x7D0  }
0x8e: {  	[sflag:s28] =	ssyncset.done $0x0  }
0x8f: {  	s11 =	sadd.s32 $0x2A00, s12;
	[sflag:s28] =	ssyncadd.s32 $0xFFFFF830  }
0x90: {  	[spmem:s2] =	stream.indirect.scatter.add.f32 [tilespmem:s19], [sflag:$0xD], $0x10, s11, s14, $0xb8;
	[tilespmem:$0xB680] =	vst v63  }
0x91: {  	_ =	swait.ge [sflag:s29], $0x7D0  }
0x92: {  	[sflag:s29] =	ssyncset.done $0x0  }
0x93: {  	s11 =	sadd.s32 $0x2A80, s12;
	[sflag:s29] =	ssyncadd.s32 $0xFFFFF830  }
0x94: {  	[spmem:s2] =	stream.indirect.scatter.add.f32 [tilespmem:s20], [sflag:$0xE], $0x10, s11, s14, $0xb8;
	[tilespmem:$0xB680] =	vst v63  }
0x95: {  	_ =	swait.ge [sflag:s30], $0x7D0  }
0x96: {  	[sflag:s30] =	ssyncset.done $0x0  }
0x97: {  	s11 =	sadd.s32 $0x2B00, s12;
	[sflag:s30] =	ssyncadd.s32 $0xFFFFF830  }
0x98: {  	[spmem:s2] =	stream.indirect.scatter.add.f32 [tilespmem:s21], [sflag:$0xF], $0x10, s11, s14, $0xb8;
	[tilespmem:$0xB680] =	vst v63  }
0x99: {  	_ =	swait.ge [sflag:s31], $0x7D0  }
0x9a: {  	[sflag:s31] =	ssyncset.done $0x0  }
0x9b: {  	s11 =	sadd.s32 $0x2B80, s12;
	[sflag:s31] =	ssyncadd.s32 $0xFFFFF830  }
0x9c: {  	[spmem:s2] =	stream.indirect.scatter.add.f32 [tilespmem:s22], [sflag:$0x10], $0x10, s11, s14, $0xb8;
	[tilespmem:$0xB680] =	vst v63  }
0x9d: {  	_ =	swait.ge [sflag:s1], $0x7D0  }
0x9e: {  	[sflag:s1] =	ssyncset.done $0x0  }
0x9f: {  	[sflag:s1] =	ssyncadd.s32 $0xFFFFF830  }
0xa0: {  	_ =	swait.ge [sflag:s0], $0x7D0  }
0xa1: {  	[sflag:s0] =	ssyncset.done $0x0  }
0xa2: {  	[sflag:s0] =	ssyncadd.s32 $0xFFFFF830  }
0xa3: {  	_ =	swait.ge [sflag:s13], $0x7D0  }
0xa4: {  	[sflag:s13] =	ssyncset.done $0x0  }
0xa5: {  	[sflag:s13] =	ssyncadd.s32 $0xFFFFF830  }
0xa6: {  	_ =	swait.ge [sflag:s3], $0x7D0  }
0xa7: {  	[sflag:s3] =	ssyncset.done $0x0  }
0xa8: {  	[sflag:s3] =	ssyncadd.s32 $0xFFFFF830  }
0xa9: {  	_ =	swait.ge [sflag:s5], $0x7D0  }
0xaa: {  	[sflag:s5] =	ssyncset.done $0x0  }
0xab: {  	[sflag:s5] =	ssyncadd.s32 $0xFFFFF830  }
0xac: {  	_ =	swait.ge [sflag:s7], $0x7D0  }
0xad: {  	[sflag:s7] =	ssyncset.done $0x0  }
0xae: {  	[sflag:s7] =	ssyncadd.s32 $0xFFFFF830  }
.Ltmp0:
0xaf: {  	_ =	swait.ge [sflag:s8], $0x7D0;
	(pc) =	sbr.rel @p0 .LBB2_2-.Ltmp0, $4  }
0xb0: {  	[sflag:s8] =	ssyncset.done $0x0  }
0xb1: {  	[sflag:s8] =	ssyncadd.s32 $0xFFFFF830  }
0xb2: {  	_ =	swait.ge [sflag:s9], $0x7D0  }
0xb3: {  	s11 =	smov.u32 s10;
	[sflag:s9] =	ssyncset.done $0x0  }
0xb4: {  	s6 =	sshra.s32 s6, $0x2;
	[sflag:s9] =	ssyncadd.s32 $0xFFFFF830  }
0xb5: {  	[tilespmem:s15], [sflag:$0x1] =	stream.indirect.gather [hbm4b:s4+s14], $0x10, s6, s14, $0xb8;
	[tilespmem:$0xB680] =	vst v63  }
0xb6: {  	s10 =	sadd.s32 $0x80, s6  }
0xb7: {  	[tilespmem:s16], [sflag:$0x2] =	stream.indirect.gather [hbm4b:s4+s14], $0x10, s10, s14, $0xb8;
	[tilespmem:$0xB680] =	vst v63  }
0xb8: {  	s12 =	sadd.s32 $0x100, s6  }
0xb9: {  	[tilespmem:s17], [sflag:$0x3] =	stream.indirect.gather [hbm4b:s4+s14], $0x10, s12, s14, $0xb8;
	[tilespmem:$0xB680] =	vst v63  }
0xba: {  	s11 =	sadd.s32 $0x180, s6  }
0xbb: {  	[tilespmem:s18], [sflag:$0x4] =	stream.indirect.gather [hbm4b:s4+s14], $0x10, s11, s14, $0xb8;
	[tilespmem:$0xB680] =	vst v63  }
0xbc: {  	s12 =	sadd.s32 $0x200, s6  }
0xbd: {  	[tilespmem:s19], [sflag:$0x5] =	stream.indirect.gather [hbm4b:s4+s14], $0x10, s12, s14, $0xb8;
	[tilespmem:$0xB680] =	vst v63  }
0xbe: {  	s11 =	sadd.s32 $0x280, s6  }
0xbf: {  	[tilespmem:s20], [sflag:$0x6] =	stream.indirect.gather [hbm4b:s4+s14], $0x10, s11, s14, $0xb8;
	[tilespmem:$0xB680] =	vst v63  }
0xc0: {  	s12 =	sadd.s32 $0x300, s6  }
0xc1: {  	[tilespmem:s21], [sflag:$0x7] =	stream.indirect.gather [hbm4b:s4+s14], $0x10, s12, s14, $0xb8;
	[tilespmem:$0xB680] =	vst v63  }
0xc2: {  	s11 =	sadd.s32 $0x380, s6  }
0xc3: {  	[tilespmem:s22], [sflag:$0x8] =	stream.indirect.gather [hbm4b:s4+s14], $0x10, s11, s14, $0xb8;
	[tilespmem:$0xB680] =	vst v63  }
0xc4: {  	_ =	swait.ge [sflag:s23], $0x7D0  }
0xc5: {  	[sflag:s23] =	ssyncset.done $0x0  }
0xc6: {  	s12 =	sadd.s32 $0x2800, s6;
	[sflag:s23] =	ssyncadd.s32 $0xFFFFF830  }
0xc7: {  	[spmem:s2] =	stream.indirect.scatter.add.f32 [tilespmem:s15], [sflag:$0x9], $0x10, s12, s14, $0xb8;
	[tilespmem:$0xB680] =	vst v63  }
0xc8: {  	_ =	swait.ge [sflag:s24], $0x7D0  }
0xc9: {  	[sflag:s24] =	ssyncset.done $0x0  }
0xca: {  	s11 =	sadd.s32 $0x2880, s6;
	[sflag:s24] =	ssyncadd.s32 $0xFFFFF830  }
0xcb: {  	[spmem:s2] =	stream.indirect.scatter.add.f32 [tilespmem:s16], [sflag:$0xA], $0x10, s11, s14, $0xb8;
	[tilespmem:$0xB680] =	vst v63  }
0xcc: {  	_ =	swait.ge [sflag:s25], $0x7D0  }
0xcd: {  	[sflag:s25] =	ssyncset.done $0x0  }
0xce: {  	s12 =	sadd.s32 $0x2900, s6;
	[sflag:s25] =	ssyncadd.s32 $0xFFFFF830  }
0xcf: {  	[spmem:s2] =	stream.indirect.scatter.add.f32 [tilespmem:s17], [sflag:$0xB], $0x10, s12, s14, $0xb8;
	[tilespmem:$0xB680] =	vst v63  }
0xd0: {  	_ =	swait.ge [sflag:s26], $0x7D0  }
0xd1: {  	[sflag:s26] =	ssyncset.done $0x0  }
0xd2: {  	s11 =	sadd.s32 $0x2980, s6;
	[sflag:s26] =	ssyncadd.s32 $0xFFFFF830  }
0xd3: {  	[spmem:s2] =	stream.indirect.scatter.add.f32 [tilespmem:s18], [sflag:$0xC], $0x10, s11, s14, $0xb8;
	[tilespmem:$0xB680] =	vst v63  }
0xd4: {  	_ =	swait.ge [sflag:s28], $0x7D0  }
0xd5: {  	[sflag:s28] =	ssyncset.done $0x0  }
0xd6: {  	s12 =	sadd.s32 $0x2A00, s6;
	[sflag:s28] =	ssyncadd.s32 $0xFFFFF830  }
0xd7: {  	[spmem:s2] =	stream.indirect.scatter.add.f32 [tilespmem:s19], [sflag:$0xD], $0x10, s12, s14, $0xb8;
	[tilespmem:$0xB680] =	vst v63  }
0xd8: {  	_ =	swait.ge [sflag:s29], $0x7D0  }
0xd9: {  	[sflag:s29] =	ssyncset.done $0x0  }
0xda: {  	s11 =	sadd.s32 $0x2A80, s6;
	[sflag:s29] =	ssyncadd.s32 $0xFFFFF830  }
0xdb: {  	[spmem:s2] =	stream.indirect.scatter.add.f32 [tilespmem:s20], [sflag:$0xE], $0x10, s11, s14, $0xb8;
	[tilespmem:$0xB680] =	vst v63  }
0xdc: {  	_ =	swait.ge [sflag:s30], $0x7D0  }
0xdd: {  	[sflag:s30] =	ssyncset.done $0x0  }
0xde: {  	s12 =	sadd.s32 $0x2B00, s6;
	[sflag:s30] =	ssyncadd.s32 $0xFFFFF830  }
0xdf: {  	[spmem:s2] =	stream.indirect.scatter.add.f32 [tilespmem:s21], [sflag:$0xF], $0x10, s12, s14, $0xb8;
	[tilespmem:$0xB680] =	vst v63  }
0xe0: {  	_ =	swait.ge [sflag:s31], $0x7D0  }
0xe1: {  	[sflag:s31] =	ssyncset.done $0x0  }
0xe2: {  	s6 =	sadd.s32 $0x2B80, s6;
	[sflag:s31] =	ssyncadd.s32 $0xFFFFF830  }
0xe3: {  	[spmem:s2] =	stream.indirect.scatter.add.f32 [tilespmem:s22], [sflag:$0x10], $0x10, s6, s14, $0xb8;
	[tilespmem:$0xB680] =	vst v63  }
0xe4: {  	_ =	swait.ge [sflag:s1], $0x7D0  }
0xe5: {  	[sflag:s1] =	ssyncset.done $0x0  }
0xe6: {  	[sflag:s1] =	ssyncadd.s32 $0xFFFFF830  }
0xe7: {  	_ =	swait.ge [sflag:s0], $0x7D0  }
0xe8: {  	[sflag:s0] =	ssyncset.done $0x0  }
0xe9: {  	[sflag:s0] =	ssyncadd.s32 $0xFFFFF830  }
0xea: {  	_ =	swait.ge [sflag:s13], $0x7D0  }
0xeb: {  	[sflag:s13] =	ssyncset.done $0x0  }
0xec: {  	[sflag:s13] =	ssyncadd.s32 $0xFFFFF830  }
0xed: {  	_ =	swait.ge [sflag:s3], $0x7D0  }
0xee: {  	[sflag:s3] =	ssyncset.done $0x0  }
0xef: {  	[sflag:s3] =	ssyncadd.s32 $0xFFFFF830  }
0xf0: {  	_ =	swait.ge [sflag:s5], $0x7D0  }
0xf1: {  	[sflag:s5] =	ssyncset.done $0x0  }
0xf2: {  	[sflag:s5] =	ssyncadd.s32 $0xFFFFF830  }
0xf3: {  	_ =	swait.ge [sflag:s7], $0x7D0  }
0xf4: {  	[sflag:s7] =	ssyncset.done $0x0  }
0xf5: {  	[sflag:s7] =	ssyncadd.s32 $0xFFFFF830  }
0xf6: {  	_ =	swait.ge [sflag:s8], $0x7D0  }
0xf7: {  	[sflag:s8] =	ssyncset.done $0x0  }
0xf8: {  	[sflag:s8] =	ssyncadd.s32 $0xFFFFF830  }
0xf9: {  	_ =	swait.ge [sflag:s9], $0x7D0  }
0xfa: {  	[sflag:s9] =	ssyncset.done $0x0  }
0xfb: {  	[sflag:s9] =	ssyncadd.s32 $0xFFFFF830  }
0xfc: {  	[bflag:$0x0] =	sbarrier.arrive $0xFFFF  }
0xfd: {  	s6 =	rddreg [dreg:$0x4]  }
0xfe: {  	s12 =	rddreg [dreg:$0x7]  }
0xff: {  	s11 =	rddreg [dreg:$0x9]  }
0x100: {  	[hbm:s12], [sflag:s6] =	dma.local [spmem:s11], $0x500  }
0x101: {  	s12 =	simm.s32 $0x11  }
0x102: {  	_ =	swait.ge [sflag:s12], $0x500  }
0x103: {  	s6 =	rddreg [dreg:$0xa]  }
0x104: {  	s10 =	sadd.s32 $0x1, s6;
	s6 =	rddreg [dreg:$0x8]  }
0x105: {  	p0 =	sne.s32 s10, s6  }
.Ltmp1:
0x106: {  	_ = 	snop;
	(pc) =	sbr.rel @p0 .LBB2_1-.Ltmp1, $3  }
0x107: {  	_ =	sdelay $0x1  }
0x108: {  	[sflag:s12] =	ssyncset.done $0x0;
	[dreg:$0xa] =	wrdreg s10  }
0x109: {  	[sflag:s12] =	ssyncadd.s32 $0xFFFFFB00;
	s10 =	rddreg [dreg:$0x4]  }
0x10a: {  	_ =	sfence.sel $0x180000  }
0x10b: {  	[bflag:$0x0] =	sbarrier.arrive $0xFFFF  }
0x10c: {  	_ =	strace $0x9000004D  }
0x10d: {  	s0 =	stileid.u32;
	[bflag:$0x2] =	sbarrier.arrive $0xFFFF  }
0x10e: {  	p0 =	sne.s32 s0, $0x0;
	s0 =	rddreg [dreg:$0x2]  }
0x10f: {  	s0 =	sadd.s32 @!p0 $0x100000, s0  }
0x110: {  	[sflag:s0] =	ssyncadd.tile.s32 @!p0 $0x1;
	_ =	shalt  }
.Lfunc_end2:
_tile_overlayer_lowered:
.L_overlay_start_2:
0x111: {  	(tag) =	ssettag $0x2  }
0x112: {  	s0 =	rddreg [dreg:$0x0];
	s2 =	stileid.u32  }
0x113: {  	s1 =	rddreg [dreg:$0x1];
	p0 =	sne.s32 s2, $0x0  }
0x114: {  	s3 =	rddreg [dreg:$0x2];
	[bflag:$0x3] =	sbarrier.arrive $0xFFFF;
	s2 =	simm.s32 @!p0 $0x1C11  }
0x115: {  	[timem:s3], [sflag:s2] =	dma.local @!p0 [hbm:s0], s1  }
0x116: {  	s0 =	simm.s32 @!p0 $0x11  }
0x117: {  	_ =	swait.ge @!p0 [sflag:s0], s1  }
0x118: {  	s1 =	ssub.s32 @!p0 $0x0, s1;
	[sflag:s0] =	ssyncset.done @!p0 $0x0  }
0x119: {  	[sflag:s0] =	ssyncadd.s32 @!p0 s1  }
0x11a: {  	[bflag:$0x3] =	sbarrier.arrive $0xFFFF  }
0x11b: {  	_ =	shalt  }

// kernel: kernel.9.cloned.1.call-start
scs
__scs_entry_jumppad:
0x0: {  	(pc) =	sbr.rel $0x88, $3  }
0x1: {  	(tag) =	ssettag $0x0;
	lr =	simm.s32 $0x1  }
0x2: {  	[smem:$0x3F9B] =	sst lr;
	_ =	strace $0xD0000000  }
0x3: {  	_ = 	snop  }
0x4: {  	_ = 	snop  }
0x5: {  	_ = 	snop  }
0x6: {  	_ = 	snop  }
0x7: {  	_ = 	snop  }
__scs_overlays_trampoline_lowered:
0x8: {  	[smem:$0x3FAA] =	sst s0  }
0x9: {  	[smem:$0x3FAB] =	sst s1  }
0xa: {  	[smem:$0x3FAC] =	sst s2  }
0xb: {  	[smem:$0x3FAD] =	sst s3  }
0xc: {  	[smem:$0x3FAE] =	sst s4  }
0xd: {  	[smem:$0x3FAF] =	sst s5  }
0xe: {  	[smem:$0x3FB0] =	sst s6  }
0xf: {  	[smem:$0x3FB1] =	sst s7  }
0x10: {  	[smem:$0x3FB2] =	sst s8  }
0x11: {  	[smem:$0x3FB3] =	sst s9;
	s0 =	simm.s32 @!p0 $0x0  }
0x12: {  	s1 =	sld [smem:$0x3F99];
	s0 =	simm.s32 @p0 $0x1  }
0x13: {  	[smem:$0x3FB4] =	sst s0;
	s0 =	simm.s32 @!p1 $0x0  }
0x14: {  	s2 =	sld [smem:$0x3F98];
	s0 =	simm.s32 @p1 $0x1  }
0x15: {  	[smem:$0x3FB5] =	sst s0;
	s0 =	simm.s32 @!p2 $0x0  }
0x16: {  	s3 =	sld [smem:$0x3FDB];
	s0 =	simm.s32 @p2 $0x1  }
0x17: {  	s4 =	simm.s32 $0x1BF5;
	[smem:$0x3FB7] =	sst s0  }
0x18: {  	s0 =	sld [smem:$0x3F9A];
	_ =	swait.ge [sflag:s4], $0x0  }
0x19: {  	s7 =	sld [smem:$0x3F9B]  }
0x1a: {  	s8 =	sadd.s32 $0xFFFFE003, lr  }
0x1b: {  	s9 =	sadd.s32 $0xFFFFFEF7, lr;
	s5 =	simm.s32 $0xFFFFFFFF;
	p2 =	slt.u32 s8, $0xFFFFF086  }
0x1c: {  	p1 =	slt.u32 s9, $0xF7A;
	s5 =	simm.s32 @!p2 $0x0  }
0x1d: {  	s5 =	simm.s32 @p1 $0x1;
	p0 =	seq.s32 s7, s2  }
0x1e: {  	s7 =	smul.u32 @!p0 $0xF7A, s2;
	p2 =	seq.s32 @!p0 s5, $0x0  }
0x1f: {  	s9 =	smul.u32 $0xF7A, s1;
	s8 =	simm.s32 @!p0 $0x1BF5;
	p2 =	por !p2, p0  }
0x20: {  	[sflag:s8] =	ssyncset.s32 @!p0 $0xFFFFF086;
	s6 =	sadd.s32 @!p0 s3, s7;
	s7 =	simm.s32 @!p0 $0x108  }
0x21: {  	s3 =	sadd.s32 s3, s9;
	s6 =	sadd.s32 @!p0 $0x88, s6;
	s7 =	simm.s32 @p2 $0x1082  }
0x22: {  	[simem:s7], [sflag:s8] =	dma.local @!p0 [hbm:s6], $0xF7A  }
0x23: {  	s9 =	sor.u32 $0xD0000000, s2;
	s6 =	simm.s32 $0x108;
	_ =	swait.ge @!p0 [sflag:s8], $0x0  }
0x24: {  	s3 =	sadd.s32 $0x88, s3;
	s6 =	simm.s32 @!p1 $0x1082;
	[sflag:s4] =	ssyncset.s32 $0xFFFFF086  }
0x25: {  	[simem:s6], [sflag:s4] =	dma.local [hbm:s3], $0xF7A  }
0x26: {  	[smem:$0x3F9B] =	sst s1;
	(tag) =	ssettag s2;
	_ =	strace s9  }
0x27: {  	s1 =	sld [smem:$0x3FAB]  }
0x28: {  	s2 =	sld [smem:$0x3FAC]  }
0x29: {  	s4 =	sld [smem:$0x3FAE]  }
0x2a: {  	p0 =	seq.s32 s5, $0x0;
	s5 =	sld [smem:$0x3FAF]  }
0x2b: {  	s6 =	sld [smem:$0x3FB0]  }
0x2c: {  	s7 =	sld [smem:$0x3FB1]  }
0x2d: {  	s3 =	simm.s32 $0x108;
	s8 =	sld [smem:$0x3FB2]  }
0x2e: {  	s3 =	simm.s32 @!p0 $0x1082;
	s9 =	sld [smem:$0x3FB3]  }
0x2f: {  	lr =	sadd.s32 s0, s3;
	s0 =	sld [smem:$0x3FAA]  }
0x30: {  	s3 =	sld [smem:$0x3FAD]  }
0x31: {  	[smem:$0x3FB6] =	sst s10  }
0x32: {  	s10 =	sld [smem:$0x3FB4];
	_ =	sdelay $0x3  }
0x33: {  	p0 =	seq.s32 s10, $0x1;
	s10 =	sld [smem:$0x3FB6];
	_ =	sdelay $0x3  }
0x34: {  	[smem:$0x3FB6] =	sst s10  }
0x35: {  	s10 =	sld [smem:$0x3FB5];
	_ =	sdelay $0x3  }
0x36: {  	p1 =	seq.s32 s10, $0x1;
	s10 =	sld [smem:$0x3FB6];
	_ =	sdelay $0x3  }
0x37: {  	[smem:$0x3FB6] =	sst s10  }
0x38: {  	s10 =	sld [smem:$0x3FB7]  }
0x39: {  	_ = 	snop;
	(pc) =	sbr.ind lr, $3  }
0x3a: {  	_ = 	snop  }
0x3b: {  	_ = 	snop  }
0x3c: {  	p2 =	seq.s32 s10, $0x1;
	s10 =	sld [smem:$0x3FB6]  }
0x3d: {  	_ =	shalt  }
0x3e: {  	_ =	shalt  }
0x3f: {  	_ =	shalt  }
0x40: {  	_ =	shalt  }
0x41: {  	_ =	shalt  }
0x42: {  	_ =	shalt  }
0x43: {  	_ =	shalt  }
0x44: {  	_ =	shalt  }
0x45: {  	_ =	shalt  }
0x46: {  	_ =	shalt  }
0x47: {  	_ =	shalt  }
0x48: {  	_ =	shalt  }
0x49: {  	_ =	shalt  }
0x4a: {  	_ =	shalt  }
0x4b: {  	_ =	shalt  }
0x4c: {  	_ =	shalt  }
0x4d: {  	_ =	shalt  }
0x4e: {  	_ =	shalt  }
0x4f: {  	_ =	shalt  }
0x50: {  	_ =	shalt  }
0x51: {  	_ =	shalt  }
0x52: {  	_ =	shalt  }
0x53: {  	_ =	shalt  }
0x54: {  	_ =	shalt  }
0x55: {  	_ =	shalt  }
0x56: {  	_ =	shalt  }
0x57: {  	_ =	shalt  }
0x58: {  	_ =	shalt  }
0x59: {  	_ =	shalt  }
0x5a: {  	_ =	shalt  }
0x5b: {  	_ =	shalt  }
0x5c: {  	_ =	shalt  }
0x5d: {  	_ =	shalt  }
0x5e: {  	_ =	shalt  }
0x5f: {  	_ =	shalt  }
0x60: {  	_ =	shalt  }
0x61: {  	_ =	shalt  }
0x62: {  	_ =	shalt  }
0x63: {  	_ =	shalt  }
0x64: {  	_ =	shalt  }
0x65: {  	_ =	shalt  }
0x66: {  	_ =	shalt  }
0x67: {  	_ =	shalt  }
0x68: {  	_ =	shalt  }
0x69: {  	_ =	shalt  }
0x6a: {  	_ =	shalt  }
0x6b: {  	_ =	shalt  }
0x6c: {  	_ =	shalt  }
0x6d: {  	_ =	shalt  }
0x6e: {  	_ =	shalt  }
0x6f: {  	_ =	shalt  }
0x70: {  	_ =	shalt  }
0x71: {  	_ =	shalt  }
0x72: {  	_ =	shalt  }
0x73: {  	_ =	shalt  }
0x74: {  	_ =	shalt  }
0x75: {  	_ =	shalt  }
0x76: {  	_ =	shalt  }
0x77: {  	_ =	shalt  }
0x78: {  	_ =	shalt  }
0x79: {  	_ =	shalt  }
0x7a: {  	_ =	shalt  }
0x7b: {  	_ =	shalt  }
0x7c: {  	_ =	shalt  }
0x7d: {  	_ =	shalt  }
0x7e: {  	_ =	shalt  }
0x7f: {  	_ =	shalt  }
0x80: {  	_ =	shalt  }
0x81: {  	_ =	shalt  }
0x82: {  	_ =	shalt  }
0x83: {  	_ =	shalt  }
0x84: {  	_ =	shalt  }
0x85: {  	_ =	shalt  }
0x86: {  	_ =	shalt  }
0x87: {  	_ =	shalt  }
.Lfunc_end0:
.L_simem_size_0:
called_computation_lowered:
.L_overlay_start_0:
0x88: {  	s2 =	sld [smem:$0x3FD9]  }
0x89: {  	s3 =	sld [smem:$0x3FFE];
	_ =	sdelay $0x1  }
0x8a: {  	s1 =	srdreg.scid  }
0x8b: {  	s0 =	sand.u32 $0x1, s1  }
0x8c: {  	s17 =	sshll.u32 s0, $0xA;
	s2 =	sadd.s32 s3, s2  }
0x8d: {  	s2 =	sadd.s32 s2, s17  }
0x8e: {  	[smem:$0x3FC2] =	sst s2  }
0x8f: {  	_ = 	snop  }
0x90: {  	s2 =	sld [smem:$0x3FD0];
	(tm) =	ssettm $0x1  }
0x91: {  	s18 =	sld [smem:$0x3FFB];
	_ =	sdelay $0x3  }
0x92: {  	_ =	strace s18  }
0x93: {  	s3 =	sld [smem:$0x3FFC];
	_ =	sdelay $0x3  }
0x94: {  	_ =	strace s3  }
0x95: {  	s3 =	sld [smem:$0x3FFD];
	_ =	sdelay $0x3  }
0x96: {  	_ =	strace s3  }
0x97: {  	_ =	strace $0x8FFFFFFF  }
0x98: {  	s19 =	sld [smem:$0x3FDB];
	_ =	sdelay $0x1  }
0x99: {  	s4 =	simm.s32 $_scs_section_size  }
0x9a: {  	s5 =	simm.s32 $_size__tile_overlayer_lowered;
	s6 =	simm.s32 $_tile_overlayer_lowered  }
0x9b: {  	s22 =	simm.s32 $0x1BFF;
	s21 =	sshll.u32 s6, $0x1;
	s3 =	sadd.s32 s4, s19  }
0x9c: {  	s7 =	simm.s32 $0x0;
	s20 =	sshll.u32 s5, $0x1;
	s5 =	sadd.s32 s21, s3  }
0x9d: {  	[timem:s7], [sflag:s22] =	dma.local [hbm:s5], s20  }
0x9e: {  	_ =	swait.ge [sflag:s22], s20  }
0x9f: {  	s4 =	ssub.s32 $0x0, s20;
	[sflag:s22] =	ssyncset.done $0x0  }
0xa0: {  	[sflag:s22] =	ssyncadd.s32 s4;
	_ =	sdelay $0x1  }
0xa1: {  	s23 =	simm.s32 $0x1B8B  }
0xa2: {  	_ =	swait.ge [sflag:s23], $0x1  }
0xa3: {  	[sflag:s23] =	ssyncset.done $0x0  }
0xa4: {  	s25 =	simm.s32 $0x1B8E;
	s24 =	sld [smem:$0x3FFE];
	[sflag:s23] =	ssyncadd.s32 $0xFFFFFFFF  }
0xa5: {  	s26 =	simm.s32 $execute0_lowered;
	[smem:$0x3FD2] =	sst s25  }
0xa6: {  	s5 =	sshll.u32 s26, $0x1;
	_ =	strace $0x80000046;
	[dreg:$0x1] =	wrdreg $0xFFFFFFFF  }
0xa7: {  	s28 =	simm.s32 $_size_execute0_lowered;
	s3 =	sadd.s32 s3, s5;
	[dreg:$0x0] =	wrdreg $0x0  }
0xa8: {  	s5 =	sshll.u32 s28, $0x1;
	[dreg:$0x2] =	wrdreg s3  }
0xa9: {  	[dreg:$0x3] =	wrdreg s5  }
0xaa: {  	[dreg:$0x4] =	wrdreg $0xC0  }
0xab: {  	_ =	task [dreg:s7], $0x5FFFF  }
0xac: {  	[dreg:$0x1] =	wrdreg $0xFFFFFFFF  }
0xad: {  	[dreg:$0x0] =	wrdreg $0x60  }
0xae: {  	[dreg:$0x2] =	wrdreg s24  }
0xaf: {  	[dreg:$0x3] =	wrdreg s2  }
0xb0: {  	[dreg:$0x4] =	wrdreg $0x2FD00  }
0xb1: {  	[dreg:$0x5] =	wrdreg $0x9  }
0xb2: {  	_ =	task.clear_ibuf [dreg:s7], $0x6FFFF;
	_ =	strace $0x90000046  }
0xb3: {  	s29 =	simm.s32 $0x9;
	_ =	strace $0x80000048  }
0xb4: {  	_ =	swait.ge [sflag:s29], $0x1  }
0xb5: {  	[sflag:s29] =	ssyncadd.s32 $0xFFFFFFFF  }
0xb6: {  	_ =	strace $0x90000048  }
0xb7: {  	_ =	sfence  }
0xb8: {  	s30 =	sld [smem:$0x0];
	_ =	sdelay $0x2  }
0xb9: {  	s31 =	sshll.u32 s1, $0xD;
	s1 =	sshrl.u32 s1, $0x2  }
0xba: {  	s3 =	sand.u32 $0x4000, s31;
	s1 =	sadd.s32 s1, s30  }
0xbb: {  	s0 =	sor.u32 s3, s0;
	s1 =	sshll.u32 s1, $0x11  }
0xbc: {  	s0 =	sor.u32 s1, s0  }
0xbd: {  	s0 =	sadd.s32 $0x8F2B, s0  }
0xbe: {  	[sflag:s0] =	ssyncadd.remote.s32 $0x1  }
0xbf: {  	_ =	sfence.sel $0xFFFF  }
0xc0: {  	[dreg:$0x0] =	wrdreg $0xFFFFFFFF;
	(pc) =	sbr.abs _section_cstart, $3  }
0xc1: {  	[dreg:$0x1] =	wrdreg $0xFFFFFFFF  }
0xc2: {  	_ =	task.clear_ibuf [dreg:s7], $0x2FFFF;
	_ =	strace $0x9FFFFFFF  }
0xc3: {  	(tm) =	ssettm $0x7FFFFFFF  }
tec
execute0_lowered:
.L_overlay_start_1:
0x0: {  	(tag) =	ssettag $0x1  }
0x1: {  	s0 =	rddreg [dreg:$0x0]  }
0x2: {  	s3 =	rddreg [dreg:$0x2];
	s8 =	stileid.u32  }
0x3: {  	s1 =	srdreg.scid;
	s4 =	simm.s32 $0x0;
	s11 =	simm.s32 $0x11  }
0x4: {  	s12 =	simm.s32 $0x2800;
	s13 =	simm.s32 $0x7D;
	s14 =	simm.s32 $0x1  }
0x5: {  	s15 =	simm.s32 $0x2;
	s16 =	simm.s32 $0x3;
	s17 =	simm.s32 $0x4  }
0x6: {  	s18 =	simm.s32 $0x5;
	s19 =	simm.s32 $0x6;
	s20 =	simm.s32 $0x7  }
0x7: {  	s21 =	simm.s32 $0x8;
	s22 =	simm.s32 $0x9;
	s23 =	simm.s32 $0xA  }
0x8: {  	s28 =	simm.s32 $0xE;
	s29 =	simm.s32 $0xF;
	s30 =	simm.s32 $0x10  }
0x9: {  	s31 =	simm.s32 $0x0;
	s2 =	smul.u32 $0x2800, s8;
	s1 =	sand.u32 $0x1, s1  }
0xa: {  	[smem:$0x7FF] =	sst s4;
	s25 =	sshll.u32 s8, $0x6;
	s24 =	smul.u32 $0x28000, s1  }
0xb: {  	_ =	strace $0x80000047;
	s6 =	sshll.u32 s1, $0x4;
	s1 =	ssub.s32 $0x2, s1  }
0xc: {  	s5 =	sshrl.u32 s2, $0x3;
	s6 =	sor.u32 s8, s6;
	s7 =	sshrl.u32 s1, $0x1  }
0xd: {  	s4 =	sadd.s32 s2, s24;
	s6 =	smul.u32 $0x2800, s6;
	s5 =	sadd.s32 s5, s0  }
0xe: {  	s1 =	ssub.s32 s1, s7;
	s2 =	sadd.s32 s2, s3;
	s24 =	simm.s32 $0xB  }
0xf: {  	s4 =	sshrl.u32 s4, $0x3;
	s5 =	sadd.s32 $0x16400, s5;
	s9 =	smax.u32 s1, $0x1  }
0x10: {  	s10 =	sshrl.u32 s2, $0x3;
	s4 =	sadd.s32 s4, s0;
	s26 =	sshrl.u32 s6, $0x3  }
0x11: {  	s6 =	sor.u32 $0x1C11, s25;
	s25 =	simm.s32 $0xC;
	s0 =	sadd.s32 s0, s26  }
0x12: {  	s8 =	sadd.s32 $0x1B400, s4;
	s26 =	simm.s32 $0xD;
	s7 =	sadd.s32 $0xC400, s0  }
.LBB2_1:
0x13: {  	[spmem:s10], [sflag:s6] =	dma.local [hbm:s5], $0x500  }
0x14: {  	_ =	swait.ge [sflag:s11], $0x500  }
0x15: {  	[sflag:s11] =	ssyncset.done $0x0  }
0x16: {  	s1 =	simm.s32 $0x0;
	[sflag:s11] =	ssyncadd.s32 $0xFFFFFB00  }
0x17: {  	[tilespmem:s1], [sflag:$0x11] =	stream.linear.gather [hbm4b:s7+s1], $0x2800, $0x38;
	[tilespmem:$0x57D0] =	vst v63  }
0x18: {  	_ =	swait.ge [sflag:s11], $0x2800  }
0x19: {  	[sflag:s11] =	ssyncset.done $0x0  }
0x1a: {  	[sflag:s11] =	ssyncadd.s32 $0xFFFFD800  }
0x1b: {  	s0 =	rddreg [dreg:$0x1]  }
0x1c: {  	[tilespmem:s12], [sflag:$0x11] =	stream.linear.gather [hbm4b:s0+s1], $0x7D0, $0x38;
	[tilespmem:$0x57D0] =	vst v63  }
0x1d: {  	_ =	swait.ge [sflag:s11], $0x7D0  }
0x1e: {  	[sflag:s11] =	ssyncset.done $0x0  }
0x1f: {  	[sflag:s11] =	ssyncadd.s32 $0xFFFFF830  }
0x20: {  	s4 =	simm.s32 $0x0;
	[bflag:$0x0] =	sbarrier.arrive $0xFFFF  }
0x21: {  	[spmem:s3] =	stream.indirect.scatter.add.f32 [tilespmem:s12], [sflag:$0x1], $0x10, s4, s13, $0xb8;
	[tilespmem:$0x57D0] =	vst v63  }
0x22: {  	s1 =	simm.s32 $0x80  }
0x23: {  	[spmem:s3] =	stream.indirect.scatter.add.f32 [tilespmem:s12], [sflag:$0x2], $0x10, s1, s13, $0xb8;
	[tilespmem:$0x57D0] =	vst v63  }
0x24: {  	s2 =	simm.s32 $0x100  }
0x25: {  	[spmem:s3] =	stream.indirect.scatter.add.f32 [tilespmem:s12], [sflag:$0x3], $0x10, s2, s13, $0xb8;
	[tilespmem:$0x57D0] =	vst v63  }
0x26: {  	s4 =	simm.s32 $0x180  }
0x27: {  	[spmem:s3] =	stream.indirect.scatter.add.f32 [tilespmem:s12], [sflag:$0x4], $0x10, s4, s13, $0xb8;
	[tilespmem:$0x57D0] =	vst v63  }
0x28: {  	s1 =	simm.s32 $0x200  }
0x29: {  	[spmem:s3] =	stream.indirect.scatter.add.f32 [tilespmem:s12], [sflag:$0x5], $0x10, s1, s13, $0xb8;
	[tilespmem:$0x57D0] =	vst v63  }
0x2a: {  	s2 =	simm.s32 $0x280  }
0x2b: {  	[spmem:s3] =	stream.indirect.scatter.add.f32 [tilespmem:s12], [sflag:$0x6], $0x10, s2, s13, $0xb8;
	[tilespmem:$0x57D0] =	vst v63  }
0x2c: {  	s4 =	simm.s32 $0x300  }
0x2d: {  	[spmem:s3] =	stream.indirect.scatter.add.f32 [tilespmem:s12], [sflag:$0x7], $0x10, s4, s13, $0xb8;
	[tilespmem:$0x57D0] =	vst v63  }
0x2e: {  	s1 =	simm.s32 $0x380  }
0x2f: {  	[spmem:s3] =	stream.indirect.scatter.add.f32 [tilespmem:s12], [sflag:$0x8], $0x10, s1, s13, $0xb8;
	[tilespmem:$0x57D0] =	vst v63  }
0x30: {  	s2 =	simm.s32 $0x400  }
0x31: {  	[spmem:s3] =	stream.indirect.scatter.add.f32 [tilespmem:s12], [sflag:$0x9], $0x10, s2, s13, $0xb8;
	[tilespmem:$0x57D0] =	vst v63  }
0x32: {  	s4 =	simm.s32 $0x480  }
0x33: {  	[spmem:s3] =	stream.indirect.scatter.add.f32 [tilespmem:s12], [sflag:$0xA], $0x10, s4, s13, $0xb8;
	[tilespmem:$0x57D0] =	vst v63  }
0x34: {  	s1 =	simm.s32 $0x500  }
0x35: {  	[spmem:s3] =	stream.indirect.scatter.add.f32 [tilespmem:s12], [sflag:$0xB], $0x10, s1, s13, $0xb8;
	[tilespmem:$0x57D0] =	vst v63  }
0x36: {  	s2 =	simm.s32 $0x580  }
0x37: {  	[spmem:s3] =	stream.indirect.scatter.add.f32 [tilespmem:s12], [sflag:$0xC], $0x10, s2, s13, $0xb8;
	[tilespmem:$0x57D0] =	vst v63  }
0x38: {  	s4 =	simm.s32 $0x600  }
0x39: {  	[spmem:s3] =	stream.indirect.scatter.add.f32 [tilespmem:s12], [sflag:$0xD], $0x10, s4, s13, $0xb8;
	[tilespmem:$0x57D0] =	vst v63  }
0x3a: {  	s1 =	simm.s32 $0x680  }
0x3b: {  	[spmem:s3] =	stream.indirect.scatter.add.f32 [tilespmem:s12], [sflag:$0xE], $0x10, s1, s13, $0xb8;
	[tilespmem:$0x57D0] =	vst v63  }
0x3c: {  	s2 =	simm.s32 $0x700  }
0x3d: {  	[spmem:s3] =	stream.indirect.scatter.add.f32 [tilespmem:s12], [sflag:$0xF], $0x10, s2, s13, $0xb8;
	[tilespmem:$0x57D0] =	vst v63  }
0x3e: {  	s4 =	simm.s32 $0x780  }
0x3f: {  	[spmem:s3] =	stream.indirect.scatter.add.f32 [tilespmem:s12], [sflag:$0x10], $0x10, s4, s13, $0xb8;
	[tilespmem:$0x57D0] =	vst v63  }
0x40: {  	_ =	swait.ge [sflag:s14], $0x7D0  }
0x41: {  	[sflag:s14] =	ssyncset.done $0x0  }
0x42: {  	[sflag:s14] =	ssyncadd.s32 $0xFFFFF830  }
0x43: {  	_ =	swait.ge [sflag:s15], $0x7D0  }
0x44: {  	[sflag:s15] =	ssyncset.done $0x0  }
0x45: {  	[sflag:s15] =	ssyncadd.s32 $0xFFFFF830  }
0x46: {  	_ =	swait.ge [sflag:s16], $0x7D0  }
0x47: {  	[sflag:s16] =	ssyncset.done $0x0  }
0x48: {  	[sflag:s16] =	ssyncadd.s32 $0xFFFFF830  }
0x49: {  	_ =	swait.ge [sflag:s17], $0x7D0  }
0x4a: {  	[sflag:s17] =	ssyncset.done $0x0  }
0x4b: {  	[sflag:s17] =	ssyncadd.s32 $0xFFFFF830  }
0x4c: {  	_ =	swait.ge [sflag:s18], $0x7D0  }
0x4d: {  	[sflag:s18] =	ssyncset.done $0x0  }
0x4e: {  	[sflag:s18] =	ssyncadd.s32 $0xFFFFF830  }
0x4f: {  	_ =	swait.ge [sflag:s19], $0x7D0  }
0x50: {  	[sflag:s19] =	ssyncset.done $0x0  }
0x51: {  	[sflag:s19] =	ssyncadd.s32 $0xFFFFF830  }
0x52: {  	_ =	swait.ge [sflag:s20], $0x7D0  }
0x53: {  	[sflag:s20] =	ssyncset.done $0x0  }
0x54: {  	[sflag:s20] =	ssyncadd.s32 $0xFFFFF830  }
0x55: {  	_ =	swait.ge [sflag:s21], $0x7D0  }
0x56: {  	[sflag:s21] =	ssyncset.done $0x0  }
0x57: {  	[sflag:s21] =	ssyncadd.s32 $0xFFFFF830  }
0x58: {  	_ =	swait.ge [sflag:s22], $0x7D0  }
0x59: {  	[sflag:s22] =	ssyncset.done $0x0  }
0x5a: {  	[sflag:s22] =	ssyncadd.s32 $0xFFFFF830  }
0x5b: {  	_ =	swait.ge [sflag:s23], $0x7D0  }
0x5c: {  	[sflag:s23] =	ssyncset.done $0x0  }
0x5d: {  	[sflag:s23] =	ssyncadd.s32 $0xFFFFF830  }
0x5e: {  	_ =	swait.ge [sflag:s24], $0x7D0  }
0x5f: {  	[sflag:s24] =	ssyncset.done $0x0  }
0x60: {  	[sflag:s24] =	ssyncadd.s32 $0xFFFFF830  }
0x61: {  	_ =	swait.ge [sflag:s25], $0x7D0  }
0x62: {  	[sflag:s25] =	ssyncset.done $0x0  }
0x63: {  	[sflag:s25] =	ssyncadd.s32 $0xFFFFF830  }
0x64: {  	_ =	swait.ge [sflag:s26], $0x7D0  }
0x65: {  	[sflag:s26] =	ssyncset.done $0x0  }
0x66: {  	[sflag:s26] =	ssyncadd.s32 $0xFFFFF830  }
0x67: {  	_ =	swait.ge [sflag:s28], $0x7D0  }
0x68: {  	[sflag:s28] =	ssyncset.done $0x0  }
0x69: {  	[sflag:s28] =	ssyncadd.s32 $0xFFFFF830  }
0x6a: {  	_ =	swait.ge [sflag:s29], $0x7D0  }
0x6b: {  	[sflag:s29] =	ssyncset.done $0x0  }
0x6c: {  	[sflag:s29] =	ssyncadd.s32 $0xFFFFF830  }
0x6d: {  	_ =	swait.ge [sflag:s30], $0x7D0  }
0x6e: {  	s0 =	simm.s32 $0x2000;
	s1 =	simm.s32 $0x4000;
	[sflag:s30] =	ssyncset.done $0x0  }
.LBB2_2:
0x6f: {  	s2 =	sshra.s32 s0, $0x2  }
0x70: {  	[sflag:s30] =	ssyncadd.s32 $0xFFFFF830;
	s0 =	smov.u32 s1;
	s4 =	sadd.s32 $0x2000, s1  }
0x71: {  	[spmem:s3] =	stream.indirect.scatter.add.f32 [tilespmem:s12], [sflag:$0x1], $0x10, s2, s13, $0xb8;
	[tilespmem:$0x57D0] =	vst v63  }
0x72: {  	p0 =	sne.s32 s1, $0x8000;
	s1 =	sadd.s32 $0x80, s2  }
0x73: {  	[spmem:s3] =	stream.indirect.scatter.add.f32 [tilespmem:s12], [sflag:$0x2], $0x10, s1, s13, $0xb8;
	[tilespmem:$0x57D0] =	vst v63  }
0x74: {  	s1 =	sadd.s32 $0x100, s2  }
0x75: {  	[spmem:s3] =	stream.indirect.scatter.add.f32 [tilespmem:s12], [sflag:$0x3], $0x10, s1, s13, $0xb8;
	[tilespmem:$0x57D0] =	vst v63  }
0x76: {  	s1 =	sadd.s32 $0x180, s2  }
0x77: {  	[spmem:s3] =	stream.indirect.scatter.add.f32 [tilespmem:s12], [sflag:$0x4], $0x10, s1, s13, $0xb8;
	[tilespmem:$0x57D0] =	vst v63  }
0x78: {  	s1 =	sadd.s32 $0x200, s2  }
0x79: {  	[spmem:s3] =	stream.indirect.scatter.add.f32 [tilespmem:s12], [sflag:$0x5], $0x10, s1, s13, $0xb8;
	[tilespmem:$0x57D0] =	vst v63  }
0x7a: {  	s1 =	sadd.s32 $0x280, s2  }
0x7b: {  	[spmem:s3] =	stream.indirect.scatter.add.f32 [tilespmem:s12], [sflag:$0x6], $0x10, s1, s13, $0xb8;
	[tilespmem:$0x57D0] =	vst v63  }
0x7c: {  	s1 =	sadd.s32 $0x300, s2  }
0x7d: {  	[spmem:s3] =	stream.indirect.scatter.add.f32 [tilespmem:s12], [sflag:$0x7], $0x10, s1, s13, $0xb8;
	[tilespmem:$0x57D0] =	vst v63  }
0x7e: {  	s1 =	sadd.s32 $0x380, s2  }
0x7f: {  	[spmem:s3] =	stream.indirect.scatter.add.f32 [tilespmem:s12], [sflag:$0x8], $0x10, s1, s13, $0xb8;
	[tilespmem:$0x57D0] =	vst v63  }
0x80: {  	s1 =	sadd.s32 $0x400, s2  }
0x81: {  	[spmem:s3] =	stream.indirect.scatter.add.f32 [tilespmem:s12], [sflag:$0x9], $0x10, s1, s13, $0xb8;
	[tilespmem:$0x57D0] =	vst v63  }
0x82: {  	s1 =	sadd.s32 $0x480, s2  }
0x83: {  	[spmem:s3] =	stream.indirect.scatter.add.f32 [tilespmem:s12], [sflag:$0xA], $0x10, s1, s13, $0xb8;
	[tilespmem:$0x57D0] =	vst v63  }
0x84: {  	s1 =	sadd.s32 $0x500, s2  }
0x85: {  	[spmem:s3] =	stream.indirect.scatter.add.f32 [tilespmem:s12], [sflag:$0xB], $0x10, s1, s13, $0xb8;
	[tilespmem:$0x57D0] =	vst v63  }
0x86: {  	s1 =	sadd.s32 $0x580, s2  }
0x87: {  	[spmem:s3] =	stream.indirect.scatter.add.f32 [tilespmem:s12], [sflag:$0xC], $0x10, s1, s13, $0xb8;
	[tilespmem:$0x57D0] =	vst v63  }
0x88: {  	s1 =	sadd.s32 $0x600, s2  }
0x89: {  	[spmem:s3] =	stream.indirect.scatter.add.f32 [tilespmem:s12], [sflag:$0xD], $0x10, s1, s13, $0xb8;
	[tilespmem:$0x57D0] =	vst v63  }
0x8a: {  	s1 =	sadd.s32 $0x680, s2  }
0x8b: {  	[spmem:s3] =	stream.indirect.scatter.add.f32 [tilespmem:s12], [sflag:$0xE], $0x10, s1, s13, $0xb8;
	[tilespmem:$0x57D0] =	vst v63  }
0x8c: {  	s1 =	sadd.s32 $0x700, s2  }
0x8d: {  	[spmem:s3] =	stream.indirect.scatter.add.f32 [tilespmem:s12], [sflag:$0xF], $0x10, s1, s13, $0xb8;
	[tilespmem:$0x57D0] =	vst v63  }
0x8e: {  	s1 =	sadd.s32 $0x780, s2  }
0x8f: {  	[spmem:s3] =	stream.indirect.scatter.add.f32 [tilespmem:s12], [sflag:$0x10], $0x10, s1, s13, $0xb8;
	[tilespmem:$0x57D0] =	vst v63  }
0x90: {  	_ =	swait.ge [sflag:s14], $0x7D0  }
0x91: {  	[sflag:s14] =	ssyncset.done $0x0  }
0x92: {  	[sflag:s14] =	ssyncadd.s32 $0xFFFFF830  }
0x93: {  	_ =	swait.ge [sflag:s15], $0x7D0  }
0x94: {  	[sflag:s15] =	ssyncset.done $0x0  }
0x95: {  	[sflag:s15] =	ssyncadd.s32 $0xFFFFF830  }
0x96: {  	_ =	swait.ge [sflag:s16], $0x7D0  }
0x97: {  	[sflag:s16] =	ssyncset.done $0x0  }
0x98: {  	[sflag:s16] =	ssyncadd.s32 $0xFFFFF830  }
0x99: {  	_ =	swait.ge [sflag:s17], $0x7D0  }
0x9a: {  	[sflag:s17] =	ssyncset.done $0x0  }
0x9b: {  	[sflag:s17] =	ssyncadd.s32 $0xFFFFF830  }
0x9c: {  	_ =	swait.ge [sflag:s18], $0x7D0  }
0x9d: {  	[sflag:s18] =	ssyncset.done $0x0  }
0x9e: {  	[sflag:s18] =	ssyncadd.s32 $0xFFFFF830  }
0x9f: {  	_ =	swait.ge [sflag:s19], $0x7D0  }
0xa0: {  	[sflag:s19] =	ssyncset.done $0x0  }
0xa1: {  	[sflag:s19] =	ssyncadd.s32 $0xFFFFF830  }
0xa2: {  	_ =	swait.ge [sflag:s20], $0x7D0  }
0xa3: {  	[sflag:s20] =	ssyncset.done $0x0  }
0xa4: {  	[sflag:s20] =	ssyncadd.s32 $0xFFFFF830  }
0xa5: {  	_ =	swait.ge [sflag:s21], $0x7D0  }
0xa6: {  	[sflag:s21] =	ssyncset.done $0x0  }
0xa7: {  	[sflag:s21] =	ssyncadd.s32 $0xFFFFF830  }
0xa8: {  	_ =	swait.ge [sflag:s22], $0x7D0  }
0xa9: {  	[sflag:s22] =	ssyncset.done $0x0  }
0xaa: {  	[sflag:s22] =	ssyncadd.s32 $0xFFFFF830  }
0xab: {  	_ =	swait.ge [sflag:s23], $0x7D0  }
0xac: {  	[sflag:s23] =	ssyncset.done $0x0  }
0xad: {  	[sflag:s23] =	ssyncadd.s32 $0xFFFFF830  }
0xae: {  	_ =	swait.ge [sflag:s24], $0x7D0  }
0xaf: {  	[sflag:s24] =	ssyncset.done $0x0  }
0xb0: {  	[sflag:s24] =	ssyncadd.s32 $0xFFFFF830  }
0xb1: {  	_ =	swait.ge [sflag:s25], $0x7D0  }
0xb2: {  	[sflag:s25] =	ssyncset.done $0x0  }
0xb3: {  	[sflag:s25] =	ssyncadd.s32 $0xFFFFF830  }
0xb4: {  	_ =	swait.ge [sflag:s26], $0x7D0  }
0xb5: {  	[sflag:s26] =	ssyncset.done $0x0  }
0xb6: {  	[sflag:s26] =	ssyncadd.s32 $0xFFFFF830  }
0xb7: {  	_ =	swait.ge [sflag:s28], $0x7D0  }
0xb8: {  	[sflag:s28] =	ssyncset.done $0x0  }
0xb9: {  	[sflag:s28] =	ssyncadd.s32 $0xFFFFF830  }
.Ltmp0:
0xba: {  	_ =	swait.ge [sflag:s29], $0x7D0;
	(pc) =	sbr.rel @p0 .LBB2_2-.Ltmp0, $4  }
0xbb: {  	[sflag:s29] =	ssyncset.done $0x0  }
0xbc: {  	[sflag:s29] =	ssyncadd.s32 $0xFFFFF830  }
0xbd: {  	_ =	swait.ge [sflag:s30], $0x7D0  }
0xbe: {  	s1 =	smov.u32 s4;
	[sflag:s30] =	ssyncset.done $0x0  }
0xbf: {  	s0 =	sshra.s32 s0, $0x2;
	[sflag:s30] =	ssyncadd.s32 $0xFFFFF830  }
0xc0: {  	[spmem:s3] =	stream.indirect.scatter.add.f32 [tilespmem:s12], [sflag:$0x1], $0x10, s0, s13, $0xb8;
	[tilespmem:$0x57D0] =	vst v63  }
0xc1: {  	s1 =	sadd.s32 $0x80, s0  }
0xc2: {  	[spmem:s3] =	stream.indirect.scatter.add.f32 [tilespmem:s12], [sflag:$0x2], $0x10, s1, s13, $0xb8;
	[tilespmem:$0x57D0] =	vst v63  }
0xc3: {  	s4 =	sadd.s32 $0x100, s0  }
0xc4: {  	[spmem:s3] =	stream.indirect.scatter.add.f32 [tilespmem:s12], [sflag:$0x3], $0x10, s4, s13, $0xb8;
	[tilespmem:$0x57D0] =	vst v63  }
0xc5: {  	s2 =	sadd.s32 $0x180, s0  }
0xc6: {  	[spmem:s3] =	stream.indirect.scatter.add.f32 [tilespmem:s12], [sflag:$0x4], $0x10, s2, s13, $0xb8;
	[tilespmem:$0x57D0] =	vst v63  }
0xc7: {  	s4 =	sadd.s32 $0x200, s0  }
0xc8: {  	[spmem:s3] =	stream.indirect.scatter.add.f32 [tilespmem:s12], [sflag:$0x5], $0x10, s4, s13, $0xb8;
	[tilespmem:$0x57D0] =	vst v63  }
0xc9: {  	s2 =	sadd.s32 $0x280, s0  }
0xca: {  	[spmem:s3] =	stream.indirect.scatter.add.f32 [tilespmem:s12], [sflag:$0x6], $0x10, s2, s13, $0xb8;
	[tilespmem:$0x57D0] =	vst v63  }
0xcb: {  	s4 =	sadd.s32 $0x300, s0  }
0xcc: {  	[spmem:s3] =	stream.indirect.scatter.add.f32 [tilespmem:s12], [sflag:$0x7], $0x10, s4, s13, $0xb8;
	[tilespmem:$0x57D0] =	vst v63  }
0xcd: {  	s2 =	sadd.s32 $0x380, s0  }
0xce: {  	[spmem:s3] =	stream.indirect.scatter.add.f32 [tilespmem:s12], [sflag:$0x8], $0x10, s2, s13, $0xb8;
	[tilespmem:$0x57D0] =	vst v63  }
0xcf: {  	s4 =	sadd.s32 $0x400, s0  }
0xd0: {  	[spmem:s3] =	stream.indirect.scatter.add.f32 [tilespmem:s12], [sflag:$0x9], $0x10, s4, s13, $0xb8;
	[tilespmem:$0x57D0] =	vst v63  }
0xd1: {  	s2 =	sadd.s32 $0x480, s0  }
0xd2: {  	[spmem:s3] =	stream.indirect.scatter.add.f32 [tilespmem:s12], [sflag:$0xA], $0x10, s2, s13, $0xb8;
	[tilespmem:$0x57D0] =	vst v63  }
0xd3: {  	s4 =	sadd.s32 $0x500, s0  }
0xd4: {  	[spmem:s3] =	stream.indirect.scatter.add.f32 [tilespmem:s12], [sflag:$0xB], $0x10, s4, s13, $0xb8;
	[tilespmem:$0x57D0] =	vst v63  }
0xd5: {  	s2 =	sadd.s32 $0x580, s0  }
0xd6: {  	[spmem:s3] =	stream.indirect.scatter.add.f32 [tilespmem:s12], [sflag:$0xC], $0x10, s2, s13, $0xb8;
	[tilespmem:$0x57D0] =	vst v63  }
0xd7: {  	s4 =	sadd.s32 $0x600, s0  }
0xd8: {  	[spmem:s3] =	stream.indirect.scatter.add.f32 [tilespmem:s12], [sflag:$0xD], $0x10, s4, s13, $0xb8;
	[tilespmem:$0x57D0] =	vst v63  }
0xd9: {  	s2 =	sadd.s32 $0x680, s0  }
0xda: {  	[spmem:s3] =	stream.indirect.scatter.add.f32 [tilespmem:s12], [sflag:$0xE], $0x10, s2, s13, $0xb8;
	[tilespmem:$0x57D0] =	vst v63  }
0xdb: {  	s4 =	sadd.s32 $0x700, s0  }
0xdc: {  	[spmem:s3] =	stream.indirect.scatter.add.f32 [tilespmem:s12], [sflag:$0xF], $0x10, s4, s13, $0xb8;
	[tilespmem:$0x57D0] =	vst v63  }
0xdd: {  	s0 =	sadd.s32 $0x780, s0  }
0xde: {  	[spmem:s3] =	stream.indirect.scatter.add.f32 [tilespmem:s12], [sflag:$0x10], $0x10, s0, s13, $0xb8;
	[tilespmem:$0x57D0] =	vst v63  }
0xdf: {  	_ =	swait.ge [sflag:s14], $0x7D0  }
0xe0: {  	[sflag:s14] =	ssyncset.done $0x0  }
0xe1: {  	[sflag:s14] =	ssyncadd.s32 $0xFFFFF830  }
0xe2: {  	_ =	swait.ge [sflag:s15], $0x7D0  }
0xe3: {  	[sflag:s15] =	ssyncset.done $0x0  }
0xe4: {  	[sflag:s15] =	ssyncadd.s32 $0xFFFFF830  }
0xe5: {  	_ =	swait.ge [sflag:s16], $0x7D0  }
0xe6: {  	[sflag:s16] =	ssyncset.done $0x0  }
0xe7: {  	[sflag:s16] =	ssyncadd.s32 $0xFFFFF830  }
0xe8: {  	_ =	swait.ge [sflag:s17], $0x7D0  }
0xe9: {  	[sflag:s17] =	ssyncset.done $0x0  }
0xea: {  	[sflag:s17] =	ssyncadd.s32 $0xFFFFF830  }
0xeb: {  	_ =	swait.ge [sflag:s18], $0x7D0  }
0xec: {  	[sflag:s18] =	ssyncset.done $0x0  }
0xed: {  	[sflag:s18] =	ssyncadd.s32 $0xFFFFF830  }
0xee: {  	_ =	swait.ge [sflag:s19], $0x7D0  }
0xef: {  	[sflag:s19] =	ssyncset.done $0x0  }
0xf0: {  	[sflag:s19] =	ssyncadd.s32 $0xFFFFF830  }
0xf1: {  	_ =	swait.ge [sflag:s20], $0x7D0  }
0xf2: {  	[sflag:s20] =	ssyncset.done $0x0  }
0xf3: {  	[sflag:s20] =	ssyncadd.s32 $0xFFFFF830  }
0xf4: {  	_ =	swait.ge [sflag:s21], $0x7D0  }
0xf5: {  	[sflag:s21] =	ssyncset.done $0x0  }
0xf6: {  	[sflag:s21] =	ssyncadd.s32 $0xFFFFF830  }
0xf7: {  	_ =	swait.ge [sflag:s22], $0x7D0  }
0xf8: {  	[sflag:s22] =	ssyncset.done $0x0  }
0xf9: {  	[sflag:s22] =	ssyncadd.s32 $0xFFFFF830  }
0xfa: {  	_ =	swait.ge [sflag:s23], $0x7D0  }
0xfb: {  	[sflag:s23] =	ssyncset.done $0x0  }
0xfc: {  	[sflag:s23] =	ssyncadd.s32 $0xFFFFF830  }
0xfd: {  	_ =	swait.ge [sflag:s24], $0x7D0  }
0xfe: {  	[sflag:s24] =	ssyncset.done $0x0  }
0xff: {  	[sflag:s24] =	ssyncadd.s32 $0xFFFFF830  }
0x100: {  	_ =	swait.ge [sflag:s25], $0x7D0  }
0x101: {  	[sflag:s25] =	ssyncset.done $0x0  }
0x102: {  	[sflag:s25] =	ssyncadd.s32 $0xFFFFF830  }
0x103: {  	_ =	swait.ge [sflag:s26], $0x7D0  }
0x104: {  	[sflag:s26] =	ssyncset.done $0x0  }
0x105: {  	[sflag:s26] =	ssyncadd.s32 $0xFFFFF830  }
0x106: {  	_ =	swait.ge [sflag:s28], $0x7D0  }
0x107: {  	[sflag:s28] =	ssyncset.done $0x0  }
0x108: {  	[sflag:s28] =	ssyncadd.s32 $0xFFFFF830  }
0x109: {  	_ =	swait.ge [sflag:s29], $0x7D0  }
0x10a: {  	[sflag:s29] =	ssyncset.done $0x0  }
0x10b: {  	[sflag:s29] =	ssyncadd.s32 $0xFFFFF830  }
0x10c: {  	_ =	swait.ge [sflag:s30], $0x7D0  }
0x10d: {  	s31 =	sadd.s32 $0x1, s31;
	[sflag:s30] =	ssyncset.done $0x0  }
0x10e: {  	p0 =	sne.s32 s31, s9;
	[sflag:s30] =	ssyncadd.s32 $0xFFFFF830  }
.Ltmp1:
0x10f: {  	[bflag:$0x0] =	sbarrier.arrive $0xFFFF;
	(pc) =	sbr.rel @p0 .LBB2_1-.Ltmp1, $4  }
0x110: {  	[hbm:s8], [sflag:s6] =	dma.local [spmem:s10], $0x500  }
0x111: {  	_ =	swait.ge [sflag:s11], $0x500  }
0x112: {  	[sflag:s11] =	ssyncset.done $0x0  }
0x113: {  	[sflag:s11] =	ssyncadd.s32 $0xFFFFFB00  }
0x114: {  	_ =	sfence.sel $0x180000  }
0x115: {  	[bflag:$0x0] =	sbarrier.arrive $0xFFFF  }
0x116: {  	_ =	strace $0x90000047  }
0x117: {  	s0 =	stileid.u32;
	[bflag:$0x2] =	sbarrier.arrive $0xFFFF  }
0x118: {  	p0 =	sne.s32 s0, $0x0;
	s0 =	rddreg [dreg:$0x3]  }
0x119: {  	s0 =	sadd.s32 @!p0 $0x100000, s0  }
0x11a: {  	[sflag:s0] =	ssyncadd.tile.s32 @!p0 $0x1;
	_ =	shalt  }
.Lfunc_end2:
_tile_overlayer_lowered:
.L_overlay_start_2:
0x11b: {  	(tag) =	ssettag $0x2  }
0x11c: {  	s0 =	rddreg [dreg:$0x0];
	s2 =	stileid.u32  }
0x11d: {  	s1 =	rddreg [dreg:$0x1];
	p0 =	sne.s32 s2, $0x0  }
0x11e: {  	s3 =	rddreg [dreg:$0x2];
	[bflag:$0x3] =	sbarrier.arrive $0xFFFF;
	s2 =	simm.s32 @!p0 $0x1C11  }
0x11f: {  	[timem:s3], [sflag:s2] =	dma.local @!p0 [hbm:s0], s1  }
0x120: {  	s0 =	simm.s32 @!p0 $0x11  }
0x121: {  	_ =	swait.ge @!p0 [sflag:s0], s1  }
0x122: {  	s1 =	ssub.s32 @!p0 $0x0, s1;
	[sflag:s0] =	ssyncset.done @!p0 $0x0  }
0x123: {  	[sflag:s0] =	ssyncadd.s32 @!p0 s1  }
0x124: {  	[bflag:$0x3] =	sbarrier.arrive $0xFFFF  }
0x125: {  	_ =	shalt  }

</sc_bundles>
